<compile_context>
chip_gen: v7x
topology: tpu7x:2x2x1
jax: 0.10.2.dev20260603
libtpu: 0.0.44.dev20260713+nightly
codegen_flags: <defaults>
</compile_context>

<pallas_src>
import functools

import jax
import jax.numpy as jnp
import numpy as np
from jax import lax
from jax.experimental import pallas as pl
from jax.experimental.pallas import tpu as pltpu
from jax.experimental.pallas import tpu_sc as plsc

_N = 10000
_E = 320000
_D = 128
_HALF = 64
_NT = 16
_CH = 128
_NCHUNK = 160
_NBUF = 4
_EPT = _NCHUNK * _CH
_NPAD = 10240
_ROWS_PER_TILE = _NPAD // _NT
_ACC_ROWS = _NPAD

def _make_spmm_body(nrounds, in_slot):
    def body(h_in_hbm, idx_hbm, dummy_hbm, zeros_hbm, out_hbm,
             src_v, dst_v, b0, b1, b2, b3, acc, g0, g1, g2, g3):
        c = lax.axis_index("c")
        s = lax.axis_index("s")
        row0 = s * _ROWS_PER_TILE
        rows = pl.ds(row0, _ROWS_PER_TILE)
        bufs = (b0, b1, b2, b3)
        gsem = (g0, g1, g2, g3)
        pltpu.sync_copy(idx_hbm.at[0, s], dst_v)
        pltpu.sync_copy(idx_hbm.at[1, s], src_v.at[pl.ds(0, _NCHUNK)])
        pltpu.sync_copy(dummy_hbm.at[s], src_v.at[pl.ds(_NCHUNK, _NBUF)])
        pltpu.sync_copy(zeros_hbm, acc.at[rows])
        plsc.subcore_barrier()

        for r in range(nrounds):
            if r == 0:
                src_hbm_r = (h_in_hbm.at[c] if in_slot is None
                             else h_in_hbm.at[in_slot, c])
            else:
                src_hbm_r = out_hbm.at[r - 1, c]

            def wait_gather(b, src_hbm_r=src_hbm_r):
                pltpu.make_async_copy(
                    src_hbm_r.at[pl.ds(0, _CH)], bufs[b], gsem[b]).wait()

            for b in range(_NBUF):
                pltpu.async_copy(
                    src_hbm_r.at[src_v.at[b]], bufs[b], gsem[b])

            def loop(j, carry, src_hbm_r=src_hbm_r,
                     wait_gather=wait_gather):
                for b in range(_NBUF):
                    t = _NBUF * j + b
                    wait_gather(b)
                    pltpu.sync_copy(bufs[b], acc.at[dst_v.at[t]],
                                    add=True)
                    pltpu.async_copy(
                        src_hbm_r.at[src_v.at[t + _NBUF]], bufs[b],
                        gsem[b])
                return carry

            lax.fori_loop(0, _NCHUNK // _NBUF, loop, jnp.int32(0))
            for b in range(_NBUF):
                wait_gather(b)
            plsc.subcore_barrier()
            pltpu.sync_copy(acc.at[rows], out_hbm.at[r, c, rows])
            if r < nrounds - 1:
                pltpu.sync_copy(zeros_hbm, acc.at[rows])
                plsc.subcore_barrier()

    return body


@functools.cache
def _spmm_kernel(nrounds, in_slot):
    mesh = plsc.VectorSubcoreMesh(
        core_axis_name="c", subcore_axis_name="s",
        num_cores=2, num_subcores=_NT)
    return pl.kernel(
        _make_spmm_body(nrounds, in_slot),
        out_type=jax.ShapeDtypeStruct((nrounds, 2, _NPAD, _HALF),
                                      jnp.float32),
        mesh=mesh,
        scratch_types=[
            pltpu.VMEM((_NCHUNK + _NBUF, _CH), jnp.int32),
            pltpu.VMEM((_NCHUNK, _CH), jnp.int32),
        ] + [pltpu.VMEM((_CH, _HALF), jnp.float32)] * _NBUF
        + [pltpu.VMEM_SHARED((_ACC_ROWS, _HALF), jnp.float32)]
        + [pltpu.SemaphoreType.DMA] * _NBUF,
        compiler_params=pltpu.CompilerParams(
            use_tc_tiling_on_sc=False,
            disable_bounds_checks=True,
        ),
    )


_BLK = 1000


def _dense1_body(x_ref, hs_ref, wa_ref, wb_ref, out_ref):
    x = x_ref[...]
    acc_a = jnp.dot(x, wa_ref[0] + wa_ref[1] + wa_ref[2],
                    preferred_element_type=jnp.float32)
    acc_b = jnp.dot(x, wb_ref[0] + wb_ref[1] + wb_ref[2],
                    preferred_element_type=jnp.float32)
    for r in range(2):
        for c in range(2):
            h = hs_ref[r, c]
            acc_a += jnp.dot(h, wa_ref[3 + r, c * _HALF:(c + 1) * _HALF, :],
                             preferred_element_type=jnp.float32)
            acc_b += jnp.dot(h, wb_ref[3 + r, c * _HALF:(c + 1) * _HALF, :],
                             preferred_element_type=jnp.float32)
    out_ref[:, :_D] = acc_a
    out_ref[:, _D:] = acc_b


_dense1_call = pl.pallas_call(
    _dense1_body,
    grid=(_N // _BLK,),
    in_specs=[
        pl.BlockSpec((_BLK, _D), lambda i: (i, 0)),
        pl.BlockSpec((3, 2, _BLK, _HALF), lambda i: (0, 0, i, 0)),
        pl.BlockSpec((6, _D, _D), lambda i: (0, 0, 0)),
        pl.BlockSpec((6, _D, _D), lambda i: (0, 0, 0)),
    ],
    out_specs=pl.BlockSpec((_BLK, 2 * _D), lambda i: (i, 0)),
    out_shape=jax.ShapeDtypeStruct((_N, 2 * _D), jnp.float32),
)


def _dense2_body(part_ref, h4_ref, wa_ref, wb_ref,
                 ag_ref, ab_ref, am_ref, av_ref,
                 bg_ref, bb_ref, bm_ref, bv_ref, out_ref):
    acc_a = part_ref[:, :_D]
    acc_b = part_ref[:, _D:]
    for c in range(2):
        h = h4_ref[0, c]
        acc_a += jnp.dot(h, wa_ref[5, c * _HALF:(c + 1) * _HALF, :],
                         preferred_element_type=jnp.float32)
        acc_b += jnp.dot(h, wb_ref[5, c * _HALF:(c + 1) * _HALF, :],
                         preferred_element_type=jnp.float32)
    alpha = jnp.maximum(acc_a, 0.0)
    alpha = ((alpha - am_ref[...]) / jnp.sqrt(av_ref[...] + 1e-3)
             * ag_ref[...] + ab_ref[...])
    beta = ((acc_b - bm_ref[...]) / jnp.sqrt(bv_ref[...] + 1e-3)
            * bg_ref[...] + bb_ref[...])
    out_ref[:, :_D] = alpha
    out_ref[:, _D:] = beta


_dense2_call = pl.pallas_call(
    _dense2_body,
    grid=(_N // _BLK,),
    in_specs=[
        pl.BlockSpec((_BLK, 2 * _D), lambda i: (i, 0)),
        pl.BlockSpec((1, 2, _BLK, _HALF), lambda i: (0, 0, i, 0)),
        pl.BlockSpec((6, _D, _D), lambda i: (0, 0, 0)),
        pl.BlockSpec((6, _D, _D), lambda i: (0, 0, 0)),
    ] + [pl.BlockSpec((1, _D), lambda i: (0, 0))] * 8,
    out_specs=pl.BlockSpec((_BLK, 2 * _D), lambda i: (i, 0)),
    out_shape=jax.ShapeDtypeStruct((_N, 2 * _D), jnp.float32),
)


def kernel(x, edge_index, Wa, Wb,
           bn_a_gamma, bn_a_beta, bn_a_mean, bn_a_var,
           bn_b_gamma, bn_b_beta, bn_b_mean, bn_b_var):
    pad = _NT * _EPT - _E
    pads = np.stack([_N + np.arange(pad, dtype=np.int32) % 16,
                     np.arange(pad, dtype=np.int32) % _N])
    ei_p = jnp.concatenate([edge_index, jnp.asarray(pads)], axis=1
                           ).reshape(2, _NT, _NCHUNK, _CH)
    dummy = jnp.asarray(
        (np.arange(_NT * _NBUF * _CH, dtype=np.int32) % _N
         ).reshape(_NT, _NBUF, _CH))
    xcols = x.reshape(_N, 2, _HALF).transpose(1, 0, 2)
    zeros = jnp.zeros((_ROWS_PER_TILE, _HALF), jnp.float32)

    hA = _spmm_kernel(3, None)(xcols, ei_p, dummy, zeros)
    h4 = _spmm_kernel(1, 2)(hA, ei_p, dummy, zeros)
    part = _dense1_call(x, hA, Wa, Wb)

    bn2 = [b.reshape(1, _D) for b in (
        bn_a_gamma, bn_a_beta, bn_a_mean, bn_a_var,
        bn_b_gamma, bn_b_beta, bn_b_mean, bn_b_var)]
    return _dense2_call(part, h4, Wa, Wb, *bn2)

# --- scband reference (transcript-rebuilt; emitter-appended) ---
"""Pipeline reference for scband-gnnmodule-51075751084149 (READ-ONLY COPY).

The authoritative reference and input builder live on the scoring server;
editing this copy changes nothing except your own understanding.
"""

import jax, jax.numpy as jnp
import numpy as np

N = 10000
E = 320000
D_IN = 128
D_OUT = 128
RADIUS = 3
EPS = 1e-3  # keras BatchNormalization default epsilon
N_LIN = 3 + RADIUS


def setup_inputs(seed: int = 0) -> dict:
    key = jax.random.key(seed)
    ks = jax.random.split(key, 8)
    x = jax.random.normal(ks[0], (N, D_IN), dtype=jnp.float32)
    # edge_index: row 0 = dst (output row of spmm), row 1 = src (gathered column)
    edge_index = jax.random.randint(ks[1], (2, E), 0, N, dtype=jnp.int32)
    scale = 1.0 / np.sqrt(D_IN)
    # stacked weights for alpha1..alpha3, alpha4..alpha{3+radius} (bias-free Dense)
    Wa = jax.random.normal(ks[2], (N_LIN, D_IN, D_OUT), dtype=jnp.float32) * scale
    # stacked weights for beta1..beta3, beta4..beta{3+radius}
    Wb = jax.random.normal(ks[3], (N_LIN, D_IN, D_OUT), dtype=jnp.float32) * scale
    # BatchNorm (inference-mode) parameters, keras init values
    bn_a_gamma = jnp.ones((D_OUT,), dtype=jnp.float32)
    bn_a_beta = jnp.zeros((D_OUT,), dtype=jnp.float32)
    bn_a_mean = jnp.zeros((D_OUT,), dtype=jnp.float32)
    bn_a_var = jnp.ones((D_OUT,), dtype=jnp.float32)
    bn_b_gamma = jnp.ones((D_OUT,), dtype=jnp.float32)
    bn_b_beta = jnp.zeros((D_OUT,), dtype=jnp.float32)
    bn_b_mean = jnp.zeros((D_OUT,), dtype=jnp.float32)
    bn_b_var = jnp.ones((D_OUT,), dtype=jnp.float32)
    return {
        "x": x,
        "edge_index": edge_index,
        "Wa": Wa,
        "Wb": Wb,
        "bn_a_gamma": bn_a_gamma,
        "bn_a_beta": bn_a_beta,
        "bn_a_mean": bn_a_mean,
        "bn_a_var": bn_a_var,
        "bn_b_gamma": bn_b_gamma,
        "bn_b_beta": bn_b_beta,
        "bn_b_mean": bn_b_mean,
        "bn_b_var": bn_b_var,
    }


def reference(x, edge_index, Wa, Wb,
              bn_a_gamma, bn_a_beta, bn_a_mean, bn_a_var,
              bn_b_gamma, bn_b_beta, bn_b_mean, bn_b_var):
    dst = edge_index[0]
    src = edge_index[1]

    def spmm(h):
        # tf.sparse_tensor_dense_matmul(adj, h): out[i] = sum_{j: (i,j) in adj} h[j]
        return jax.ops.segment_sum(jnp.take(h, src, axis=0), dst, num_segments=N)

    # adj[0] = A x; adj[k] = A^(2^(k-1)) adj[k-1]  (powers 1, 2, 4, ...)
    adjs = [spmm(x)]
    for i in range(RADIUS - 1):
        a = adjs[-1]
        for _ in range(2 ** i):
            a = spmm(a)
        adjs.append(a)

    # alpha branch: 3 projections of x + one projection per adj power, relu, then BN
    alpha = x @ Wa[0] + x @ Wa[1] + x @ Wa[2]
    for i in range(RADIUS):
        alpha = alpha + adjs[i] @ Wa[3 + i]
    alpha = jax.nn.relu(alpha)
    alpha = (alpha - bn_a_mean) / jnp.sqrt(bn_a_var + EPS) * bn_a_gamma + bn_a_beta

    # beta branch: same structure, no activation before BN
    beta = x @ Wb[0] + x @ Wb[1] + x @ Wb[2]
    for i in range(RADIUS):
        beta = beta + adjs[i] @ Wb[3 + i]
    beta = (beta - bn_b_mean) / jnp.sqrt(bn_b_var + EPS) * bn_b_gamma + bn_b_beta

    return jnp.concatenate([alpha, beta], axis=1)

if __name__ == "__main__":
    import jax
    _d = setup_inputs()
    print(jax.jit(kernel)(*tuple(_d.values())))

</pallas_src>

<mosaic_0001>
#map = affine_map<(d0, d1) -> (0, 0, 0)>
#map1 = affine_map<(d0, d1) -> (0, 0, 0, 0)>
#map2 = affine_map<(d0, d1) -> (0, 0)>
module attributes {stable_mosaic.version = 14 : i64} {
  func.func @body(%arg0: i32, %arg1: i32, %arg2: memref<2x10000x64xf32, #tpu.memory_space<hbm>>, %arg3: memref<2x16x160x128xi32, #tpu.memory_space<hbm>>, %arg4: memref<16x4x128xi32, #tpu.memory_space<hbm>>, %arg5: memref<640x64xf32, #tpu.memory_space<hbm>>, %arg6: memref<3x2x10240x64xf32, #tpu.memory_space<hbm>>, %arg7: memref<164x128xi32, #tpu.memory_space<vmem>>, %arg8: memref<160x128xi32, #tpu.memory_space<vmem>>, %arg9: memref<128x64xf32, #tpu.memory_space<vmem>>, %arg10: memref<128x64xf32, #tpu.memory_space<vmem>>, %arg11: memref<128x64xf32, #tpu.memory_space<vmem>>, %arg12: memref<128x64xf32, #tpu.memory_space<vmem>>, %arg13: memref<10240x64xf32, #tpu.memory_space<vmem_shared>>, %arg14: memref<!tpu.dma_semaphore, #tpu.memory_space<semaphore_mem>>, %arg15: memref<!tpu.dma_semaphore, #tpu.memory_space<semaphore_mem>>, %arg16: memref<!tpu.dma_semaphore, #tpu.memory_space<semaphore_mem>>, %arg17: memref<!tpu.dma_semaphore, #tpu.memory_space<semaphore_mem>>) attributes {dimension_semantics = [#tpu.dimension_semantics<core_parallel>, #tpu.dimension_semantics<subcore_parallel>], iteration_bounds = array<i64: 2, 16>, scalar_prefetch = 0 : i64, scratch_operands = 11 : i64, tpu.core_type = #tpu.core_type<sc_vector_subcore>, window_params = [{transform_indices = #map}, {transform_indices = #map1}, {transform_indices = #map}, {transform_indices = #map2}, {transform_indices = #map1}]} {
    %mul3A = arith.constant 640 : i32
    %mul3A_0 = arith.muli %arg1, %mul3A : i32
    %run_scoped3A = arith.constant 0 : i32
    "tpu.region"() ({
      %run_scoped3A_343 = tpu.sem_alloc : memref<!tpu.dma_semaphore, #tpu.memory_space<semaphore_mem>>
      %dma_start3A_344 = arith.constant 0 : i32
      %dma_start3A_345 = arith.constant 0 : i32
      %dma_start3A_346 = tpu.memref_slice %arg3[%run_scoped3A, %arg1, %dma_start3A_344, %dma_start3A_345] : memref<2x16x160x128xi32, #tpu.memory_space<hbm>> -> memref<1x1x160x128xi32, #tpu.memory_space<hbm>>
      %dma_start3A_347 = tpu.memref_squeeze %dma_start3A_346 : memref<1x1x160x128xi32, #tpu.memory_space<hbm>> -> memref<160x128xi32, #tpu.memory_space<hbm>>
      %dma_start3A_348 = arith.constant 0 : i32
      %dma_start3A_349 = arith.constant 0 : i32
      %dma_start3A_350 = tpu.memref_slice %arg3[%run_scoped3A, %arg1, %dma_start3A_348, %dma_start3A_349] : memref<2x16x160x128xi32, #tpu.memory_space<hbm>> -> memref<1x1x160x128xi32, #tpu.memory_space<hbm>>
      %dma_start3A_351 = tpu.memref_squeeze %dma_start3A_350 : memref<1x1x160x128xi32, #tpu.memory_space<hbm>> -> memref<160x128xi32, #tpu.memory_space<hbm>>
      tpu.enqueue_dma source(%dma_start3A_351 : memref<160x128xi32, #tpu.memory_space<hbm>>) target(%arg8 : memref<160x128xi32, #tpu.memory_space<vmem>>) target_semaphore(%run_scoped3A_343 : memref<!tpu.dma_semaphore, #tpu.memory_space<semaphore_mem>>)
      %dma_wait3A_352 = arith.constant 0 : i32
      %dma_wait3A_353 = arith.constant 0 : i32
      %dma_wait3A_354 = tpu.memref_slice %arg3[%run_scoped3A, %arg1, %dma_wait3A_352, %dma_wait3A_353] : memref<2x16x160x128xi32, #tpu.memory_space<hbm>> -> memref<1x1x160x128xi32, #tpu.memory_space<hbm>>
      %dma_wait3A_355 = tpu.memref_squeeze %dma_wait3A_354 : memref<1x1x160x128xi32, #tpu.memory_space<hbm>> -> memref<160x128xi32, #tpu.memory_space<hbm>>
      %dma_wait3A_356 = arith.constant 0 : i32
      %dma_wait3A_357 = arith.constant 0 : i32
      %dma_wait3A_358 = tpu.memref_slice %arg3[%run_scoped3A, %arg1, %dma_wait3A_356, %dma_wait3A_357] : memref<2x16x160x128xi32, #tpu.memory_space<hbm>> -> memref<1x1x160x128xi32, #tpu.memory_space<hbm>>
      %dma_wait3A_359 = tpu.memref_squeeze %dma_wait3A_358 : memref<1x1x160x128xi32, #tpu.memory_space<hbm>> -> memref<160x128xi32, #tpu.memory_space<hbm>>
      tpu.wait_dma2 semaphore(%run_scoped3A_343 : memref<!tpu.dma_semaphore, #tpu.memory_space<semaphore_mem>>) src(%dma_wait3A_359 : memref<160x128xi32, #tpu.memory_space<hbm>>) dst(%arg8 : memref<160x128xi32, #tpu.memory_space<vmem>>)
      tpu.yield
    }) : () -> ()
    %run_scoped3A_1 = arith.constant 1 : i32
    "tpu.region"() ({
      %run_scoped3A_343 = tpu.sem_alloc : memref<!tpu.dma_semaphore, #tpu.memory_space<semaphore_mem>>
      %dma_start3A_344 = arith.constant 0 : i32
      %dma_start3A_345 = arith.constant 0 : i32
      %dma_start3A_346 = tpu.memref_slice %arg7[%dma_start3A_344, %dma_start3A_345] : memref<164x128xi32, #tpu.memory_space<vmem>> -> memref<160x128xi32, #tpu.memory_space<vmem>>
      %dma_start3A_347 = arith.constant 0 : i32
      %dma_start3A_348 = arith.constant 0 : i32
      %dma_start3A_349 = tpu.memref_slice %arg3[%run_scoped3A_1, %arg1, %dma_start3A_347, %dma_start3A_348] : memref<2x16x160x128xi32, #tpu.memory_space<hbm>> -> memref<1x1x160x128xi32, #tpu.memory_space<hbm>>
      %dma_start3A_350 = tpu.memref_squeeze %dma_start3A_349 : memref<1x1x160x128xi32, #tpu.memory_space<hbm>> -> memref<160x128xi32, #tpu.memory_space<hbm>>
      %dma_start3A_351 = arith.constant 0 : i32
      %dma_start3A_352 = arith.constant 0 : i32
      %dma_start3A_353 = tpu.memref_slice %arg7[%dma_start3A_351, %dma_start3A_352] : memref<164x128xi32, #tpu.memory_space<vmem>> -> memref<160x128xi32, #tpu.memory_space<vmem>>
      %dma_start3A_354 = arith.constant 0 : i32
      %dma_start3A_355 = arith.constant 0 : i32
      %dma_start3A_356 = tpu.memref_slice %arg3[%run_scoped3A_1, %arg1, %dma_start3A_354, %dma_start3A_355] : memref<2x16x160x128xi32, #tpu.memory_space<hbm>> -> memref<1x1x160x128xi32, #tpu.memory_space<hbm>>
      %dma_start3A_357 = tpu.memref_squeeze %dma_start3A_356 : memref<1x1x160x128xi32, #tpu.memory_space<hbm>> -> memref<160x128xi32, #tpu.memory_space<hbm>>
      tpu.enqueue_dma source(%dma_start3A_357 : memref<160x128xi32, #tpu.memory_space<hbm>>) target(%dma_start3A_353 : memref<160x128xi32, #tpu.memory_space<vmem>>) target_semaphore(%run_scoped3A_343 : memref<!tpu.dma_semaphore, #tpu.memory_space<semaphore_mem>>)
      %dma_wait3A_358 = arith.constant 0 : i32
      %dma_wait3A_359 = arith.constant 0 : i32
      %dma_wait3A_360 = tpu.memref_slice %arg7[%dma_wait3A_358, %dma_wait3A_359] : memref<164x128xi32, #tpu.memory_space<vmem>> -> memref<160x128xi32, #tpu.memory_space<vmem>>
      %dma_wait3A_361 = arith.constant 0 : i32
      %dma_wait3A_362 = arith.constant 0 : i32
      %dma_wait3A_363 = tpu.memref_slice %arg3[%run_scoped3A_1, %arg1, %dma_wait3A_361, %dma_wait3A_362] : memref<2x16x160x128xi32, #tpu.memory_space<hbm>> -> memref<1x1x160x128xi32, #tpu.memory_space<hbm>>
      %dma_wait3A_364 = tpu.memref_squeeze %dma_wait3A_363 : memref<1x1x160x128xi32, #tpu.memory_space<hbm>> -> memref<160x128xi32, #tpu.memory_space<hbm>>
      %dma_wait3A_365 = arith.constant 0 : i32
      %dma_wait3A_366 = arith.constant 0 : i32
      %dma_wait3A_367 = tpu.memref_slice %arg7[%dma_wait3A_365, %dma_wait3A_366] : memref<164x128xi32, #tpu.memory_space<vmem>> -> memref<160x128xi32, #tpu.memory_space<vmem>>
      %dma_wait3A_368 = arith.constant 0 : i32
      %dma_wait3A_369 = arith.constant 0 : i32
      %dma_wait3A_370 = tpu.memref_slice %arg3[%run_scoped3A_1, %arg1, %dma_wait3A_368, %dma_wait3A_369] : memref<2x16x160x128xi32, #tpu.memory_space<hbm>> -> memref<1x1x160x128xi32, #tpu.memory_space<hbm>>
      %dma_wait3A_371 = tpu.memref_squeeze %dma_wait3A_370 : memref<1x1x160x128xi32, #tpu.memory_space<hbm>> -> memref<160x128xi32, #tpu.memory_space<hbm>>
      tpu.wait_dma2 semaphore(%run_scoped3A_343 : memref<!tpu.dma_semaphore, #tpu.memory_space<semaphore_mem>>) src(%dma_wait3A_371 : memref<160x128xi32, #tpu.memory_space<hbm>>) dst(%dma_wait3A_367 : memref<160x128xi32, #tpu.memory_space<vmem>>)
      tpu.yield
    }) : () -> ()
    "tpu.region"() ({
      %run_scoped3A_343 = tpu.sem_alloc : memref<!tpu.dma_semaphore, #tpu.memory_space<semaphore_mem>>
      %dma_start3A_344 = arith.constant 160 : i32
      %dma_start3A_345 = arith.constant 0 : i32
      %dma_start3A_346 = tpu.memref_slice %arg7[%dma_start3A_344, %dma_start3A_345] : memref<164x128xi32, #tpu.memory_space<vmem>> -> memref<4x128xi32, #tpu.memory_space<vmem>>
      %dma_start3A_347 = arith.constant 0 : i32
      %dma_start3A_348 = arith.constant 0 : i32
      %dma_start3A_349 = tpu.memref_slice %arg4[%arg1, %dma_start3A_347, %dma_start3A_348] : memref<16x4x128xi32, #tpu.memory_space<hbm>> -> memref<1x4x128xi32, #tpu.memory_space<hbm>>
      %dma_start3A_350 = tpu.memref_squeeze %dma_start3A_349 : memref<1x4x128xi32, #tpu.memory_space<hbm>> -> memref<4x128xi32, #tpu.memory_space<hbm>>
      %dma_start3A_351 = arith.constant 160 : i32
      %dma_start3A_352 = arith.constant 0 : i32
      %dma_start3A_353 = tpu.memref_slice %arg7[%dma_start3A_351, %dma_start3A_352] : memref<164x128xi32, #tpu.memory_space<vmem>> -> memref<4x128xi32, #tpu.memory_space<vmem>>
      %dma_start3A_354 = arith.constant 0 : i32
      %dma_start3A_355 = arith.constant 0 : i32
      %dma_start3A_356 = tpu.memref_slice %arg4[%arg1, %dma_start3A_354, %dma_start3A_355] : memref<16x4x128xi32, #tpu.memory_space<hbm>> -> memref<1x4x128xi32, #tpu.memory_space<hbm>>
      %dma_start3A_357 = tpu.memref_squeeze %dma_start3A_356 : memref<1x4x128xi32, #tpu.memory_space<hbm>> -> memref<4x128xi32, #tpu.memory_space<hbm>>
      tpu.enqueue_dma source(%dma_start3A_357 : memref<4x128xi32, #tpu.memory_space<hbm>>) target(%dma_start3A_353 : memref<4x128xi32, #tpu.memory_space<vmem>>) target_semaphore(%run_scoped3A_343 : memref<!tpu.dma_semaphore, #tpu.memory_space<semaphore_mem>>)
      %dma_wait3A_358 = arith.constant 160 : i32
      %dma_wait3A_359 = arith.constant 0 : i32
      %dma_wait3A_360 = tpu.memref_slice %arg7[%dma_wait3A_358, %dma_wait3A_359] : memref<164x128xi32, #tpu.memory_space<vmem>> -> memref<4x128xi32, #tpu.memory_space<vmem>>
      %dma_wait3A_361 = arith.constant 0 : i32
      %dma_wait3A_362 = arith.constant 0 : i32
      %dma_wait3A_363 = tpu.memref_slice %arg4[%arg1, %dma_wait3A_361, %dma_wait3A_362] : memref<16x4x128xi32, #tpu.memory_space<hbm>> -> memref<1x4x128xi32, #tpu.memory_space<hbm>>
      %dma_wait3A_364 = tpu.memref_squeeze %dma_wait3A_363 : memref<1x4x128xi32, #tpu.memory_space<hbm>> -> memref<4x128xi32, #tpu.memory_space<hbm>>
      %dma_wait3A_365 = arith.constant 160 : i32
      %dma_wait3A_366 = arith.constant 0 : i32
      %dma_wait3A_367 = tpu.memref_slice %arg7[%dma_wait3A_365, %dma_wait3A_366] : memref<164x128xi32, #tpu.memory_space<vmem>> -> memref<4x128xi32, #tpu.memory_space<vmem>>
      %dma_wait3A_368 = arith.constant 0 : i32
      %dma_wait3A_369 = arith.constant 0 : i32
      %dma_wait3A_370 = tpu.memref_slice %arg4[%arg1, %dma_wait3A_368, %dma_wait3A_369] : memref<16x4x128xi32, #tpu.memory_space<hbm>> -> memref<1x4x128xi32, #tpu.memory_space<hbm>>
      %dma_wait3A_371 = tpu.memref_squeeze %dma_wait3A_370 : memref<1x4x128xi32, #tpu.memory_space<hbm>> -> memref<4x128xi32, #tpu.memory_space<hbm>>
      tpu.wait_dma2 semaphore(%run_scoped3A_343 : memref<!tpu.dma_semaphore, #tpu.memory_space<semaphore_mem>>) src(%dma_wait3A_371 : memref<4x128xi32, #tpu.memory_space<hbm>>) dst(%dma_wait3A_367 : memref<4x128xi32, #tpu.memory_space<vmem>>)
      tpu.yield
    }) : () -> ()
    "tpu.region"() ({
      %run_scoped3A_343 = tpu.sem_alloc : memref<!tpu.dma_semaphore, #tpu.memory_space<semaphore_mem>>
      %dma_start3A_344 = arith.constant 0 : i32
      %dma_start3A_345 = tpu.memref_slice %arg13[%mul3A_0, %dma_start3A_344] : memref<10240x64xf32, #tpu.memory_space<vmem_shared>> -> memref<640x64xf32, #tpu.memory_space<vmem_shared>>
      tpu.enqueue_dma source(%arg5 : memref<640x64xf32, #tpu.memory_space<hbm>>) target(%dma_start3A_345 : memref<640x64xf32, #tpu.memory_space<vmem_shared>>) target_semaphore(%run_scoped3A_343 : memref<!tpu.dma_semaphore, #tpu.memory_space<semaphore_mem>>)
      %dma_wait3A_346 = arith.constant 0 : i32
      %dma_wait3A_347 = tpu.memref_slice %arg13[%mul3A_0, %dma_wait3A_346] : memref<10240x64xf32, #tpu.memory_space<vmem_shared>> -> memref<640x64xf32, #tpu.memory_space<vmem_shared>>
      tpu.wait_dma2 semaphore(%run_scoped3A_343 : memref<!tpu.dma_semaphore, #tpu.memory_space<semaphore_mem>>) src(%arg5 : memref<640x64xf32, #tpu.memory_space<hbm>>) dst(%dma_wait3A_347 : memref<640x64xf32, #tpu.memory_space<vmem_shared>>)
      tpu.yield
    }) : () -> ()
    %barrier3A = arith.constant 0 : index
    tpu.barrier barrier_id(%barrier3A)
    %dma_start3A = arith.constant 0 : i32
    %dma_start3A_2 = arith.constant 0 : i32
    %dma_start3A_3 = tpu.memref_slice %arg7[%dma_start3A, %dma_start3A_2] : memref<164x128xi32, #tpu.memory_space<vmem>> -> memref<1x128xi32, #tpu.memory_space<vmem>>
    %dma_start3A_4 = tpu.memref_squeeze %dma_start3A_3 : memref<1x128xi32, #tpu.memory_space<vmem>> -> memref<128xi32, #tpu.memory_space<vmem>>
    %dma_start3A_5 = arith.constant 0 : i32
    %dma_start3A_6 = arith.constant 0 : i32
    %dma_start3A_7 = tpu.memref_slice %arg2[%arg0, %dma_start3A_5, %dma_start3A_6] : memref<2x10000x64xf32, #tpu.memory_space<hbm>> -> memref<1x10000x64xf32, #tpu.memory_space<hbm>>
    %dma_start3A_8 = tpu.memref_squeeze %dma_start3A_7 : memref<1x10000x64xf32, #tpu.memory_space<hbm>> -> memref<10000x64xf32, #tpu.memory_space<hbm>>
    %dma_start3A_9 = arith.constant 0 : i32
    %dma_start3A_10 = arith.constant 0 : i32
    %dma_start3A_11 = tpu.memref_slice %dma_start3A_8[%dma_start3A_9, %dma_start3A_10] : memref<10000x64xf32, #tpu.memory_space<hbm>> -> memref<10000x64xf32, #tpu.memory_space<hbm>>
    tpu.enqueue_indirect_dma source(%dma_start3A_11 : memref<10000x64xf32, #tpu.memory_space<hbm>>) target(%arg9 : memref<128x64xf32, #tpu.memory_space<vmem>>) offsets(%dma_start3A_4 : memref<128xi32, #tpu.memory_space<vmem>>) semaphore(%arg14 : memref<!tpu.dma_semaphore, #tpu.memory_space<semaphore_mem>>)
    %dma_start3A_12 = arith.constant 1 : i32
    %dma_start3A_13 = arith.constant 0 : i32
    %dma_start3A_14 = tpu.memref_slice %arg7[%dma_start3A_12, %dma_start3A_13] : memref<164x128xi32, #tpu.memory_space<vmem>> -> memref<1x128xi32, #tpu.memory_space<vmem>>
    %dma_start3A_15 = tpu.memref_squeeze %dma_start3A_14 : memref<1x128xi32, #tpu.memory_space<vmem>> -> memref<128xi32, #tpu.memory_space<vmem>>
    %dma_start3A_16 = arith.constant 0 : i32
    %dma_start3A_17 = arith.constant 0 : i32
    %dma_start3A_18 = tpu.memref_slice %arg2[%arg0, %dma_start3A_16, %dma_start3A_17] : memref<2x10000x64xf32, #tpu.memory_space<hbm>> -> memref<1x10000x64xf32, #tpu.memory_space<hbm>>
    %dma_start3A_19 = tpu.memref_squeeze %dma_start3A_18 : memref<1x10000x64xf32, #tpu.memory_space<hbm>> -> memref<10000x64xf32, #tpu.memory_space<hbm>>
    %dma_start3A_20 = arith.constant 0 : i32
    %dma_start3A_21 = arith.constant 0 : i32
    %dma_start3A_22 = tpu.memref_slice %dma_start3A_19[%dma_start3A_20, %dma_start3A_21] : memref<10000x64xf32, #tpu.memory_space<hbm>> -> memref<10000x64xf32, #tpu.memory_space<hbm>>
    tpu.enqueue_indirect_dma source(%dma_start3A_22 : memref<10000x64xf32, #tpu.memory_space<hbm>>) target(%arg10 : memref<128x64xf32, #tpu.memory_space<vmem>>) offsets(%dma_start3A_15 : memref<128xi32, #tpu.memory_space<vmem>>) semaphore(%arg15 : memref<!tpu.dma_semaphore, #tpu.memory_space<semaphore_mem>>)
    %dma_start3A_23 = arith.constant 2 : i32
    %dma_start3A_24 = arith.constant 0 : i32
    %dma_start3A_25 = tpu.memref_slice %arg7[%dma_start3A_23, %dma_start3A_24] : memref<164x128xi32, #tpu.memory_space<vmem>> -> memref<1x128xi32, #tpu.memory_space<vmem>>
    %dma_start3A_26 = tpu.memref_squeeze %dma_start3A_25 : memref<1x128xi32, #tpu.memory_space<vmem>> -> memref<128xi32, #tpu.memory_space<vmem>>
    %dma_start3A_27 = arith.constant 0 : i32
    %dma_start3A_28 = arith.constant 0 : i32
    %dma_start3A_29 = tpu.memref_slice %arg2[%arg0, %dma_start3A_27, %dma_start3A_28] : memref<2x10000x64xf32, #tpu.memory_space<hbm>> -> memref<1x10000x64xf32, #tpu.memory_space<hbm>>
    %dma_start3A_30 = tpu.memref_squeeze %dma_start3A_29 : memref<1x10000x64xf32, #tpu.memory_space<hbm>> -> memref<10000x64xf32, #tpu.memory_space<hbm>>
    %dma_start3A_31 = arith.constant 0 : i32
    %dma_start3A_32 = arith.constant 0 : i32
    %dma_start3A_33 = tpu.memref_slice %dma_start3A_30[%dma_start3A_31, %dma_start3A_32] : memref<10000x64xf32, #tpu.memory_space<hbm>> -> memref<10000x64xf32, #tpu.memory_space<hbm>>
    tpu.enqueue_indirect_dma source(%dma_start3A_33 : memref<10000x64xf32, #tpu.memory_space<hbm>>) target(%arg11 : memref<128x64xf32, #tpu.memory_space<vmem>>) offsets(%dma_start3A_26 : memref<128xi32, #tpu.memory_space<vmem>>) semaphore(%arg16 : memref<!tpu.dma_semaphore, #tpu.memory_space<semaphore_mem>>)
    %dma_start3A_34 = arith.constant 3 : i32
    %dma_start3A_35 = arith.constant 0 : i32
    %dma_start3A_36 = tpu.memref_slice %arg7[%dma_start3A_34, %dma_start3A_35] : memref<164x128xi32, #tpu.memory_space<vmem>> -> memref<1x128xi32, #tpu.memory_space<vmem>>
    %dma_start3A_37 = tpu.memref_squeeze %dma_start3A_36 : memref<1x128xi32, #tpu.memory_space<vmem>> -> memref<128xi32, #tpu.memory_space<vmem>>
    %dma_start3A_38 = arith.constant 0 : i32
    %dma_start3A_39 = arith.constant 0 : i32
    %dma_start3A_40 = tpu.memref_slice %arg2[%arg0, %dma_start3A_38, %dma_start3A_39] : memref<2x10000x64xf32, #tpu.memory_space<hbm>> -> memref<1x10000x64xf32, #tpu.memory_space<hbm>>
    %dma_start3A_41 = tpu.memref_squeeze %dma_start3A_40 : memref<1x10000x64xf32, #tpu.memory_space<hbm>> -> memref<10000x64xf32, #tpu.memory_space<hbm>>
    %dma_start3A_42 = arith.constant 0 : i32
    %dma_start3A_43 = arith.constant 0 : i32
    %dma_start3A_44 = tpu.memref_slice %dma_start3A_41[%dma_start3A_42, %dma_start3A_43] : memref<10000x64xf32, #tpu.memory_space<hbm>> -> memref<10000x64xf32, #tpu.memory_space<hbm>>
    tpu.enqueue_indirect_dma source(%dma_start3A_44 : memref<10000x64xf32, #tpu.memory_space<hbm>>) target(%arg12 : memref<128x64xf32, #tpu.memory_space<vmem>>) offsets(%dma_start3A_37 : memref<128xi32, #tpu.memory_space<vmem>>) semaphore(%arg17 : memref<!tpu.dma_semaphore, #tpu.memory_space<semaphore_mem>>)
    %scan3A = arith.constant 0 : i32
    %scan3A_45 = arith.constant 0 : i32
    %scan3A_46 = arith.constant 40 : i32
    %scan3A_47 = arith.addi %scan3A_45, %scan3A_46 : i32
    %scan3A_48 = arith.constant 1 : i32
    scf.for %scan3A_343 = %scan3A_45 to %scan3A_47 step %scan3A_48  : i32 {
      %mul3A_344 = arith.constant 4 : i32
      %mul3A_345 = arith.muli %mul3A_344, %scan3A_343 : i32
      %add3A = arith.constant 0 : i32
      %add3A_346 = arith.addi %mul3A_345, %add3A : i32
      %dma_wait3A_347 = arith.constant 0 : i32
      %dma_wait3A_348 = arith.constant 0 : i32
      %dma_wait3A_349 = tpu.memref_slice %arg2[%arg0, %dma_wait3A_347, %dma_wait3A_348] : memref<2x10000x64xf32, #tpu.memory_space<hbm>> -> memref<1x10000x64xf32, #tpu.memory_space<hbm>>
      %dma_wait3A_350 = tpu.memref_squeeze %dma_wait3A_349 : memref<1x10000x64xf32, #tpu.memory_space<hbm>> -> memref<10000x64xf32, #tpu.memory_space<hbm>>
      %dma_wait3A_351 = arith.constant 0 : i32
      %dma_wait3A_352 = arith.constant 0 : i32
      %dma_wait3A_353 = tpu.memref_slice %dma_wait3A_350[%dma_wait3A_351, %dma_wait3A_352] : memref<10000x64xf32, #tpu.memory_space<hbm>> -> memref<128x64xf32, #tpu.memory_space<hbm>>
      %dma_wait3A_354 = arith.constant 0 : i32
      %dma_wait3A_355 = arith.constant 0 : i32
      %dma_wait3A_356 = tpu.memref_slice %arg2[%arg0, %dma_wait3A_354, %dma_wait3A_355] : memref<2x10000x64xf32, #tpu.memory_space<hbm>> -> memref<1x10000x64xf32, #tpu.memory_space<hbm>>
      %dma_wait3A_357 = tpu.memref_squeeze %dma_wait3A_356 : memref<1x10000x64xf32, #tpu.memory_space<hbm>> -> memref<10000x64xf32, #tpu.memory_space<hbm>>
      %dma_wait3A_358 = arith.constant 0 : i32
      %dma_wait3A_359 = arith.constant 0 : i32
      %dma_wait3A_360 = tpu.memref_slice %dma_wait3A_357[%dma_wait3A_358, %dma_wait3A_359] : memref<10000x64xf32, #tpu.memory_space<hbm>> -> memref<128x64xf32, #tpu.memory_space<hbm>>
      tpu.wait_dma2 semaphore(%arg14 : memref<!tpu.dma_semaphore, #tpu.memory_space<semaphore_mem>>) src(%dma_wait3A_360 : memref<128x64xf32, #tpu.memory_space<hbm>>) dst(%arg9 : memref<128x64xf32, #tpu.memory_space<vmem>>)
      "tpu.region"() ({
        %run_scoped3A_463 = tpu.sem_alloc : memref<!tpu.dma_semaphore, #tpu.memory_space<semaphore_mem>>
        %dma_start3A_464 = arith.constant 0 : i32
        %dma_start3A_465 = tpu.memref_slice %arg8[%add3A_346, %dma_start3A_464] : memref<160x128xi32, #tpu.memory_space<vmem>> -> memref<1x128xi32, #tpu.memory_space<vmem>>
        %dma_start3A_466 = tpu.memref_squeeze %dma_start3A_465 : memref<1x128xi32, #tpu.memory_space<vmem>> -> memref<128xi32, #tpu.memory_space<vmem>>
        %dma_start3A_467 = arith.constant 0 : i32
        %dma_start3A_468 = arith.constant 0 : i32
        %dma_start3A_469 = tpu.memref_slice %arg13[%dma_start3A_467, %dma_start3A_468] : memref<10240x64xf32, #tpu.memory_space<vmem_shared>> -> memref<10240x64xf32, #tpu.memory_space<vmem_shared>>
        tpu.enqueue_indirect_dma source(%arg9 : memref<128x64xf32, #tpu.memory_space<vmem>>) target(%dma_start3A_469 : memref<10240x64xf32, #tpu.memory_space<vmem_shared>>) offsets(%dma_start3A_466 : memref<128xi32, #tpu.memory_space<vmem>>) semaphore(%run_scoped3A_463 : memref<!tpu.dma_semaphore, #tpu.memory_space<semaphore_mem>>) {add = true}
        %dma_wait3A_470 = arith.constant 0 : i32
        %dma_wait3A_471 = tpu.memref_slice %arg8[%add3A_346, %dma_wait3A_470] : memref<160x128xi32, #tpu.memory_space<vmem>> -> memref<1x128xi32, #tpu.memory_space<vmem>>
        %dma_wait3A_472 = tpu.memref_squeeze %dma_wait3A_471 : memref<1x128xi32, #tpu.memory_space<vmem>> -> memref<128xi32, #tpu.memory_space<vmem>>
        %dma_wait3A_473 = arith.constant 0 : i32
        %dma_wait3A_474 = arith.constant 0 : i32
        %dma_wait3A_475 = tpu.memref_slice %arg13[%dma_wait3A_473, %dma_wait3A_474] : memref<10240x64xf32, #tpu.memory_space<vmem_shared>> -> memref<10240x64xf32, #tpu.memory_space<vmem_shared>>
        tpu.wait_indirect_dma semaphore(%run_scoped3A_463 : memref<!tpu.dma_semaphore, #tpu.memory_space<semaphore_mem>>) src(%arg9 : memref<128x64xf32, #tpu.memory_space<vmem>>) dst(%dma_wait3A_475 : memref<10240x64xf32, #tpu.memory_space<vmem_shared>>)
        tpu.yield
      }) : () -> ()
      %add3A_361 = arith.constant 4 : i32
      %add3A_362 = arith.addi %add3A_346, %add3A_361 : i32
      %dma_start3A_363 = arith.constant 0 : i32
      %dma_start3A_364 = tpu.memref_slice %arg7[%add3A_362, %dma_start3A_363] : memref<164x128xi32, #tpu.memory_space<vmem>> -> memref<1x128xi32, #tpu.memory_space<vmem>>
      %dma_start3A_365 = tpu.memref_squeeze %dma_start3A_364 : memref<1x128xi32, #tpu.memory_space<vmem>> -> memref<128xi32, #tpu.memory_space<vmem>>
      %dma_start3A_366 = arith.constant 0 : i32
      %dma_start3A_367 = arith.constant 0 : i32
      %dma_start3A_368 = tpu.memref_slice %arg2[%arg0, %dma_start3A_366, %dma_start3A_367] : memref<2x10000x64xf32, #tpu.memory_space<hbm>> -> memref<1x10000x64xf32, #tpu.memory_space<hbm>>
      %dma_start3A_369 = tpu.memref_squeeze %dma_start3A_368 : memref<1x10000x64xf32, #tpu.memory_space<hbm>> -> memref<10000x64xf32, #tpu.memory_space<hbm>>
      %dma_start3A_370 = arith.constant 0 : i32
      %dma_start3A_371 = arith.constant 0 : i32
      %dma_start3A_372 = tpu.memref_slice %dma_start3A_369[%dma_start3A_370, %dma_start3A_371] : memref<10000x64xf32, #tpu.memory_space<hbm>> -> memref<10000x64xf32, #tpu.memory_space<hbm>>
      tpu.enqueue_indirect_dma source(%dma_start3A_372 : memref<10000x64xf32, #tpu.memory_space<hbm>>) target(%arg9 : memref<128x64xf32, #tpu.memory_space<vmem>>) offsets(%dma_start3A_365 : memref<128xi32, #tpu.memory_space<vmem>>) semaphore(%arg14 : memref<!tpu.dma_semaphore, #tpu.memory_space<semaphore_mem>>)
      %mul3A_373 = arith.constant 4 : i32
      %mul3A_374 = arith.muli %mul3A_373, %scan3A_343 : i32
      %add3A_375 = arith.constant 1 : i32
      %add3A_376 = arith.addi %mul3A_374, %add3A_375 : i32
      %dma_wait3A_377 = arith.constant 0 : i32
      %dma_wait3A_378 = arith.constant 0 : i32
      %dma_wait3A_379 = tpu.memref_slice %arg2[%arg0, %dma_wait3A_377, %dma_wait3A_378] : memref<2x10000x64xf32, #tpu.memory_space<hbm>> -> memref<1x10000x64xf32, #tpu.memory_space<hbm>>
      %dma_wait3A_380 = tpu.memref_squeeze %dma_wait3A_379 : memref<1x10000x64xf32, #tpu.memory_space<hbm>> -> memref<10000x64xf32, #tpu.memory_space<hbm>>
      %dma_wait3A_381 = arith.constant 0 : i32
      %dma_wait3A_382 = arith.constant 0 : i32
      %dma_wait3A_383 = tpu.memref_slice %dma_wait3A_380[%dma_wait3A_381, %dma_wait3A_382] : memref<10000x64xf32, #tpu.memory_space<hbm>> -> memref<128x64xf32, #tpu.memory_space<hbm>>
      %dma_wait3A_384 = arith.constant 0 : i32
      %dma_wait3A_385 = arith.constant 0 : i32
      %dma_wait3A_386 = tpu.memref_slice %arg2[%arg0, %dma_wait3A_384, %dma_wait3A_385] : memref<2x10000x64xf32, #tpu.memory_space<hbm>> -> memref<1x10000x64xf32, #tpu.memory_space<hbm>>
      %dma_wait3A_387 = tpu.memref_squeeze %dma_wait3A_386 : memref<1x10000x64xf32, #tpu.memory_space<hbm>> -> memref<10000x64xf32, #tpu.memory_space<hbm>>
      %dma_wait3A_388 = arith.constant 0 : i32
      %dma_wait3A_389 = arith.constant 0 : i32
      %dma_wait3A_390 = tpu.memref_slice %dma_wait3A_387[%dma_wait3A_388, %dma_wait3A_389] : memref<10000x64xf32, #tpu.memory_space<hbm>> -> memref<128x64xf32, #tpu.memory_space<hbm>>
      tpu.wait_dma2 semaphore(%arg15 : memref<!tpu.dma_semaphore, #tpu.memory_space<semaphore_mem>>) src(%dma_wait3A_390 : memref<128x64xf32, #tpu.memory_space<hbm>>) dst(%arg10 : memref<128x64xf32, #tpu.memory_space<vmem>>)
      "tpu.region"() ({
        %run_scoped3A_463 = tpu.sem_alloc : memref<!tpu.dma_semaphore, #tpu.memory_space<semaphore_mem>>
        %dma_start3A_464 = arith.constant 0 : i32
        %dma_start3A_465 = tpu.memref_slice %arg8[%add3A_376, %dma_start3A_464] : memref<160x128xi32, #tpu.memory_space<vmem>> -> memref<1x128xi32, #tpu.memory_space<vmem>>
        %dma_start3A_466 = tpu.memref_squeeze %dma_start3A_465 : memref<1x128xi32, #tpu.memory_space<vmem>> -> memref<128xi32, #tpu.memory_space<vmem>>
        %dma_start3A_467 = arith.constant 0 : i32
        %dma_start3A_468 = arith.constant 0 : i32
        %dma_start3A_469 = tpu.memref_slice %arg13[%dma_start3A_467, %dma_start3A_468] : memref<10240x64xf32, #tpu.memory_space<vmem_shared>> -> memref<10240x64xf32, #tpu.memory_space<vmem_shared>>
        tpu.enqueue_indirect_dma source(%arg10 : memref<128x64xf32, #tpu.memory_space<vmem>>) target(%dma_start3A_469 : memref<10240x64xf32, #tpu.memory_space<vmem_shared>>) offsets(%dma_start3A_466 : memref<128xi32, #tpu.memory_space<vmem>>) semaphore(%run_scoped3A_463 : memref<!tpu.dma_semaphore, #tpu.memory_space<semaphore_mem>>) {add = true}
        %dma_wait3A_470 = arith.constant 0 : i32
        %dma_wait3A_471 = tpu.memref_slice %arg8[%add3A_376, %dma_wait3A_470] : memref<160x128xi32, #tpu.memory_space<vmem>> -> memref<1x128xi32, #tpu.memory_space<vmem>>
        %dma_wait3A_472 = tpu.memref_squeeze %dma_wait3A_471 : memref<1x128xi32, #tpu.memory_space<vmem>> -> memref<128xi32, #tpu.memory_space<vmem>>
        %dma_wait3A_473 = arith.constant 0 : i32
        %dma_wait3A_474 = arith.constant 0 : i32
        %dma_wait3A_475 = tpu.memref_slice %arg13[%dma_wait3A_473, %dma_wait3A_474] : memref<10240x64xf32, #tpu.memory_space<vmem_shared>> -> memref<10240x64xf32, #tpu.memory_space<vmem_shared>>
        tpu.wait_indirect_dma semaphore(%run_scoped3A_463 : memref<!tpu.dma_semaphore, #tpu.memory_space<semaphore_mem>>) src(%arg10 : memref<128x64xf32, #tpu.memory_space<vmem>>) dst(%dma_wait3A_475 : memref<10240x64xf32, #tpu.memory_space<vmem_shared>>)
        tpu.yield
      }) : () -> ()
      %add3A_391 = arith.constant 4 : i32
      %add3A_392 = arith.addi %add3A_376, %add3A_391 : i32
      %dma_start3A_393 = arith.constant 0 : i32
      %dma_start3A_394 = tpu.memref_slice %arg7[%add3A_392, %dma_start3A_393] : memref<164x128xi32, #tpu.memory_space<vmem>> -> memref<1x128xi32, #tpu.memory_space<vmem>>
      %dma_start3A_395 = tpu.memref_squeeze %dma_start3A_394 : memref<1x128xi32, #tpu.memory_space<vmem>> -> memref<128xi32, #tpu.memory_space<vmem>>
      %dma_start3A_396 = arith.constant 0 : i32
      %dma_start3A_397 = arith.constant 0 : i32
      %dma_start3A_398 = tpu.memref_slice %arg2[%arg0, %dma_start3A_396, %dma_start3A_397] : memref<2x10000x64xf32, #tpu.memory_space<hbm>> -> memref<1x10000x64xf32, #tpu.memory_space<hbm>>
      %dma_start3A_399 = tpu.memref_squeeze %dma_start3A_398 : memref<1x10000x64xf32, #tpu.memory_space<hbm>> -> memref<10000x64xf32, #tpu.memory_space<hbm>>
      %dma_start3A_400 = arith.constant 0 : i32
      %dma_start3A_401 = arith.constant 0 : i32
      %dma_start3A_402 = tpu.memref_slice %dma_start3A_399[%dma_start3A_400, %dma_start3A_401] : memref<10000x64xf32, #tpu.memory_space<hbm>> -> memref<10000x64xf32, #tpu.memory_space<hbm>>
      tpu.enqueue_indirect_dma source(%dma_start3A_402 : memref<10000x64xf32, #tpu.memory_space<hbm>>) target(%arg10 : memref<128x64xf32, #tpu.memory_space<vmem>>) offsets(%dma_start3A_395 : memref<128xi32, #tpu.memory_space<vmem>>) semaphore(%arg15 : memref<!tpu.dma_semaphore, #tpu.memory_space<semaphore_mem>>)
      %mul3A_403 = arith.constant 4 : i32
      %mul3A_404 = arith.muli %mul3A_403, %scan3A_343 : i32
      %add3A_405 = arith.constant 2 : i32
      %add3A_406 = arith.addi %mul3A_404, %add3A_405 : i32
      %dma_wait3A_407 = arith.constant 0 : i32
      %dma_wait3A_408 = arith.constant 0 : i32
      %dma_wait3A_409 = tpu.memref_slice %arg2[%arg0, %dma_wait3A_407, %dma_wait3A_408] : memref<2x10000x64xf32, #tpu.memory_space<hbm>> -> memref<1x10000x64xf32, #tpu.memory_space<hbm>>
      %dma_wait3A_410 = tpu.memref_squeeze %dma_wait3A_409 : memref<1x10000x64xf32, #tpu.memory_space<hbm>> -> memref<10000x64xf32, #tpu.memory_space<hbm>>
      %dma_wait3A_411 = arith.constant 0 : i32
      %dma_wait3A_412 = arith.constant 0 : i32
      %dma_wait3A_413 = tpu.memref_slice %dma_wait3A_410[%dma_wait3A_411, %dma_wait3A_412] : memref<10000x64xf32, #tpu.memory_space<hbm>> -> memref<128x64xf32, #tpu.memory_space<hbm>>
      %dma_wait3A_414 = arith.constant 0 : i32
      %dma_wait3A_415 = arith.constant 0 : i32
      %dma_wait3A_416 = tpu.memref_slice %arg2[%arg0, %dma_wait3A_414, %dma_wait3A_415] : memref<2x10000x64xf32, #tpu.memory_space<hbm>> -> memref<1x10000x64xf32, #tpu.memory_space<hbm>>
      %dma_wait3A_417 = tpu.memref_squeeze %dma_wait3A_416 : memref<1x10000x64xf32, #tpu.memory_space<hbm>> -> memref<10000x64xf32, #tpu.memory_space<hbm>>
      %dma_wait3A_418 = arith.constant 0 : i32
      %dma_wait3A_419 = arith.constant 0 : i32
      %dma_wait3A_420 = tpu.memref_slice %dma_wait3A_417[%dma_wait3A_418, %dma_wait3A_419] : memref<10000x64xf32, #tpu.memory_space<hbm>> -> memref<128x64xf32, #tpu.memory_space<hbm>>
      tpu.wait_dma2 semaphore(%arg16 : memref<!tpu.dma_semaphore, #tpu.memory_space<semaphore_mem>>) src(%dma_wait3A_420 : memref<128x64xf32, #tpu.memory_space<hbm>>) dst(%arg11 : memref<128x64xf32, #tpu.memory_space<vmem>>)
      "tpu.region"() ({
        %run_scoped3A_463 = tpu.sem_alloc : memref<!tpu.dma_semaphore, #tpu.memory_space<semaphore_mem>>
        %dma_start3A_464 = arith.constant 0 : i32
        %dma_start3A_465 = tpu.memref_slice %arg8[%add3A_406, %dma_start3A_464] : memref<160x128xi32, #tpu.memory_space<vmem>> -> memref<1x128xi32, #tpu.memory_space<vmem>>
        %dma_start3A_466 = tpu.memref_squeeze %dma_start3A_465 : memref<1x128xi32, #tpu.memory_space<vmem>> -> memref<128xi32, #tpu.memory_space<vmem>>
        %dma_start3A_467 = arith.constant 0 : i32
        %dma_start3A_468 = arith.constant 0 : i32
        %dma_start3A_469 = tpu.memref_slice %arg13[%dma_start3A_467, %dma_start3A_468] : memref<10240x64xf32, #tpu.memory_space<vmem_shared>> -> memref<10240x64xf32, #tpu.memory_space<vmem_shared>>
        tpu.enqueue_indirect_dma source(%arg11 : memref<128x64xf32, #tpu.memory_space<vmem>>) target(%dma_start3A_469 : memref<10240x64xf32, #tpu.memory_space<vmem_shared>>) offsets(%dma_start3A_466 : memref<128xi32, #tpu.memory_space<vmem>>) semaphore(%run_scoped3A_463 : memref<!tpu.dma_semaphore, #tpu.memory_space<semaphore_mem>>) {add = true}
        %dma_wait3A_470 = arith.constant 0 : i32
        %dma_wait3A_471 = tpu.memref_slice %arg8[%add3A_406, %dma_wait3A_470] : memref<160x128xi32, #tpu.memory_space<vmem>> -> memref<1x128xi32, #tpu.memory_space<vmem>>
        %dma_wait3A_472 = tpu.memref_squeeze %dma_wait3A_471 : memref<1x128xi32, #tpu.memory_space<vmem>> -> memref<128xi32, #tpu.memory_space<vmem>>
        %dma_wait3A_473 = arith.constant 0 : i32
        %dma_wait3A_474 = arith.constant 0 : i32
        %dma_wait3A_475 = tpu.memref_slice %arg13[%dma_wait3A_473, %dma_wait3A_474] : memref<10240x64xf32, #tpu.memory_space<vmem_shared>> -> memref<10240x64xf32, #tpu.memory_space<vmem_shared>>
        tpu.wait_indirect_dma semaphore(%run_scoped3A_463 : memref<!tpu.dma_semaphore, #tpu.memory_space<semaphore_mem>>) src(%arg11 : memref<128x64xf32, #tpu.memory_space<vmem>>) dst(%dma_wait3A_475 : memref<10240x64xf32, #tpu.memory_space<vmem_shared>>)
        tpu.yield
      }) : () -> ()
      %add3A_421 = arith.constant 4 : i32
      %add3A_422 = arith.addi %add3A_406, %add3A_421 : i32
      %dma_start3A_423 = arith.constant 0 : i32
      %dma_start3A_424 = tpu.memref_slice %arg7[%add3A_422, %dma_start3A_423] : memref<164x128xi32, #tpu.memory_space<vmem>> -> memref<1x128xi32, #tpu.memory_space<vmem>>
      %dma_start3A_425 = tpu.memref_squeeze %dma_start3A_424 : memref<1x128xi32, #tpu.memory_space<vmem>> -> memref<128xi32, #tpu.memory_space<vmem>>
      %dma_start3A_426 = arith.constant 0 : i32
      %dma_start3A_427 = arith.constant 0 : i32
      %dma_start3A_428 = tpu.memref_slice %arg2[%arg0, %dma_start3A_426, %dma_start3A_427] : memref<2x10000x64xf32, #tpu.memory_space<hbm>> -> memref<1x10000x64xf32, #tpu.memory_space<hbm>>
      %dma_start3A_429 = tpu.memref_squeeze %dma_start3A_428 : memref<1x10000x64xf32, #tpu.memory_space<hbm>> -> memref<10000x64xf32, #tpu.memory_space<hbm>>
      %dma_start3A_430 = arith.constant 0 : i32
      %dma_start3A_431 = arith.constant 0 : i32
      %dma_start3A_432 = tpu.memref_slice %dma_start3A_429[%dma_start3A_430, %dma_start3A_431] : memref<10000x64xf32, #tpu.memory_space<hbm>> -> memref<10000x64xf32, #tpu.memory_space<hbm>>
      tpu.enqueue_indirect_dma source(%dma_start3A_432 : memref<10000x64xf32, #tpu.memory_space<hbm>>) target(%arg11 : memref<128x64xf32, #tpu.memory_space<vmem>>) offsets(%dma_start3A_425 : memref<128xi32, #tpu.memory_space<vmem>>) semaphore(%arg16 : memref<!tpu.dma_semaphore, #tpu.memory_space<semaphore_mem>>)
      %mul3A_433 = arith.constant 4 : i32
      %mul3A_434 = arith.muli %mul3A_433, %scan3A_343 : i32
      %add3A_435 = arith.constant 3 : i32
      %add3A_436 = arith.addi %mul3A_434, %add3A_435 : i32
      %dma_wait3A_437 = arith.constant 0 : i32
      %dma_wait3A_438 = arith.constant 0 : i32
      %dma_wait3A_439 = tpu.memref_slice %arg2[%arg0, %dma_wait3A_437, %dma_wait3A_438] : memref<2x10000x64xf32, #tpu.memory_space<hbm>> -> memref<1x10000x64xf32, #tpu.memory_space<hbm>>
      %dma_wait3A_440 = tpu.memref_squeeze %dma_wait3A_439 : memref<1x10000x64xf32, #tpu.memory_space<hbm>> -> memref<10000x64xf32, #tpu.memory_space<hbm>>
      %dma_wait3A_441 = arith.constant 0 : i32
      %dma_wait3A_442 = arith.constant 0 : i32
      %dma_wait3A_443 = tpu.memref_slice %dma_wait3A_440[%dma_wait3A_441, %dma_wait3A_442] : memref<10000x64xf32, #tpu.memory_space<hbm>> -> memref<128x64xf32, #tpu.memory_space<hbm>>
      %dma_wait3A_444 = arith.constant 0 : i32
      %dma_wait3A_445 = arith.constant 0 : i32
      %dma_wait3A_446 = tpu.memref_slice %arg2[%arg0, %dma_wait3A_444, %dma_wait3A_445] : memref<2x10000x64xf32, #tpu.memory_space<hbm>> -> memref<1x10000x64xf32, #tpu.memory_space<hbm>>
      %dma_wait3A_447 = tpu.memref_squeeze %dma_wait3A_446 : memref<1x10000x64xf32, #tpu.memory_space<hbm>> -> memref<10000x64xf32, #tpu.memory_space<hbm>>
      %dma_wait3A_448 = arith.constant 0 : i32
      %dma_wait3A_449 = arith.constant 0 : i32
      %dma_wait3A_450 = tpu.memref_slice %dma_wait3A_447[%dma_wait3A_448, %dma_wait3A_449] : memref<10000x64xf32, #tpu.memory_space<hbm>> -> memref<128x64xf32, #tpu.memory_space<hbm>>
      tpu.wait_dma2 semaphore(%arg17 : memref<!tpu.dma_semaphore, #tpu.memory_space<semaphore_mem>>) src(%dma_wait3A_450 : memref<128x64xf32, #tpu.memory_space<hbm>>) dst(%arg12 : memref<128x64xf32, #tpu.memory_space<vmem>>)
      "tpu.region"() ({
        %run_scoped3A_463 = tpu.sem_alloc : memref<!tpu.dma_semaphore, #tpu.memory_space<semaphore_mem>>
        %dma_start3A_464 = arith.constant 0 : i32
        %dma_start3A_465 = tpu.memref_slice %arg8[%add3A_436, %dma_start3A_464] : memref<160x128xi32, #tpu.memory_space<vmem>> -> memref<1x128xi32, #tpu.memory_space<vmem>>
        %dma_start3A_466 = tpu.memref_squeeze %dma_start3A_465 : memref<1x128xi32, #tpu.memory_space<vmem>> -> memref<128xi32, #tpu.memory_space<vmem>>
        %dma_start3A_467 = arith.constant 0 : i32
        %dma_start3A_468 = arith.constant 0 : i32
        %dma_start3A_469 = tpu.memref_slice %arg13[%dma_start3A_467, %dma_start3A_468] : memref<10240x64xf32, #tpu.memory_space<vmem_shared>> -> memref<10240x64xf32, #tpu.memory_space<vmem_shared>>
        tpu.enqueue_indirect_dma source(%arg12 : memref<128x64xf32, #tpu.memory_space<vmem>>) target(%dma_start3A_469 : memref<10240x64xf32, #tpu.memory_space<vmem_shared>>) offsets(%dma_start3A_466 : memref<128xi32, #tpu.memory_space<vmem>>) semaphore(%run_scoped3A_463 : memref<!tpu.dma_semaphore, #tpu.memory_space<semaphore_mem>>) {add = true}
        %dma_wait3A_470 = arith.constant 0 : i32
        %dma_wait3A_471 = tpu.memref_slice %arg8[%add3A_436, %dma_wait3A_470] : memref<160x128xi32, #tpu.memory_space<vmem>> -> memref<1x128xi32, #tpu.memory_space<vmem>>
        %dma_wait3A_472 = tpu.memref_squeeze %dma_wait3A_471 : memref<1x128xi32, #tpu.memory_space<vmem>> -> memref<128xi32, #tpu.memory_space<vmem>>
        %dma_wait3A_473 = arith.constant 0 : i32
        %dma_wait3A_474 = arith.constant 0 : i32
        %dma_wait3A_475 = tpu.memref_slice %arg13[%dma_wait3A_473, %dma_wait3A_474] : memref<10240x64xf32, #tpu.memory_space<vmem_shared>> -> memref<10240x64xf32, #tpu.memory_space<vmem_shared>>
        tpu.wait_indirect_dma semaphore(%run_scoped3A_463 : memref<!tpu.dma_semaphore, #tpu.memory_space<semaphore_mem>>) src(%arg12 : memref<128x64xf32, #tpu.memory_space<vmem>>) dst(%dma_wait3A_475 : memref<10240x64xf32, #tpu.memory_space<vmem_shared>>)
        tpu.yield
      }) : () -> ()
      %add3A_451 = arith.constant 4 : i32
      %add3A_452 = arith.addi %add3A_436, %add3A_451 : i32
      %dma_start3A_453 = arith.constant 0 : i32
      %dma_start3A_454 = tpu.memref_slice %arg7[%add3A_452, %dma_start3A_453] : memref<164x128xi32, #tpu.memory_space<vmem>> -> memref<1x128xi32, #tpu.memory_space<vmem>>
      %dma_start3A_455 = tpu.memref_squeeze %dma_start3A_454 : memref<1x128xi32, #tpu.memory_space<vmem>> -> memref<128xi32, #tpu.memory_space<vmem>>
      %dma_start3A_456 = arith.constant 0 : i32
      %dma_start3A_457 = arith.constant 0 : i32
      %dma_start3A_458 = tpu.memref_slice %arg2[%arg0, %dma_start3A_456, %dma_start3A_457] : memref<2x10000x64xf32, #tpu.memory_space<hbm>> -> memref<1x10000x64xf32, #tpu.memory_space<hbm>>
      %dma_start3A_459 = tpu.memref_squeeze %dma_start3A_458 : memref<1x10000x64xf32, #tpu.memory_space<hbm>> -> memref<10000x64xf32, #tpu.memory_space<hbm>>
      %dma_start3A_460 = arith.constant 0 : i32
      %dma_start3A_461 = arith.constant 0 : i32
      %dma_start3A_462 = tpu.memref_slice %dma_start3A_459[%dma_start3A_460, %dma_start3A_461] : memref<10000x64xf32, #tpu.memory_space<hbm>> -> memref<10000x64xf32, #tpu.memory_space<hbm>>
      tpu.enqueue_indirect_dma source(%dma_start3A_462 : memref<10000x64xf32, #tpu.memory_space<hbm>>) target(%arg12 : memref<128x64xf32, #tpu.memory_space<vmem>>) offsets(%dma_start3A_455 : memref<128xi32, #tpu.memory_space<vmem>>) semaphore(%arg17 : memref<!tpu.dma_semaphore, #tpu.memory_space<semaphore_mem>>)
    }
    %scan3A_49 = arith.constant 40 : i32
    %dma_wait3A = arith.constant 0 : i32
    %dma_wait3A_50 = arith.constant 0 : i32
    %dma_wait3A_51 = tpu.memref_slice %arg2[%arg0, %dma_wait3A, %dma_wait3A_50] : memref<2x10000x64xf32, #tpu.memory_space<hbm>> -> memref<1x10000x64xf32, #tpu.memory_space<hbm>>
    %dma_wait3A_52 = tpu.memref_squeeze %dma_wait3A_51 : memref<1x10000x64xf32, #tpu.memory_space<hbm>> -> memref<10000x64xf32, #tpu.memory_space<hbm>>
    %dma_wait3A_53 = arith.constant 0 : i32
    %dma_wait3A_54 = arith.constant 0 : i32
    %dma_wait3A_55 = tpu.memref_slice %dma_wait3A_52[%dma_wait3A_53, %dma_wait3A_54] : memref<10000x64xf32, #tpu.memory_space<hbm>> -> memref<128x64xf32, #tpu.memory_space<hbm>>
    %dma_wait3A_56 = arith.constant 0 : i32
    %dma_wait3A_57 = arith.constant 0 : i32
    %dma_wait3A_58 = tpu.memref_slice %arg2[%arg0, %dma_wait3A_56, %dma_wait3A_57] : memref<2x10000x64xf32, #tpu.memory_space<hbm>> -> memref<1x10000x64xf32, #tpu.memory_space<hbm>>
    %dma_wait3A_59 = tpu.memref_squeeze %dma_wait3A_58 : memref<1x10000x64xf32, #tpu.memory_space<hbm>> -> memref<10000x64xf32, #tpu.memory_space<hbm>>
    %dma_wait3A_60 = arith.constant 0 : i32
    %dma_wait3A_61 = arith.constant 0 : i32
    %dma_wait3A_62 = tpu.memref_slice %dma_wait3A_59[%dma_wait3A_60, %dma_wait3A_61] : memref<10000x64xf32, #tpu.memory_space<hbm>> -> memref<128x64xf32, #tpu.memory_space<hbm>>
    tpu.wait_dma2 semaphore(%arg14 : memref<!tpu.dma_semaphore, #tpu.memory_space<semaphore_mem>>) src(%dma_wait3A_62 : memref<128x64xf32, #tpu.memory_space<hbm>>) dst(%arg9 : memref<128x64xf32, #tpu.memory_space<vmem>>)
    %dma_wait3A_63 = arith.constant 0 : i32
    %dma_wait3A_64 = arith.constant 0 : i32
    %dma_wait3A_65 = tpu.memref_slice %arg2[%arg0, %dma_wait3A_63, %dma_wait3A_64] : memref<2x10000x64xf32, #tpu.memory_space<hbm>> -> memref<1x10000x64xf32, #tpu.memory_space<hbm>>
    %dma_wait3A_66 = tpu.memref_squeeze %dma_wait3A_65 : memref<1x10000x64xf32, #tpu.memory_space<hbm>> -> memref<10000x64xf32, #tpu.memory_space<hbm>>
    %dma_wait3A_67 = arith.constant 0 : i32
    %dma_wait3A_68 = arith.constant 0 : i32
    %dma_wait3A_69 = tpu.memref_slice %dma_wait3A_66[%dma_wait3A_67, %dma_wait3A_68] : memref<10000x64xf32, #tpu.memory_space<hbm>> -> memref<128x64xf32, #tpu.memory_space<hbm>>
    %dma_wait3A_70 = arith.constant 0 : i32
    %dma_wait3A_71 = arith.constant 0 : i32
    %dma_wait3A_72 = tpu.memref_slice %arg2[%arg0, %dma_wait3A_70, %dma_wait3A_71] : memref<2x10000x64xf32, #tpu.memory_space<hbm>> -> memref<1x10000x64xf32, #tpu.memory_space<hbm>>
    %dma_wait3A_73 = tpu.memref_squeeze %dma_wait3A_72 : memref<1x10000x64xf32, #tpu.memory_space<hbm>> -> memref<10000x64xf32, #tpu.memory_space<hbm>>
    %dma_wait3A_74 = arith.constant 0 : i32
    %dma_wait3A_75 = arith.constant 0 : i32
    %dma_wait3A_76 = tpu.memref_slice %dma_wait3A_73[%dma_wait3A_74, %dma_wait3A_75] : memref<10000x64xf32, #tpu.memory_space<hbm>> -> memref<128x64xf32, #tpu.memory_space<hbm>>
    tpu.wait_dma2 semaphore(%arg15 : memref<!tpu.dma_semaphore, #tpu.memory_space<semaphore_mem>>) src(%dma_wait3A_76 : memref<128x64xf32, #tpu.memory_space<hbm>>) dst(%arg10 : memref<128x64xf32, #tpu.memory_space<vmem>>)
    %dma_wait3A_77 = arith.constant 0 : i32
    %dma_wait3A_78 = arith.constant 0 : i32
    %dma_wait3A_79 = tpu.memref_slice %arg2[%arg0, %dma_wait3A_77, %dma_wait3A_78] : memref<2x10000x64xf32, #tpu.memory_space<hbm>> -> memref<1x10000x64xf32, #tpu.memory_space<hbm>>
    %dma_wait3A_80 = tpu.memref_squeeze %dma_wait3A_79 : memref<1x10000x64xf32, #tpu.memory_space<hbm>> -> memref<10000x64xf32, #tpu.memory_space<hbm>>
    %dma_wait3A_81 = arith.constant 0 : i32
    %dma_wait3A_82 = arith.constant 0 : i32
    %dma_wait3A_83 = tpu.memref_slice %dma_wait3A_80[%dma_wait3A_81, %dma_wait3A_82] : memref<10000x64xf32, #tpu.memory_space<hbm>> -> memref<128x64xf32, #tpu.memory_space<hbm>>
    %dma_wait3A_84 = arith.constant 0 : i32
    %dma_wait3A_85 = arith.constant 0 : i32
    %dma_wait3A_86 = tpu.memref_slice %arg2[%arg0, %dma_wait3A_84, %dma_wait3A_85] : memref<2x10000x64xf32, #tpu.memory_space<hbm>> -> memref<1x10000x64xf32, #tpu.memory_space<hbm>>
    %dma_wait3A_87 = tpu.memref_squeeze %dma_wait3A_86 : memref<1x10000x64xf32, #tpu.memory_space<hbm>> -> memref<10000x64xf32, #tpu.memory_space<hbm>>
    %dma_wait3A_88 = arith.constant 0 : i32
    %dma_wait3A_89 = arith.constant 0 : i32
    %dma_wait3A_90 = tpu.memref_slice %dma_wait3A_87[%dma_wait3A_88, %dma_wait3A_89] : memref<10000x64xf32, #tpu.memory_space<hbm>> -> memref<128x64xf32, #tpu.memory_space<hbm>>
    tpu.wait_dma2 semaphore(%arg16 : memref<!tpu.dma_semaphore, #tpu.memory_space<semaphore_mem>>) src(%dma_wait3A_90 : memref<128x64xf32, #tpu.memory_space<hbm>>) dst(%arg11 : memref<128x64xf32, #tpu.memory_space<vmem>>)
    %dma_wait3A_91 = arith.constant 0 : i32
    %dma_wait3A_92 = arith.constant 0 : i32
    %dma_wait3A_93 = tpu.memref_slice %arg2[%arg0, %dma_wait3A_91, %dma_wait3A_92] : memref<2x10000x64xf32, #tpu.memory_space<hbm>> -> memref<1x10000x64xf32, #tpu.memory_space<hbm>>
    %dma_wait3A_94 = tpu.memref_squeeze %dma_wait3A_93 : memref<1x10000x64xf32, #tpu.memory_space<hbm>> -> memref<10000x64xf32, #tpu.memory_space<hbm>>
    %dma_wait3A_95 = arith.constant 0 : i32
    %dma_wait3A_96 = arith.constant 0 : i32
    %dma_wait3A_97 = tpu.memref_slice %dma_wait3A_94[%dma_wait3A_95, %dma_wait3A_96] : memref<10000x64xf32, #tpu.memory_space<hbm>> -> memref<128x64xf32, #tpu.memory_space<hbm>>
    %dma_wait3A_98 = arith.constant 0 : i32
    %dma_wait3A_99 = arith.constant 0 : i32
    %dma_wait3A_100 = tpu.memref_slice %arg2[%arg0, %dma_wait3A_98, %dma_wait3A_99] : memref<2x10000x64xf32, #tpu.memory_space<hbm>> -> memref<1x10000x64xf32, #tpu.memory_space<hbm>>
    %dma_wait3A_101 = tpu.memref_squeeze %dma_wait3A_100 : memref<1x10000x64xf32, #tpu.memory_space<hbm>> -> memref<10000x64xf32, #tpu.memory_space<hbm>>
    %dma_wait3A_102 = arith.constant 0 : i32
    %dma_wait3A_103 = arith.constant 0 : i32
    %dma_wait3A_104 = tpu.memref_slice %dma_wait3A_101[%dma_wait3A_102, %dma_wait3A_103] : memref<10000x64xf32, #tpu.memory_space<hbm>> -> memref<128x64xf32, #tpu.memory_space<hbm>>
    tpu.wait_dma2 semaphore(%arg17 : memref<!tpu.dma_semaphore, #tpu.memory_space<semaphore_mem>>) src(%dma_wait3A_104 : memref<128x64xf32, #tpu.memory_space<hbm>>) dst(%arg12 : memref<128x64xf32, #tpu.memory_space<vmem>>)
    %barrier3A_105 = arith.constant 0 : index
    tpu.barrier barrier_id(%barrier3A_105)
    %run_scoped3A_106 = arith.constant 0 : i32
    "tpu.region"() ({
      %run_scoped3A_343 = tpu.sem_alloc : memref<!tpu.dma_semaphore, #tpu.memory_space<semaphore_mem>>
      %dma_start3A_344 = arith.constant 0 : i32
      %dma_start3A_345 = tpu.memref_slice %arg6[%run_scoped3A_106, %arg0, %mul3A_0, %dma_start3A_344] : memref<3x2x10240x64xf32, #tpu.memory_space<hbm>> -> memref<1x1x640x64xf32, #tpu.memory_space<hbm>>
      %dma_start3A_346 = tpu.memref_squeeze %dma_start3A_345 : memref<1x1x640x64xf32, #tpu.memory_space<hbm>> -> memref<640x64xf32, #tpu.memory_space<hbm>>
      %dma_start3A_347 = arith.constant 0 : i32
      %dma_start3A_348 = tpu.memref_slice %arg13[%mul3A_0, %dma_start3A_347] : memref<10240x64xf32, #tpu.memory_space<vmem_shared>> -> memref<640x64xf32, #tpu.memory_space<vmem_shared>>
      tpu.enqueue_dma source(%dma_start3A_348 : memref<640x64xf32, #tpu.memory_space<vmem_shared>>) target(%dma_start3A_346 : memref<640x64xf32, #tpu.memory_space<hbm>>) target_semaphore(%run_scoped3A_343 : memref<!tpu.dma_semaphore, #tpu.memory_space<semaphore_mem>>)
      %dma_wait3A_349 = arith.constant 0 : i32
      %dma_wait3A_350 = tpu.memref_slice %arg6[%run_scoped3A_106, %arg0, %mul3A_0, %dma_wait3A_349] : memref<3x2x10240x64xf32, #tpu.memory_space<hbm>> -> memref<1x1x640x64xf32, #tpu.memory_space<hbm>>
      %dma_wait3A_351 = tpu.memref_squeeze %dma_wait3A_350 : memref<1x1x640x64xf32, #tpu.memory_space<hbm>> -> memref<640x64xf32, #tpu.memory_space<hbm>>
      %dma_wait3A_352 = arith.constant 0 : i32
      %dma_wait3A_353 = tpu.memref_slice %arg13[%mul3A_0, %dma_wait3A_352] : memref<10240x64xf32, #tpu.memory_space<vmem_shared>> -> memref<640x64xf32, #tpu.memory_space<vmem_shared>>
      tpu.wait_dma2 semaphore(%run_scoped3A_343 : memref<!tpu.dma_semaphore, #tpu.memory_space<semaphore_mem>>) src(%dma_wait3A_353 : memref<640x64xf32, #tpu.memory_space<vmem_shared>>) dst(%dma_wait3A_351 : memref<640x64xf32, #tpu.memory_space<hbm>>)
      tpu.yield
    }) : () -> ()
    "tpu.region"() ({
      %run_scoped3A_343 = tpu.sem_alloc : memref<!tpu.dma_semaphore, #tpu.memory_space<semaphore_mem>>
      %dma_start3A_344 = arith.constant 0 : i32
      %dma_start3A_345 = tpu.memref_slice %arg13[%mul3A_0, %dma_start3A_344] : memref<10240x64xf32, #tpu.memory_space<vmem_shared>> -> memref<640x64xf32, #tpu.memory_space<vmem_shared>>
      tpu.enqueue_dma source(%arg5 : memref<640x64xf32, #tpu.memory_space<hbm>>) target(%dma_start3A_345 : memref<640x64xf32, #tpu.memory_space<vmem_shared>>) target_semaphore(%run_scoped3A_343 : memref<!tpu.dma_semaphore, #tpu.memory_space<semaphore_mem>>)
      %dma_wait3A_346 = arith.constant 0 : i32
      %dma_wait3A_347 = tpu.memref_slice %arg13[%mul3A_0, %dma_wait3A_346] : memref<10240x64xf32, #tpu.memory_space<vmem_shared>> -> memref<640x64xf32, #tpu.memory_space<vmem_shared>>
      tpu.wait_dma2 semaphore(%run_scoped3A_343 : memref<!tpu.dma_semaphore, #tpu.memory_space<semaphore_mem>>) src(%arg5 : memref<640x64xf32, #tpu.memory_space<hbm>>) dst(%dma_wait3A_347 : memref<640x64xf32, #tpu.memory_space<vmem_shared>>)
      tpu.yield
    }) : () -> ()
    %barrier3A_107 = arith.constant 0 : index
    tpu.barrier barrier_id(%barrier3A_107)
    %dma_start3A_108 = arith.constant 0 : i32
    %dma_start3A_109 = arith.constant 0 : i32
    %dma_start3A_110 = arith.constant 0 : i32
    %dma_start3A_111 = tpu.memref_slice %arg7[%dma_start3A_109, %dma_start3A_110] : memref<164x128xi32, #tpu.memory_space<vmem>> -> memref<1x128xi32, #tpu.memory_space<vmem>>
    %dma_start3A_112 = tpu.memref_squeeze %dma_start3A_111 : memref<1x128xi32, #tpu.memory_space<vmem>> -> memref<128xi32, #tpu.memory_space<vmem>>
    %dma_start3A_113 = arith.constant 0 : i32
    %dma_start3A_114 = arith.constant 0 : i32
    %dma_start3A_115 = tpu.memref_slice %arg6[%dma_start3A_108, %arg0, %dma_start3A_113, %dma_start3A_114] : memref<3x2x10240x64xf32, #tpu.memory_space<hbm>> -> memref<1x1x10240x64xf32, #tpu.memory_space<hbm>>
    %dma_start3A_116 = tpu.memref_squeeze %dma_start3A_115 : memref<1x1x10240x64xf32, #tpu.memory_space<hbm>> -> memref<10240x64xf32, #tpu.memory_space<hbm>>
    %dma_start3A_117 = arith.constant 0 : i32
    %dma_start3A_118 = arith.constant 0 : i32
    %dma_start3A_119 = tpu.memref_slice %dma_start3A_116[%dma_start3A_117, %dma_start3A_118] : memref<10240x64xf32, #tpu.memory_space<hbm>> -> memref<10240x64xf32, #tpu.memory_space<hbm>>
    tpu.enqueue_indirect_dma source(%dma_start3A_119 : memref<10240x64xf32, #tpu.memory_space<hbm>>) target(%arg9 : memref<128x64xf32, #tpu.memory_space<vmem>>) offsets(%dma_start3A_112 : memref<128xi32, #tpu.memory_space<vmem>>) semaphore(%arg14 : memref<!tpu.dma_semaphore, #tpu.memory_space<semaphore_mem>>)
    %dma_start3A_120 = arith.constant 0 : i32
    %dma_start3A_121 = arith.constant 1 : i32
    %dma_start3A_122 = arith.constant 0 : i32
    %dma_start3A_123 = tpu.memref_slice %arg7[%dma_start3A_121, %dma_start3A_122] : memref<164x128xi32, #tpu.memory_space<vmem>> -> memref<1x128xi32, #tpu.memory_space<vmem>>
    %dma_start3A_124 = tpu.memref_squeeze %dma_start3A_123 : memref<1x128xi32, #tpu.memory_space<vmem>> -> memref<128xi32, #tpu.memory_space<vmem>>
    %dma_start3A_125 = arith.constant 0 : i32
    %dma_start3A_126 = arith.constant 0 : i32
    %dma_start3A_127 = tpu.memref_slice %arg6[%dma_start3A_120, %arg0, %dma_start3A_125, %dma_start3A_126] : memref<3x2x10240x64xf32, #tpu.memory_space<hbm>> -> memref<1x1x10240x64xf32, #tpu.memory_space<hbm>>
    %dma_start3A_128 = tpu.memref_squeeze %dma_start3A_127 : memref<1x1x10240x64xf32, #tpu.memory_space<hbm>> -> memref<10240x64xf32, #tpu.memory_space<hbm>>
    %dma_start3A_129 = arith.constant 0 : i32
    %dma_start3A_130 = arith.constant 0 : i32
    %dma_start3A_131 = tpu.memref_slice %dma_start3A_128[%dma_start3A_129, %dma_start3A_130] : memref<10240x64xf32, #tpu.memory_space<hbm>> -> memref<10240x64xf32, #tpu.memory_space<hbm>>
    tpu.enqueue_indirect_dma source(%dma_start3A_131 : memref<10240x64xf32, #tpu.memory_space<hbm>>) target(%arg10 : memref<128x64xf32, #tpu.memory_space<vmem>>) offsets(%dma_start3A_124 : memref<128xi32, #tpu.memory_space<vmem>>) semaphore(%arg15 : memref<!tpu.dma_semaphore, #tpu.memory_space<semaphore_mem>>)
    %dma_start3A_132 = arith.constant 0 : i32
    %dma_start3A_133 = arith.constant 2 : i32
    %dma_start3A_134 = arith.constant 0 : i32
    %dma_start3A_135 = tpu.memref_slice %arg7[%dma_start3A_133, %dma_start3A_134] : memref<164x128xi32, #tpu.memory_space<vmem>> -> memref<1x128xi32, #tpu.memory_space<vmem>>
    %dma_start3A_136 = tpu.memref_squeeze %dma_start3A_135 : memref<1x128xi32, #tpu.memory_space<vmem>> -> memref<128xi32, #tpu.memory_space<vmem>>
    %dma_start3A_137 = arith.constant 0 : i32
    %dma_start3A_138 = arith.constant 0 : i32
    %dma_start3A_139 = tpu.memref_slice %arg6[%dma_start3A_132, %arg0, %dma_start3A_137, %dma_start3A_138] : memref<3x2x10240x64xf32, #tpu.memory_space<hbm>> -> memref<1x1x10240x64xf32, #tpu.memory_space<hbm>>
    %dma_start3A_140 = tpu.memref_squeeze %dma_start3A_139 : memref<1x1x10240x64xf32, #tpu.memory_space<hbm>> -> memref<10240x64xf32, #tpu.memory_space<hbm>>
    %dma_start3A_141 = arith.constant 0 : i32
    %dma_start3A_142 = arith.constant 0 : i32
    %dma_start3A_143 = tpu.memref_slice %dma_start3A_140[%dma_start3A_141, %dma_start3A_142] : memref<10240x64xf32, #tpu.memory_space<hbm>> -> memref<10240x64xf32, #tpu.memory_space<hbm>>
    tpu.enqueue_indirect_dma source(%dma_start3A_143 : memref<10240x64xf32, #tpu.memory_space<hbm>>) target(%arg11 : memref<128x64xf32, #tpu.memory_space<vmem>>) offsets(%dma_start3A_136 : memref<128xi32, #tpu.memory_space<vmem>>) semaphore(%arg16 : memref<!tpu.dma_semaphore, #tpu.memory_space<semaphore_mem>>)
    %dma_start3A_144 = arith.constant 0 : i32
    %dma_start3A_145 = arith.constant 3 : i32
    %dma_start3A_146 = arith.constant 0 : i32
    %dma_start3A_147 = tpu.memref_slice %arg7[%dma_start3A_145, %dma_start3A_146] : memref<164x128xi32, #tpu.memory_space<vmem>> -> memref<1x128xi32, #tpu.memory_space<vmem>>
    %dma_start3A_148 = tpu.memref_squeeze %dma_start3A_147 : memref<1x128xi32, #tpu.memory_space<vmem>> -> memref<128xi32, #tpu.memory_space<vmem>>
    %dma_start3A_149 = arith.constant 0 : i32
    %dma_start3A_150 = arith.constant 0 : i32
    %dma_start3A_151 = tpu.memref_slice %arg6[%dma_start3A_144, %arg0, %dma_start3A_149, %dma_start3A_150] : memref<3x2x10240x64xf32, #tpu.memory_space<hbm>> -> memref<1x1x10240x64xf32, #tpu.memory_space<hbm>>
    %dma_start3A_152 = tpu.memref_squeeze %dma_start3A_151 : memref<1x1x10240x64xf32, #tpu.memory_space<hbm>> -> memref<10240x64xf32, #tpu.memory_space<hbm>>
    %dma_start3A_153 = arith.constant 0 : i32
    %dma_start3A_154 = arith.constant 0 : i32
    %dma_start3A_155 = tpu.memref_slice %dma_start3A_152[%dma_start3A_153, %dma_start3A_154] : memref<10240x64xf32, #tpu.memory_space<hbm>> -> memref<10240x64xf32, #tpu.memory_space<hbm>>
    tpu.enqueue_indirect_dma source(%dma_start3A_155 : memref<10240x64xf32, #tpu.memory_space<hbm>>) target(%arg12 : memref<128x64xf32, #tpu.memory_space<vmem>>) offsets(%dma_start3A_148 : memref<128xi32, #tpu.memory_space<vmem>>) semaphore(%arg17 : memref<!tpu.dma_semaphore, #tpu.memory_space<semaphore_mem>>)
    %scan3A_156 = arith.constant 0 : i32
    %scan3A_157 = arith.constant 0 : i32
    %scan3A_158 = arith.constant 0 : i32
    %scan3A_159 = arith.constant 40 : i32
    %scan3A_160 = arith.addi %scan3A_158, %scan3A_159 : i32
    %scan3A_161 = arith.constant 1 : i32
    scf.for %scan3A_343 = %scan3A_158 to %scan3A_160 step %scan3A_161  : i32 {
      %mul3A_344 = arith.constant 4 : i32
      %mul3A_345 = arith.muli %mul3A_344, %scan3A_343 : i32
      %add3A = arith.constant 0 : i32
      %add3A_346 = arith.addi %mul3A_345, %add3A : i32
      %dma_wait3A_347 = arith.constant 0 : i32
      %dma_wait3A_348 = arith.constant 0 : i32
      %dma_wait3A_349 = tpu.memref_slice %arg6[%scan3A_157, %arg0, %dma_wait3A_347, %dma_wait3A_348] : memref<3x2x10240x64xf32, #tpu.memory_space<hbm>> -> memref<1x1x10240x64xf32, #tpu.memory_space<hbm>>
      %dma_wait3A_350 = tpu.memref_squeeze %dma_wait3A_349 : memref<1x1x10240x64xf32, #tpu.memory_space<hbm>> -> memref<10240x64xf32, #tpu.memory_space<hbm>>
      %dma_wait3A_351 = arith.constant 0 : i32
      %dma_wait3A_352 = arith.constant 0 : i32
      %dma_wait3A_353 = tpu.memref_slice %dma_wait3A_350[%dma_wait3A_351, %dma_wait3A_352] : memref<10240x64xf32, #tpu.memory_space<hbm>> -> memref<128x64xf32, #tpu.memory_space<hbm>>
      %dma_wait3A_354 = arith.constant 0 : i32
      %dma_wait3A_355 = arith.constant 0 : i32
      %dma_wait3A_356 = tpu.memref_slice %arg6[%scan3A_157, %arg0, %dma_wait3A_354, %dma_wait3A_355] : memref<3x2x10240x64xf32, #tpu.memory_space<hbm>> -> memref<1x1x10240x64xf32, #tpu.memory_space<hbm>>
      %dma_wait3A_357 = tpu.memref_squeeze %dma_wait3A_356 : memref<1x1x10240x64xf32, #tpu.memory_space<hbm>> -> memref<10240x64xf32, #tpu.memory_space<hbm>>
      %dma_wait3A_358 = arith.constant 0 : i32
      %dma_wait3A_359 = arith.constant 0 : i32
      %dma_wait3A_360 = tpu.memref_slice %dma_wait3A_357[%dma_wait3A_358, %dma_wait3A_359] : memref<10240x64xf32, #tpu.memory_space<hbm>> -> memref<128x64xf32, #tpu.memory_space<hbm>>
      tpu.wait_dma2 semaphore(%arg14 : memref<!tpu.dma_semaphore, #tpu.memory_space<semaphore_mem>>) src(%dma_wait3A_360 : memref<128x64xf32, #tpu.memory_space<hbm>>) dst(%arg9 : memref<128x64xf32, #tpu.memory_space<vmem>>)
      "tpu.region"() ({
        %run_scoped3A_463 = tpu.sem_alloc : memref<!tpu.dma_semaphore, #tpu.memory_space<semaphore_mem>>
        %dma_start3A_464 = arith.constant 0 : i32
        %dma_start3A_465 = tpu.memref_slice %arg8[%add3A_346, %dma_start3A_464] : memref<160x128xi32, #tpu.memory_space<vmem>> -> memref<1x128xi32, #tpu.memory_space<vmem>>
        %dma_start3A_466 = tpu.memref_squeeze %dma_start3A_465 : memref<1x128xi32, #tpu.memory_space<vmem>> -> memref<128xi32, #tpu.memory_space<vmem>>
        %dma_start3A_467 = arith.constant 0 : i32
        %dma_start3A_468 = arith.constant 0 : i32
        %dma_start3A_469 = tpu.memref_slice %arg13[%dma_start3A_467, %dma_start3A_468] : memref<10240x64xf32, #tpu.memory_space<vmem_shared>> -> memref<10240x64xf32, #tpu.memory_space<vmem_shared>>
        tpu.enqueue_indirect_dma source(%arg9 : memref<128x64xf32, #tpu.memory_space<vmem>>) target(%dma_start3A_469 : memref<10240x64xf32, #tpu.memory_space<vmem_shared>>) offsets(%dma_start3A_466 : memref<128xi32, #tpu.memory_space<vmem>>) semaphore(%run_scoped3A_463 : memref<!tpu.dma_semaphore, #tpu.memory_space<semaphore_mem>>) {add = true}
        %dma_wait3A_470 = arith.constant 0 : i32
        %dma_wait3A_471 = tpu.memref_slice %arg8[%add3A_346, %dma_wait3A_470] : memref<160x128xi32, #tpu.memory_space<vmem>> -> memref<1x128xi32, #tpu.memory_space<vmem>>
        %dma_wait3A_472 = tpu.memref_squeeze %dma_wait3A_471 : memref<1x128xi32, #tpu.memory_space<vmem>> -> memref<128xi32, #tpu.memory_space<vmem>>
        %dma_wait3A_473 = arith.constant 0 : i32
        %dma_wait3A_474 = arith.constant 0 : i32
        %dma_wait3A_475 = tpu.memref_slice %arg13[%dma_wait3A_473, %dma_wait3A_474] : memref<10240x64xf32, #tpu.memory_space<vmem_shared>> -> memref<10240x64xf32, #tpu.memory_space<vmem_shared>>
        tpu.wait_indirect_dma semaphore(%run_scoped3A_463 : memref<!tpu.dma_semaphore, #tpu.memory_space<semaphore_mem>>) src(%arg9 : memref<128x64xf32, #tpu.memory_space<vmem>>) dst(%dma_wait3A_475 : memref<10240x64xf32, #tpu.memory_space<vmem_shared>>)
        tpu.yield
      }) : () -> ()
      %add3A_361 = arith.constant 4 : i32
      %add3A_362 = arith.addi %add3A_346, %add3A_361 : i32
      %dma_start3A_363 = arith.constant 0 : i32
      %dma_start3A_364 = tpu.memref_slice %arg7[%add3A_362, %dma_start3A_363] : memref<164x128xi32, #tpu.memory_space<vmem>> -> memref<1x128xi32, #tpu.memory_space<vmem>>
      %dma_start3A_365 = tpu.memref_squeeze %dma_start3A_364 : memref<1x128xi32, #tpu.memory_space<vmem>> -> memref<128xi32, #tpu.memory_space<vmem>>
      %dma_start3A_366 = arith.constant 0 : i32
      %dma_start3A_367 = arith.constant 0 : i32
      %dma_start3A_368 = tpu.memref_slice %arg6[%scan3A_157, %arg0, %dma_start3A_366, %dma_start3A_367] : memref<3x2x10240x64xf32, #tpu.memory_space<hbm>> -> memref<1x1x10240x64xf32, #tpu.memory_space<hbm>>
      %dma_start3A_369 = tpu.memref_squeeze %dma_start3A_368 : memref<1x1x10240x64xf32, #tpu.memory_space<hbm>> -> memref<10240x64xf32, #tpu.memory_space<hbm>>
      %dma_start3A_370 = arith.constant 0 : i32
      %dma_start3A_371 = arith.constant 0 : i32
      %dma_start3A_372 = tpu.memref_slice %dma_start3A_369[%dma_start3A_370, %dma_start3A_371] : memref<10240x64xf32, #tpu.memory_space<hbm>> -> memref<10240x64xf32, #tpu.memory_space<hbm>>
      tpu.enqueue_indirect_dma source(%dma_start3A_372 : memref<10240x64xf32, #tpu.memory_space<hbm>>) target(%arg9 : memref<128x64xf32, #tpu.memory_space<vmem>>) offsets(%dma_start3A_365 : memref<128xi32, #tpu.memory_space<vmem>>) semaphore(%arg14 : memref<!tpu.dma_semaphore, #tpu.memory_space<semaphore_mem>>)
      %mul3A_373 = arith.constant 4 : i32
      %mul3A_374 = arith.muli %mul3A_373, %scan3A_343 : i32
      %add3A_375 = arith.constant 1 : i32
      %add3A_376 = arith.addi %mul3A_374, %add3A_375 : i32
      %dma_wait3A_377 = arith.constant 0 : i32
      %dma_wait3A_378 = arith.constant 0 : i32
      %dma_wait3A_379 = tpu.memref_slice %arg6[%scan3A_157, %arg0, %dma_wait3A_377, %dma_wait3A_378] : memref<3x2x10240x64xf32, #tpu.memory_space<hbm>> -> memref<1x1x10240x64xf32, #tpu.memory_space<hbm>>
      %dma_wait3A_380 = tpu.memref_squeeze %dma_wait3A_379 : memref<1x1x10240x64xf32, #tpu.memory_space<hbm>> -> memref<10240x64xf32, #tpu.memory_space<hbm>>
      %dma_wait3A_381 = arith.constant 0 : i32
      %dma_wait3A_382 = arith.constant 0 : i32
      %dma_wait3A_383 = tpu.memref_slice %dma_wait3A_380[%dma_wait3A_381, %dma_wait3A_382] : memref<10240x64xf32, #tpu.memory_space<hbm>> -> memref<128x64xf32, #tpu.memory_space<hbm>>
      %dma_wait3A_384 = arith.constant 0 : i32
      %dma_wait3A_385 = arith.constant 0 : i32
      %dma_wait3A_386 = tpu.memref_slice %arg6[%scan3A_157, %arg0, %dma_wait3A_384, %dma_wait3A_385] : memref<3x2x10240x64xf32, #tpu.memory_space<hbm>> -> memref<1x1x10240x64xf32, #tpu.memory_space<hbm>>
      %dma_wait3A_387 = tpu.memref_squeeze %dma_wait3A_386 : memref<1x1x10240x64xf32, #tpu.memory_space<hbm>> -> memref<10240x64xf32, #tpu.memory_space<hbm>>
      %dma_wait3A_388 = arith.constant 0 : i32
      %dma_wait3A_389 = arith.constant 0 : i32
      %dma_wait3A_390 = tpu.memref_slice %dma_wait3A_387[%dma_wait3A_388, %dma_wait3A_389] : memref<10240x64xf32, #tpu.memory_space<hbm>> -> memref<128x64xf32, #tpu.memory_space<hbm>>
      tpu.wait_dma2 semaphore(%arg15 : memref<!tpu.dma_semaphore, #tpu.memory_space<semaphore_mem>>) src(%dma_wait3A_390 : memref<128x64xf32, #tpu.memory_space<hbm>>) dst(%arg10 : memref<128x64xf32, #tpu.memory_space<vmem>>)
      "tpu.region"() ({
        %run_scoped3A_463 = tpu.sem_alloc : memref<!tpu.dma_semaphore, #tpu.memory_space<semaphore_mem>>
        %dma_start3A_464 = arith.constant 0 : i32
        %dma_start3A_465 = tpu.memref_slice %arg8[%add3A_376, %dma_start3A_464] : memref<160x128xi32, #tpu.memory_space<vmem>> -> memref<1x128xi32, #tpu.memory_space<vmem>>
        %dma_start3A_466 = tpu.memref_squeeze %dma_start3A_465 : memref<1x128xi32, #tpu.memory_space<vmem>> -> memref<128xi32, #tpu.memory_space<vmem>>
        %dma_start3A_467 = arith.constant 0 : i32
        %dma_start3A_468 = arith.constant 0 : i32
        %dma_start3A_469 = tpu.memref_slice %arg13[%dma_start3A_467, %dma_start3A_468] : memref<10240x64xf32, #tpu.memory_space<vmem_shared>> -> memref<10240x64xf32, #tpu.memory_space<vmem_shared>>
        tpu.enqueue_indirect_dma source(%arg10 : memref<128x64xf32, #tpu.memory_space<vmem>>) target(%dma_start3A_469 : memref<10240x64xf32, #tpu.memory_space<vmem_shared>>) offsets(%dma_start3A_466 : memref<128xi32, #tpu.memory_space<vmem>>) semaphore(%run_scoped3A_463 : memref<!tpu.dma_semaphore, #tpu.memory_space<semaphore_mem>>) {add = true}
        %dma_wait3A_470 = arith.constant 0 : i32
        %dma_wait3A_471 = tpu.memref_slice %arg8[%add3A_376, %dma_wait3A_470] : memref<160x128xi32, #tpu.memory_space<vmem>> -> memref<1x128xi32, #tpu.memory_space<vmem>>
        %dma_wait3A_472 = tpu.memref_squeeze %dma_wait3A_471 : memref<1x128xi32, #tpu.memory_space<vmem>> -> memref<128xi32, #tpu.memory_space<vmem>>
        %dma_wait3A_473 = arith.constant 0 : i32
        %dma_wait3A_474 = arith.constant 0 : i32
        %dma_wait3A_475 = tpu.memref_slice %arg13[%dma_wait3A_473, %dma_wait3A_474] : memref<10240x64xf32, #tpu.memory_space<vmem_shared>> -> memref<10240x64xf32, #tpu.memory_space<vmem_shared>>
        tpu.wait_indirect_dma semaphore(%run_scoped3A_463 : memref<!tpu.dma_semaphore, #tpu.memory_space<semaphore_mem>>) src(%arg10 : memref<128x64xf32, #tpu.memory_space<vmem>>) dst(%dma_wait3A_475 : memref<10240x64xf32, #tpu.memory_space<vmem_shared>>)
        tpu.yield
      }) : () -> ()
      %add3A_391 = arith.constant 4 : i32
      %add3A_392 = arith.addi %add3A_376, %add3A_391 : i32
      %dma_start3A_393 = arith.constant 0 : i32
      %dma_start3A_394 = tpu.memref_slice %arg7[%add3A_392, %dma_start3A_393] : memref<164x128xi32, #tpu.memory_space<vmem>> -> memref<1x128xi32, #tpu.memory_space<vmem>>
      %dma_start3A_395 = tpu.memref_squeeze %dma_start3A_394 : memref<1x128xi32, #tpu.memory_space<vmem>> -> memref<128xi32, #tpu.memory_space<vmem>>
      %dma_start3A_396 = arith.constant 0 : i32
      %dma_start3A_397 = arith.constant 0 : i32
      %dma_start3A_398 = tpu.memref_slice %arg6[%scan3A_157, %arg0, %dma_start3A_396, %dma_start3A_397] : memref<3x2x10240x64xf32, #tpu.memory_space<hbm>> -> memref<1x1x10240x64xf32, #tpu.memory_space<hbm>>
      %dma_start3A_399 = tpu.memref_squeeze %dma_start3A_398 : memref<1x1x10240x64xf32, #tpu.memory_space<hbm>> -> memref<10240x64xf32, #tpu.memory_space<hbm>>
      %dma_start3A_400 = arith.constant 0 : i32
      %dma_start3A_401 = arith.constant 0 : i32
      %dma_start3A_402 = tpu.memref_slice %dma_start3A_399[%dma_start3A_400, %dma_start3A_401] : memref<10240x64xf32, #tpu.memory_space<hbm>> -> memref<10240x64xf32, #tpu.memory_space<hbm>>
      tpu.enqueue_indirect_dma source(%dma_start3A_402 : memref<10240x64xf32, #tpu.memory_space<hbm>>) target(%arg10 : memref<128x64xf32, #tpu.memory_space<vmem>>) offsets(%dma_start3A_395 : memref<128xi32, #tpu.memory_space<vmem>>) semaphore(%arg15 : memref<!tpu.dma_semaphore, #tpu.memory_space<semaphore_mem>>)
      %mul3A_403 = arith.constant 4 : i32
      %mul3A_404 = arith.muli %mul3A_403, %scan3A_343 : i32
      %add3A_405 = arith.constant 2 : i32
      %add3A_406 = arith.addi %mul3A_404, %add3A_405 : i32
      %dma_wait3A_407 = arith.constant 0 : i32
      %dma_wait3A_408 = arith.constant 0 : i32
      %dma_wait3A_409 = tpu.memref_slice %arg6[%scan3A_157, %arg0, %dma_wait3A_407, %dma_wait3A_408] : memref<3x2x10240x64xf32, #tpu.memory_space<hbm>> -> memref<1x1x10240x64xf32, #tpu.memory_space<hbm>>
      %dma_wait3A_410 = tpu.memref_squeeze %dma_wait3A_409 : memref<1x1x10240x64xf32, #tpu.memory_space<hbm>> -> memref<10240x64xf32, #tpu.memory_space<hbm>>
      %dma_wait3A_411 = arith.constant 0 : i32
      %dma_wait3A_412 = arith.constant 0 : i32
      %dma_wait3A_413 = tpu.memref_slice %dma_wait3A_410[%dma_wait3A_411, %dma_wait3A_412] : memref<10240x64xf32, #tpu.memory_space<hbm>> -> memref<128x64xf32, #tpu.memory_space<hbm>>
      %dma_wait3A_414 = arith.constant 0 : i32
      %dma_wait3A_415 = arith.constant 0 : i32
      %dma_wait3A_416 = tpu.memref_slice %arg6[%scan3A_157, %arg0, %dma_wait3A_414, %dma_wait3A_415] : memref<3x2x10240x64xf32, #tpu.memory_space<hbm>> -> memref<1x1x10240x64xf32, #tpu.memory_space<hbm>>
      %dma_wait3A_417 = tpu.memref_squeeze %dma_wait3A_416 : memref<1x1x10240x64xf32, #tpu.memory_space<hbm>> -> memref<10240x64xf32, #tpu.memory_space<hbm>>
      %dma_wait3A_418 = arith.constant 0 : i32
      %dma_wait3A_419 = arith.constant 0 : i32
      %dma_wait3A_420 = tpu.memref_slice %dma_wait3A_417[%dma_wait3A_418, %dma_wait3A_419] : memref<10240x64xf32, #tpu.memory_space<hbm>> -> memref<128x64xf32, #tpu.memory_space<hbm>>
      tpu.wait_dma2 semaphore(%arg16 : memref<!tpu.dma_semaphore, #tpu.memory_space<semaphore_mem>>) src(%dma_wait3A_420 : memref<128x64xf32, #tpu.memory_space<hbm>>) dst(%arg11 : memref<128x64xf32, #tpu.memory_space<vmem>>)
      "tpu.region"() ({
        %run_scoped3A_463 = tpu.sem_alloc : memref<!tpu.dma_semaphore, #tpu.memory_space<semaphore_mem>>
        %dma_start3A_464 = arith.constant 0 : i32
        %dma_start3A_465 = tpu.memref_slice %arg8[%add3A_406, %dma_start3A_464] : memref<160x128xi32, #tpu.memory_space<vmem>> -> memref<1x128xi32, #tpu.memory_space<vmem>>
        %dma_start3A_466 = tpu.memref_squeeze %dma_start3A_465 : memref<1x128xi32, #tpu.memory_space<vmem>> -> memref<128xi32, #tpu.memory_space<vmem>>
        %dma_start3A_467 = arith.constant 0 : i32
        %dma_start3A_468 = arith.constant 0 : i32
        %dma_start3A_469 = tpu.memref_slice %arg13[%dma_start3A_467, %dma_start3A_468] : memref<10240x64xf32, #tpu.memory_space<vmem_shared>> -> memref<10240x64xf32, #tpu.memory_space<vmem_shared>>
        tpu.enqueue_indirect_dma source(%arg11 : memref<128x64xf32, #tpu.memory_space<vmem>>) target(%dma_start3A_469 : memref<10240x64xf32, #tpu.memory_space<vmem_shared>>) offsets(%dma_start3A_466 : memref<128xi32, #tpu.memory_space<vmem>>) semaphore(%run_scoped3A_463 : memref<!tpu.dma_semaphore, #tpu.memory_space<semaphore_mem>>) {add = true}
        %dma_wait3A_470 = arith.constant 0 : i32
        %dma_wait3A_471 = tpu.memref_slice %arg8[%add3A_406, %dma_wait3A_470] : memref<160x128xi32, #tpu.memory_space<vmem>> -> memref<1x128xi32, #tpu.memory_space<vmem>>
        %dma_wait3A_472 = tpu.memref_squeeze %dma_wait3A_471 : memref<1x128xi32, #tpu.memory_space<vmem>> -> memref<128xi32, #tpu.memory_space<vmem>>
        %dma_wait3A_473 = arith.constant 0 : i32
        %dma_wait3A_474 = arith.constant 0 : i32
        %dma_wait3A_475 = tpu.memref_slice %arg13[%dma_wait3A_473, %dma_wait3A_474] : memref<10240x64xf32, #tpu.memory_space<vmem_shared>> -> memref<10240x64xf32, #tpu.memory_space<vmem_shared>>
        tpu.wait_indirect_dma semaphore(%run_scoped3A_463 : memref<!tpu.dma_semaphore, #tpu.memory_space<semaphore_mem>>) src(%arg11 : memref<128x64xf32, #tpu.memory_space<vmem>>) dst(%dma_wait3A_475 : memref<10240x64xf32, #tpu.memory_space<vmem_shared>>)
        tpu.yield
      }) : () -> ()
      %add3A_421 = arith.constant 4 : i32
      %add3A_422 = arith.addi %add3A_406, %add3A_421 : i32
      %dma_start3A_423 = arith.constant 0 : i32
      %dma_start3A_424 = tpu.memref_slice %arg7[%add3A_422, %dma_start3A_423] : memref<164x128xi32, #tpu.memory_space<vmem>> -> memref<1x128xi32, #tpu.memory_space<vmem>>
      %dma_start3A_425 = tpu.memref_squeeze %dma_start3A_424 : memref<1x128xi32, #tpu.memory_space<vmem>> -> memref<128xi32, #tpu.memory_space<vmem>>
      %dma_start3A_426 = arith.constant 0 : i32
      %dma_start3A_427 = arith.constant 0 : i32
      %dma_start3A_428 = tpu.memref_slice %arg6[%scan3A_157, %arg0, %dma_start3A_426, %dma_start3A_427] : memref<3x2x10240x64xf32, #tpu.memory_space<hbm>> -> memref<1x1x10240x64xf32, #tpu.memory_space<hbm>>
      %dma_start3A_429 = tpu.memref_squeeze %dma_start3A_428 : memref<1x1x10240x64xf32, #tpu.memory_space<hbm>> -> memref<10240x64xf32, #tpu.memory_space<hbm>>
      %dma_start3A_430 = arith.constant 0 : i32
      %dma_start3A_431 = arith.constant 0 : i32
      %dma_start3A_432 = tpu.memref_slice %dma_start3A_429[%dma_start3A_430, %dma_start3A_431] : memref<10240x64xf32, #tpu.memory_space<hbm>> -> memref<10240x64xf32, #tpu.memory_space<hbm>>
      tpu.enqueue_indirect_dma source(%dma_start3A_432 : memref<10240x64xf32, #tpu.memory_space<hbm>>) target(%arg11 : memref<128x64xf32, #tpu.memory_space<vmem>>) offsets(%dma_start3A_425 : memref<128xi32, #tpu.memory_space<vmem>>) semaphore(%arg16 : memref<!tpu.dma_semaphore, #tpu.memory_space<semaphore_mem>>)
      %mul3A_433 = arith.constant 4 : i32
      %mul3A_434 = arith.muli %mul3A_433, %scan3A_343 : i32
      %add3A_435 = arith.constant 3 : i32
      %add3A_436 = arith.addi %mul3A_434, %add3A_435 : i32
      %dma_wait3A_437 = arith.constant 0 : i32
      %dma_wait3A_438 = arith.constant 0 : i32
      %dma_wait3A_439 = tpu.memref_slice %arg6[%scan3A_157, %arg0, %dma_wait3A_437, %dma_wait3A_438] : memref<3x2x10240x64xf32, #tpu.memory_space<hbm>> -> memref<1x1x10240x64xf32, #tpu.memory_space<hbm>>
      %dma_wait3A_440 = tpu.memref_squeeze %dma_wait3A_439 : memref<1x1x10240x64xf32, #tpu.memory_space<hbm>> -> memref<10240x64xf32, #tpu.memory_space<hbm>>
      %dma_wait3A_441 = arith.constant 0 : i32
      %dma_wait3A_442 = arith.constant 0 : i32
      %dma_wait3A_443 = tpu.memref_slice %dma_wait3A_440[%dma_wait3A_441, %dma_wait3A_442] : memref<10240x64xf32, #tpu.memory_space<hbm>> -> memref<128x64xf32, #tpu.memory_space<hbm>>
      %dma_wait3A_444 = arith.constant 0 : i32
      %dma_wait3A_445 = arith.constant 0 : i32
      %dma_wait3A_446 = tpu.memref_slice %arg6[%scan3A_157, %arg0, %dma_wait3A_444, %dma_wait3A_445] : memref<3x2x10240x64xf32, #tpu.memory_space<hbm>> -> memref<1x1x10240x64xf32, #tpu.memory_space<hbm>>
      %dma_wait3A_447 = tpu.memref_squeeze %dma_wait3A_446 : memref<1x1x10240x64xf32, #tpu.memory_space<hbm>> -> memref<10240x64xf32, #tpu.memory_space<hbm>>
      %dma_wait3A_448 = arith.constant 0 : i32
      %dma_wait3A_449 = arith.constant 0 : i32
      %dma_wait3A_450 = tpu.memref_slice %dma_wait3A_447[%dma_wait3A_448, %dma_wait3A_449] : memref<10240x64xf32, #tpu.memory_space<hbm>> -> memref<128x64xf32, #tpu.memory_space<hbm>>
      tpu.wait_dma2 semaphore(%arg17 : memref<!tpu.dma_semaphore, #tpu.memory_space<semaphore_mem>>) src(%dma_wait3A_450 : memref<128x64xf32, #tpu.memory_space<hbm>>) dst(%arg12 : memref<128x64xf32, #tpu.memory_space<vmem>>)
      "tpu.region"() ({
        %run_scoped3A_463 = tpu.sem_alloc : memref<!tpu.dma_semaphore, #tpu.memory_space<semaphore_mem>>
        %dma_start3A_464 = arith.constant 0 : i32
        %dma_start3A_465 = tpu.memref_slice %arg8[%add3A_436, %dma_start3A_464] : memref<160x128xi32, #tpu.memory_space<vmem>> -> memref<1x128xi32, #tpu.memory_space<vmem>>
        %dma_start3A_466 = tpu.memref_squeeze %dma_start3A_465 : memref<1x128xi32, #tpu.memory_space<vmem>> -> memref<128xi32, #tpu.memory_space<vmem>>
        %dma_start3A_467 = arith.constant 0 : i32
        %dma_start3A_468 = arith.constant 0 : i32
        %dma_start3A_469 = tpu.memref_slice %arg13[%dma_start3A_467, %dma_start3A_468] : memref<10240x64xf32, #tpu.memory_space<vmem_shared>> -> memref<10240x64xf32, #tpu.memory_space<vmem_shared>>
        tpu.enqueue_indirect_dma source(%arg12 : memref<128x64xf32, #tpu.memory_space<vmem>>) target(%dma_start3A_469 : memref<10240x64xf32, #tpu.memory_space<vmem_shared>>) offsets(%dma_start3A_466 : memref<128xi32, #tpu.memory_space<vmem>>) semaphore(%run_scoped3A_463 : memref<!tpu.dma_semaphore, #tpu.memory_space<semaphore_mem>>) {add = true}
        %dma_wait3A_470 = arith.constant 0 : i32
        %dma_wait3A_471 = tpu.memref_slice %arg8[%add3A_436, %dma_wait3A_470] : memref<160x128xi32, #tpu.memory_space<vmem>> -> memref<1x128xi32, #tpu.memory_space<vmem>>
        %dma_wait3A_472 = tpu.memref_squeeze %dma_wait3A_471 : memref<1x128xi32, #tpu.memory_space<vmem>> -> memref<128xi32, #tpu.memory_space<vmem>>
        %dma_wait3A_473 = arith.constant 0 : i32
        %dma_wait3A_474 = arith.constant 0 : i32
        %dma_wait3A_475 = tpu.memref_slice %arg13[%dma_wait3A_473, %dma_wait3A_474] : memref<10240x64xf32, #tpu.memory_space<vmem_shared>> -> memref<10240x64xf32, #tpu.memory_space<vmem_shared>>
        tpu.wait_indirect_dma semaphore(%run_scoped3A_463 : memref<!tpu.dma_semaphore, #tpu.memory_space<semaphore_mem>>) src(%arg12 : memref<128x64xf32, #tpu.memory_space<vmem>>) dst(%dma_wait3A_475 : memref<10240x64xf32, #tpu.memory_space<vmem_shared>>)
        tpu.yield
      }) : () -> ()
      %add3A_451 = arith.constant 4 : i32
      %add3A_452 = arith.addi %add3A_436, %add3A_451 : i32
      %dma_start3A_453 = arith.constant 0 : i32
      %dma_start3A_454 = tpu.memref_slice %arg7[%add3A_452, %dma_start3A_453] : memref<164x128xi32, #tpu.memory_space<vmem>> -> memref<1x128xi32, #tpu.memory_space<vmem>>
      %dma_start3A_455 = tpu.memref_squeeze %dma_start3A_454 : memref<1x128xi32, #tpu.memory_space<vmem>> -> memref<128xi32, #tpu.memory_space<vmem>>
      %dma_start3A_456 = arith.constant 0 : i32
      %dma_start3A_457 = arith.constant 0 : i32
      %dma_start3A_458 = tpu.memref_slice %arg6[%scan3A_157, %arg0, %dma_start3A_456, %dma_start3A_457] : memref<3x2x10240x64xf32, #tpu.memory_space<hbm>> -> memref<1x1x10240x64xf32, #tpu.memory_space<hbm>>
      %dma_start3A_459 = tpu.memref_squeeze %dma_start3A_458 : memref<1x1x10240x64xf32, #tpu.memory_space<hbm>> -> memref<10240x64xf32, #tpu.memory_space<hbm>>
      %dma_start3A_460 = arith.constant 0 : i32
      %dma_start3A_461 = arith.constant 0 : i32
      %dma_start3A_462 = tpu.memref_slice %dma_start3A_459[%dma_start3A_460, %dma_start3A_461] : memref<10240x64xf32, #tpu.memory_space<hbm>> -> memref<10240x64xf32, #tpu.memory_space<hbm>>
      tpu.enqueue_indirect_dma source(%dma_start3A_462 : memref<10240x64xf32, #tpu.memory_space<hbm>>) target(%arg12 : memref<128x64xf32, #tpu.memory_space<vmem>>) offsets(%dma_start3A_455 : memref<128xi32, #tpu.memory_space<vmem>>) semaphore(%arg17 : memref<!tpu.dma_semaphore, #tpu.memory_space<semaphore_mem>>)
    }
    %scan3A_162 = arith.constant 40 : i32
    %dma_wait3A_163 = arith.constant 0 : i32
    %dma_wait3A_164 = arith.constant 0 : i32
    %dma_wait3A_165 = arith.constant 0 : i32
    %dma_wait3A_166 = tpu.memref_slice %arg6[%dma_wait3A_163, %arg0, %dma_wait3A_164, %dma_wait3A_165] : memref<3x2x10240x64xf32, #tpu.memory_space<hbm>> -> memref<1x1x10240x64xf32, #tpu.memory_space<hbm>>
    %dma_wait3A_167 = tpu.memref_squeeze %dma_wait3A_166 : memref<1x1x10240x64xf32, #tpu.memory_space<hbm>> -> memref<10240x64xf32, #tpu.memory_space<hbm>>
    %dma_wait3A_168 = arith.constant 0 : i32
    %dma_wait3A_169 = arith.constant 0 : i32
    %dma_wait3A_170 = tpu.memref_slice %dma_wait3A_167[%dma_wait3A_168, %dma_wait3A_169] : memref<10240x64xf32, #tpu.memory_space<hbm>> -> memref<128x64xf32, #tpu.memory_space<hbm>>
    %dma_wait3A_171 = arith.constant 0 : i32
    %dma_wait3A_172 = arith.constant 0 : i32
    %dma_wait3A_173 = tpu.memref_slice %arg6[%dma_wait3A_163, %arg0, %dma_wait3A_171, %dma_wait3A_172] : memref<3x2x10240x64xf32, #tpu.memory_space<hbm>> -> memref<1x1x10240x64xf32, #tpu.memory_space<hbm>>
    %dma_wait3A_174 = tpu.memref_squeeze %dma_wait3A_173 : memref<1x1x10240x64xf32, #tpu.memory_space<hbm>> -> memref<10240x64xf32, #tpu.memory_space<hbm>>
    %dma_wait3A_175 = arith.constant 0 : i32
    %dma_wait3A_176 = arith.constant 0 : i32
    %dma_wait3A_177 = tpu.memref_slice %dma_wait3A_174[%dma_wait3A_175, %dma_wait3A_176] : memref<10240x64xf32, #tpu.memory_space<hbm>> -> memref<128x64xf32, #tpu.memory_space<hbm>>
    tpu.wait_dma2 semaphore(%arg14 : memref<!tpu.dma_semaphore, #tpu.memory_space<semaphore_mem>>) src(%dma_wait3A_177 : memref<128x64xf32, #tpu.memory_space<hbm>>) dst(%arg9 : memref<128x64xf32, #tpu.memory_space<vmem>>)
    %dma_wait3A_178 = arith.constant 0 : i32
    %dma_wait3A_179 = arith.constant 0 : i32
    %dma_wait3A_180 = arith.constant 0 : i32
    %dma_wait3A_181 = tpu.memref_slice %arg6[%dma_wait3A_178, %arg0, %dma_wait3A_179, %dma_wait3A_180] : memref<3x2x10240x64xf32, #tpu.memory_space<hbm>> -> memref<1x1x10240x64xf32, #tpu.memory_space<hbm>>
    %dma_wait3A_182 = tpu.memref_squeeze %dma_wait3A_181 : memref<1x1x10240x64xf32, #tpu.memory_space<hbm>> -> memref<10240x64xf32, #tpu.memory_space<hbm>>
    %dma_wait3A_183 = arith.constant 0 : i32
    %dma_wait3A_184 = arith.constant 0 : i32
    %dma_wait3A_185 = tpu.memref_slice %dma_wait3A_182[%dma_wait3A_183, %dma_wait3A_184] : memref<10240x64xf32, #tpu.memory_space<hbm>> -> memref<128x64xf32, #tpu.memory_space<hbm>>
    %dma_wait3A_186 = arith.constant 0 : i32
    %dma_wait3A_187 = arith.constant 0 : i32
    %dma_wait3A_188 = tpu.memref_slice %arg6[%dma_wait3A_178, %arg0, %dma_wait3A_186, %dma_wait3A_187] : memref<3x2x10240x64xf32, #tpu.memory_space<hbm>> -> memref<1x1x10240x64xf32, #tpu.memory_space<hbm>>
    %dma_wait3A_189 = tpu.memref_squeeze %dma_wait3A_188 : memref<1x1x10240x64xf32, #tpu.memory_space<hbm>> -> memref<10240x64xf32, #tpu.memory_space<hbm>>
    %dma_wait3A_190 = arith.constant 0 : i32
    %dma_wait3A_191 = arith.constant 0 : i32
    %dma_wait3A_192 = tpu.memref_slice %dma_wait3A_189[%dma_wait3A_190, %dma_wait3A_191] : memref<10240x64xf32, #tpu.memory_space<hbm>> -> memref<128x64xf32, #tpu.memory_space<hbm>>
    tpu.wait_dma2 semaphore(%arg15 : memref<!tpu.dma_semaphore, #tpu.memory_space<semaphore_mem>>) src(%dma_wait3A_192 : memref<128x64xf32, #tpu.memory_space<hbm>>) dst(%arg10 : memref<128x64xf32, #tpu.memory_space<vmem>>)
    %dma_wait3A_193 = arith.constant 0 : i32
    %dma_wait3A_194 = arith.constant 0 : i32
    %dma_wait3A_195 = arith.constant 0 : i32
    %dma_wait3A_196 = tpu.memref_slice %arg6[%dma_wait3A_193, %arg0, %dma_wait3A_194, %dma_wait3A_195] : memref<3x2x10240x64xf32, #tpu.memory_space<hbm>> -> memref<1x1x10240x64xf32, #tpu.memory_space<hbm>>
    %dma_wait3A_197 = tpu.memref_squeeze %dma_wait3A_196 : memref<1x1x10240x64xf32, #tpu.memory_space<hbm>> -> memref<10240x64xf32, #tpu.memory_space<hbm>>
    %dma_wait3A_198 = arith.constant 0 : i32
    %dma_wait3A_199 = arith.constant 0 : i32
    %dma_wait3A_200 = tpu.memref_slice %dma_wait3A_197[%dma_wait3A_198, %dma_wait3A_199] : memref<10240x64xf32, #tpu.memory_space<hbm>> -> memref<128x64xf32, #tpu.memory_space<hbm>>
    %dma_wait3A_201 = arith.constant 0 : i32
    %dma_wait3A_202 = arith.constant 0 : i32
    %dma_wait3A_203 = tpu.memref_slice %arg6[%dma_wait3A_193, %arg0, %dma_wait3A_201, %dma_wait3A_202] : memref<3x2x10240x64xf32, #tpu.memory_space<hbm>> -> memref<1x1x10240x64xf32, #tpu.memory_space<hbm>>
    %dma_wait3A_204 = tpu.memref_squeeze %dma_wait3A_203 : memref<1x1x10240x64xf32, #tpu.memory_space<hbm>> -> memref<10240x64xf32, #tpu.memory_space<hbm>>
    %dma_wait3A_205 = arith.constant 0 : i32
    %dma_wait3A_206 = arith.constant 0 : i32
    %dma_wait3A_207 = tpu.memref_slice %dma_wait3A_204[%dma_wait3A_205, %dma_wait3A_206] : memref<10240x64xf32, #tpu.memory_space<hbm>> -> memref<128x64xf32, #tpu.memory_space<hbm>>
    tpu.wait_dma2 semaphore(%arg16 : memref<!tpu.dma_semaphore, #tpu.memory_space<semaphore_mem>>) src(%dma_wait3A_207 : memref<128x64xf32, #tpu.memory_space<hbm>>) dst(%arg11 : memref<128x64xf32, #tpu.memory_space<vmem>>)
    %dma_wait3A_208 = arith.constant 0 : i32
    %dma_wait3A_209 = arith.constant 0 : i32
    %dma_wait3A_210 = arith.constant 0 : i32
    %dma_wait3A_211 = tpu.memref_slice %arg6[%dma_wait3A_208, %arg0, %dma_wait3A_209, %dma_wait3A_210] : memref<3x2x10240x64xf32, #tpu.memory_space<hbm>> -> memref<1x1x10240x64xf32, #tpu.memory_space<hbm>>
    %dma_wait3A_212 = tpu.memref_squeeze %dma_wait3A_211 : memref<1x1x10240x64xf32, #tpu.memory_space<hbm>> -> memref<10240x64xf32, #tpu.memory_space<hbm>>
    %dma_wait3A_213 = arith.constant 0 : i32
    %dma_wait3A_214 = arith.constant 0 : i32
    %dma_wait3A_215 = tpu.memref_slice %dma_wait3A_212[%dma_wait3A_213, %dma_wait3A_214] : memref<10240x64xf32, #tpu.memory_space<hbm>> -> memref<128x64xf32, #tpu.memory_space<hbm>>
    %dma_wait3A_216 = arith.constant 0 : i32
    %dma_wait3A_217 = arith.constant 0 : i32
    %dma_wait3A_218 = tpu.memref_slice %arg6[%dma_wait3A_208, %arg0, %dma_wait3A_216, %dma_wait3A_217] : memref<3x2x10240x64xf32, #tpu.memory_space<hbm>> -> memref<1x1x10240x64xf32, #tpu.memory_space<hbm>>
    %dma_wait3A_219 = tpu.memref_squeeze %dma_wait3A_218 : memref<1x1x10240x64xf32, #tpu.memory_space<hbm>> -> memref<10240x64xf32, #tpu.memory_space<hbm>>
    %dma_wait3A_220 = arith.constant 0 : i32
    %dma_wait3A_221 = arith.constant 0 : i32
    %dma_wait3A_222 = tpu.memref_slice %dma_wait3A_219[%dma_wait3A_220, %dma_wait3A_221] : memref<10240x64xf32, #tpu.memory_space<hbm>> -> memref<128x64xf32, #tpu.memory_space<hbm>>
    tpu.wait_dma2 semaphore(%arg17 : memref<!tpu.dma_semaphore, #tpu.memory_space<semaphore_mem>>) src(%dma_wait3A_222 : memref<128x64xf32, #tpu.memory_space<hbm>>) dst(%arg12 : memref<128x64xf32, #tpu.memory_space<vmem>>)
    %barrier3A_223 = arith.constant 0 : index
    tpu.barrier barrier_id(%barrier3A_223)
    %run_scoped3A_224 = arith.constant 1 : i32
    "tpu.region"() ({
      %run_scoped3A_343 = tpu.sem_alloc : memref<!tpu.dma_semaphore, #tpu.memory_space<semaphore_mem>>
      %dma_start3A_344 = arith.constant 0 : i32
      %dma_start3A_345 = tpu.memref_slice %arg6[%run_scoped3A_224, %arg0, %mul3A_0, %dma_start3A_344] : memref<3x2x10240x64xf32, #tpu.memory_space<hbm>> -> memref<1x1x640x64xf32, #tpu.memory_space<hbm>>
      %dma_start3A_346 = tpu.memref_squeeze %dma_start3A_345 : memref<1x1x640x64xf32, #tpu.memory_space<hbm>> -> memref<640x64xf32, #tpu.memory_space<hbm>>
      %dma_start3A_347 = arith.constant 0 : i32
      %dma_start3A_348 = tpu.memref_slice %arg13[%mul3A_0, %dma_start3A_347] : memref<10240x64xf32, #tpu.memory_space<vmem_shared>> -> memref<640x64xf32, #tpu.memory_space<vmem_shared>>
      tpu.enqueue_dma source(%dma_start3A_348 : memref<640x64xf32, #tpu.memory_space<vmem_shared>>) target(%dma_start3A_346 : memref<640x64xf32, #tpu.memory_space<hbm>>) target_semaphore(%run_scoped3A_343 : memref<!tpu.dma_semaphore, #tpu.memory_space<semaphore_mem>>)
      %dma_wait3A_349 = arith.constant 0 : i32
      %dma_wait3A_350 = tpu.memref_slice %arg6[%run_scoped3A_224, %arg0, %mul3A_0, %dma_wait3A_349] : memref<3x2x10240x64xf32, #tpu.memory_space<hbm>> -> memref<1x1x640x64xf32, #tpu.memory_space<hbm>>
      %dma_wait3A_351 = tpu.memref_squeeze %dma_wait3A_350 : memref<1x1x640x64xf32, #tpu.memory_space<hbm>> -> memref<640x64xf32, #tpu.memory_space<hbm>>
      %dma_wait3A_352 = arith.constant 0 : i32
      %dma_wait3A_353 = tpu.memref_slice %arg13[%mul3A_0, %dma_wait3A_352] : memref<10240x64xf32, #tpu.memory_space<vmem_shared>> -> memref<640x64xf32, #tpu.memory_space<vmem_shared>>
      tpu.wait_dma2 semaphore(%run_scoped3A_343 : memref<!tpu.dma_semaphore, #tpu.memory_space<semaphore_mem>>) src(%dma_wait3A_353 : memref<640x64xf32, #tpu.memory_space<vmem_shared>>) dst(%dma_wait3A_351 : memref<640x64xf32, #tpu.memory_space<hbm>>)
      tpu.yield
    }) : () -> ()
    "tpu.region"() ({
      %run_scoped3A_343 = tpu.sem_alloc : memref<!tpu.dma_semaphore, #tpu.memory_space<semaphore_mem>>
      %dma_start3A_344 = arith.constant 0 : i32
      %dma_start3A_345 = tpu.memref_slice %arg13[%mul3A_0, %dma_start3A_344] : memref<10240x64xf32, #tpu.memory_space<vmem_shared>> -> memref<640x64xf32, #tpu.memory_space<vmem_shared>>
      tpu.enqueue_dma source(%arg5 : memref<640x64xf32, #tpu.memory_space<hbm>>) target(%dma_start3A_345 : memref<640x64xf32, #tpu.memory_space<vmem_shared>>) target_semaphore(%run_scoped3A_343 : memref<!tpu.dma_semaphore, #tpu.memory_space<semaphore_mem>>)
      %dma_wait3A_346 = arith.constant 0 : i32
      %dma_wait3A_347 = tpu.memref_slice %arg13[%mul3A_0, %dma_wait3A_346] : memref<10240x64xf32, #tpu.memory_space<vmem_shared>> -> memref<640x64xf32, #tpu.memory_space<vmem_shared>>
      tpu.wait_dma2 semaphore(%run_scoped3A_343 : memref<!tpu.dma_semaphore, #tpu.memory_space<semaphore_mem>>) src(%arg5 : memref<640x64xf32, #tpu.memory_space<hbm>>) dst(%dma_wait3A_347 : memref<640x64xf32, #tpu.memory_space<vmem_shared>>)
      tpu.yield
    }) : () -> ()
    %barrier3A_225 = arith.constant 0 : index
    tpu.barrier barrier_id(%barrier3A_225)
    %dma_start3A_226 = arith.constant 1 : i32
    %dma_start3A_227 = arith.constant 0 : i32
    %dma_start3A_228 = arith.constant 0 : i32
    %dma_start3A_229 = tpu.memref_slice %arg7[%dma_start3A_227, %dma_start3A_228] : memref<164x128xi32, #tpu.memory_space<vmem>> -> memref<1x128xi32, #tpu.memory_space<vmem>>
    %dma_start3A_230 = tpu.memref_squeeze %dma_start3A_229 : memref<1x128xi32, #tpu.memory_space<vmem>> -> memref<128xi32, #tpu.memory_space<vmem>>
    %dma_start3A_231 = arith.constant 0 : i32
    %dma_start3A_232 = arith.constant 0 : i32
    %dma_start3A_233 = tpu.memref_slice %arg6[%dma_start3A_226, %arg0, %dma_start3A_231, %dma_start3A_232] : memref<3x2x10240x64xf32, #tpu.memory_space<hbm>> -> memref<1x1x10240x64xf32, #tpu.memory_space<hbm>>
    %dma_start3A_234 = tpu.memref_squeeze %dma_start3A_233 : memref<1x1x10240x64xf32, #tpu.memory_space<hbm>> -> memref<10240x64xf32, #tpu.memory_space<hbm>>
    %dma_start3A_235 = arith.constant 0 : i32
    %dma_start3A_236 = arith.constant 0 : i32
    %dma_start3A_237 = tpu.memref_slice %dma_start3A_234[%dma_start3A_235, %dma_start3A_236] : memref<10240x64xf32, #tpu.memory_space<hbm>> -> memref<10240x64xf32, #tpu.memory_space<hbm>>
    tpu.enqueue_indirect_dma source(%dma_start3A_237 : memref<10240x64xf32, #tpu.memory_space<hbm>>) target(%arg9 : memref<128x64xf32, #tpu.memory_space<vmem>>) offsets(%dma_start3A_230 : memref<128xi32, #tpu.memory_space<vmem>>) semaphore(%arg14 : memref<!tpu.dma_semaphore, #tpu.memory_space<semaphore_mem>>)
    %dma_start3A_238 = arith.constant 1 : i32
    %dma_start3A_239 = arith.constant 1 : i32
    %dma_start3A_240 = arith.constant 0 : i32
    %dma_start3A_241 = tpu.memref_slice %arg7[%dma_start3A_239, %dma_start3A_240] : memref<164x128xi32, #tpu.memory_space<vmem>> -> memref<1x128xi32, #tpu.memory_space<vmem>>
    %dma_start3A_242 = tpu.memref_squeeze %dma_start3A_241 : memref<1x128xi32, #tpu.memory_space<vmem>> -> memref<128xi32, #tpu.memory_space<vmem>>
    %dma_start3A_243 = arith.constant 0 : i32
    %dma_start3A_244 = arith.constant 0 : i32
    %dma_start3A_245 = tpu.memref_slice %arg6[%dma_start3A_238, %arg0, %dma_start3A_243, %dma_start3A_244] : memref<3x2x10240x64xf32, #tpu.memory_space<hbm>> -> memref<1x1x10240x64xf32, #tpu.memory_space<hbm>>
    %dma_start3A_246 = tpu.memref_squeeze %dma_start3A_245 : memref<1x1x10240x64xf32, #tpu.memory_space<hbm>> -> memref<10240x64xf32, #tpu.memory_space<hbm>>
    %dma_start3A_247 = arith.constant 0 : i32
    %dma_start3A_248 = arith.constant 0 : i32
    %dma_start3A_249 = tpu.memref_slice %dma_start3A_246[%dma_start3A_247, %dma_start3A_248] : memref<10240x64xf32, #tpu.memory_space<hbm>> -> memref<10240x64xf32, #tpu.memory_space<hbm>>
    tpu.enqueue_indirect_dma source(%dma_start3A_249 : memref<10240x64xf32, #tpu.memory_space<hbm>>) target(%arg10 : memref<128x64xf32, #tpu.memory_space<vmem>>) offsets(%dma_start3A_242 : memref<128xi32, #tpu.memory_space<vmem>>) semaphore(%arg15 : memref<!tpu.dma_semaphore, #tpu.memory_space<semaphore_mem>>)
    %dma_start3A_250 = arith.constant 1 : i32
    %dma_start3A_251 = arith.constant 2 : i32
    %dma_start3A_252 = arith.constant 0 : i32
    %dma_start3A_253 = tpu.memref_slice %arg7[%dma_start3A_251, %dma_start3A_252] : memref<164x128xi32, #tpu.memory_space<vmem>> -> memref<1x128xi32, #tpu.memory_space<vmem>>
    %dma_start3A_254 = tpu.memref_squeeze %dma_start3A_253 : memref<1x128xi32, #tpu.memory_space<vmem>> -> memref<128xi32, #tpu.memory_space<vmem>>
    %dma_start3A_255 = arith.constant 0 : i32
    %dma_start3A_256 = arith.constant 0 : i32
    %dma_start3A_257 = tpu.memref_slice %arg6[%dma_start3A_250, %arg0, %dma_start3A_255, %dma_start3A_256] : memref<3x2x10240x64xf32, #tpu.memory_space<hbm>> -> memref<1x1x10240x64xf32, #tpu.memory_space<hbm>>
    %dma_start3A_258 = tpu.memref_squeeze %dma_start3A_257 : memref<1x1x10240x64xf32, #tpu.memory_space<hbm>> -> memref<10240x64xf32, #tpu.memory_space<hbm>>
    %dma_start3A_259 = arith.constant 0 : i32
    %dma_start3A_260 = arith.constant 0 : i32
    %dma_start3A_261 = tpu.memref_slice %dma_start3A_258[%dma_start3A_259, %dma_start3A_260] : memref<10240x64xf32, #tpu.memory_space<hbm>> -> memref<10240x64xf32, #tpu.memory_space<hbm>>
    tpu.enqueue_indirect_dma source(%dma_start3A_261 : memref<10240x64xf32, #tpu.memory_space<hbm>>) target(%arg11 : memref<128x64xf32, #tpu.memory_space<vmem>>) offsets(%dma_start3A_254 : memref<128xi32, #tpu.memory_space<vmem>>) semaphore(%arg16 : memref<!tpu.dma_semaphore, #tpu.memory_space<semaphore_mem>>)
    %dma_start3A_262 = arith.constant 1 : i32
    %dma_start3A_263 = arith.constant 3 : i32
    %dma_start3A_264 = arith.constant 0 : i32
    %dma_start3A_265 = tpu.memref_slice %arg7[%dma_start3A_263, %dma_start3A_264] : memref<164x128xi32, #tpu.memory_space<vmem>> -> memref<1x128xi32, #tpu.memory_space<vmem>>
    %dma_start3A_266 = tpu.memref_squeeze %dma_start3A_265 : memref<1x128xi32, #tpu.memory_space<vmem>> -> memref<128xi32, #tpu.memory_space<vmem>>
    %dma_start3A_267 = arith.constant 0 : i32
    %dma_start3A_268 = arith.constant 0 : i32
    %dma_start3A_269 = tpu.memref_slice %arg6[%dma_start3A_262, %arg0, %dma_start3A_267, %dma_start3A_268] : memref<3x2x10240x64xf32, #tpu.memory_space<hbm>> -> memref<1x1x10240x64xf32, #tpu.memory_space<hbm>>
    %dma_start3A_270 = tpu.memref_squeeze %dma_start3A_269 : memref<1x1x10240x64xf32, #tpu.memory_space<hbm>> -> memref<10240x64xf32, #tpu.memory_space<hbm>>
    %dma_start3A_271 = arith.constant 0 : i32
    %dma_start3A_272 = arith.constant 0 : i32
    %dma_start3A_273 = tpu.memref_slice %dma_start3A_270[%dma_start3A_271, %dma_start3A_272] : memref<10240x64xf32, #tpu.memory_space<hbm>> -> memref<10240x64xf32, #tpu.memory_space<hbm>>
    tpu.enqueue_indirect_dma source(%dma_start3A_273 : memref<10240x64xf32, #tpu.memory_space<hbm>>) target(%arg12 : memref<128x64xf32, #tpu.memory_space<vmem>>) offsets(%dma_start3A_266 : memref<128xi32, #tpu.memory_space<vmem>>) semaphore(%arg17 : memref<!tpu.dma_semaphore, #tpu.memory_space<semaphore_mem>>)
    %scan3A_274 = arith.constant 0 : i32
    %scan3A_275 = arith.constant 1 : i32
    %scan3A_276 = arith.constant 0 : i32
    %scan3A_277 = arith.constant 40 : i32
    %scan3A_278 = arith.addi %scan3A_276, %scan3A_277 : i32
    %scan3A_279 = arith.constant 1 : i32
    scf.for %scan3A_343 = %scan3A_276 to %scan3A_278 step %scan3A_279  : i32 {
      %mul3A_344 = arith.constant 4 : i32
      %mul3A_345 = arith.muli %mul3A_344, %scan3A_343 : i32
      %add3A = arith.constant 0 : i32
      %add3A_346 = arith.addi %mul3A_345, %add3A : i32
      %dma_wait3A_347 = arith.constant 0 : i32
      %dma_wait3A_348 = arith.constant 0 : i32
      %dma_wait3A_349 = tpu.memref_slice %arg6[%scan3A_275, %arg0, %dma_wait3A_347, %dma_wait3A_348] : memref<3x2x10240x64xf32, #tpu.memory_space<hbm>> -> memref<1x1x10240x64xf32, #tpu.memory_space<hbm>>
      %dma_wait3A_350 = tpu.memref_squeeze %dma_wait3A_349 : memref<1x1x10240x64xf32, #tpu.memory_space<hbm>> -> memref<10240x64xf32, #tpu.memory_space<hbm>>
      %dma_wait3A_351 = arith.constant 0 : i32
      %dma_wait3A_352 = arith.constant 0 : i32
      %dma_wait3A_353 = tpu.memref_slice %dma_wait3A_350[%dma_wait3A_351, %dma_wait3A_352] : memref<10240x64xf32, #tpu.memory_space<hbm>> -> memref<128x64xf32, #tpu.memory_space<hbm>>
      %dma_wait3A_354 = arith.constant 0 : i32
      %dma_wait3A_355 = arith.constant 0 : i32
      %dma_wait3A_356 = tpu.memref_slice %arg6[%scan3A_275, %arg0, %dma_wait3A_354, %dma_wait3A_355] : memref<3x2x10240x64xf32, #tpu.memory_space<hbm>> -> memref<1x1x10240x64xf32, #tpu.memory_space<hbm>>
      %dma_wait3A_357 = tpu.memref_squeeze %dma_wait3A_356 : memref<1x1x10240x64xf32, #tpu.memory_space<hbm>> -> memref<10240x64xf32, #tpu.memory_space<hbm>>
      %dma_wait3A_358 = arith.constant 0 : i32
      %dma_wait3A_359 = arith.constant 0 : i32
      %dma_wait3A_360 = tpu.memref_slice %dma_wait3A_357[%dma_wait3A_358, %dma_wait3A_359] : memref<10240x64xf32, #tpu.memory_space<hbm>> -> memref<128x64xf32, #tpu.memory_space<hbm>>
      tpu.wait_dma2 semaphore(%arg14 : memref<!tpu.dma_semaphore, #tpu.memory_space<semaphore_mem>>) src(%dma_wait3A_360 : memref<128x64xf32, #tpu.memory_space<hbm>>) dst(%arg9 : memref<128x64xf32, #tpu.memory_space<vmem>>)
      "tpu.region"() ({
        %run_scoped3A_463 = tpu.sem_alloc : memref<!tpu.dma_semaphore, #tpu.memory_space<semaphore_mem>>
        %dma_start3A_464 = arith.constant 0 : i32
        %dma_start3A_465 = tpu.memref_slice %arg8[%add3A_346, %dma_start3A_464] : memref<160x128xi32, #tpu.memory_space<vmem>> -> memref<1x128xi32, #tpu.memory_space<vmem>>
        %dma_start3A_466 = tpu.memref_squeeze %dma_start3A_465 : memref<1x128xi32, #tpu.memory_space<vmem>> -> memref<128xi32, #tpu.memory_space<vmem>>
        %dma_start3A_467 = arith.constant 0 : i32
        %dma_start3A_468 = arith.constant 0 : i32
        %dma_start3A_469 = tpu.memref_slice %arg13[%dma_start3A_467, %dma_start3A_468] : memref<10240x64xf32, #tpu.memory_space<vmem_shared>> -> memref<10240x64xf32, #tpu.memory_space<vmem_shared>>
        tpu.enqueue_indirect_dma source(%arg9 : memref<128x64xf32, #tpu.memory_space<vmem>>) target(%dma_start3A_469 : memref<10240x64xf32, #tpu.memory_space<vmem_shared>>) offsets(%dma_start3A_466 : memref<128xi32, #tpu.memory_space<vmem>>) semaphore(%run_scoped3A_463 : memref<!tpu.dma_semaphore, #tpu.memory_space<semaphore_mem>>) {add = true}
        %dma_wait3A_470 = arith.constant 0 : i32
        %dma_wait3A_471 = tpu.memref_slice %arg8[%add3A_346, %dma_wait3A_470] : memref<160x128xi32, #tpu.memory_space<vmem>> -> memref<1x128xi32, #tpu.memory_space<vmem>>
        %dma_wait3A_472 = tpu.memref_squeeze %dma_wait3A_471 : memref<1x128xi32, #tpu.memory_space<vmem>> -> memref<128xi32, #tpu.memory_space<vmem>>
        %dma_wait3A_473 = arith.constant 0 : i32
        %dma_wait3A_474 = arith.constant 0 : i32
        %dma_wait3A_475 = tpu.memref_slice %arg13[%dma_wait3A_473, %dma_wait3A_474] : memref<10240x64xf32, #tpu.memory_space<vmem_shared>> -> memref<10240x64xf32, #tpu.memory_space<vmem_shared>>
        tpu.wait_indirect_dma semaphore(%run_scoped3A_463 : memref<!tpu.dma_semaphore, #tpu.memory_space<semaphore_mem>>) src(%arg9 : memref<128x64xf32, #tpu.memory_space<vmem>>) dst(%dma_wait3A_475 : memref<10240x64xf32, #tpu.memory_space<vmem_shared>>)
        tpu.yield
      }) : () -> ()
      %add3A_361 = arith.constant 4 : i32
      %add3A_362 = arith.addi %add3A_346, %add3A_361 : i32
      %dma_start3A_363 = arith.constant 0 : i32
      %dma_start3A_364 = tpu.memref_slice %arg7[%add3A_362, %dma_start3A_363] : memref<164x128xi32, #tpu.memory_space<vmem>> -> memref<1x128xi32, #tpu.memory_space<vmem>>
      %dma_start3A_365 = tpu.memref_squeeze %dma_start3A_364 : memref<1x128xi32, #tpu.memory_space<vmem>> -> memref<128xi32, #tpu.memory_space<vmem>>
      %dma_start3A_366 = arith.constant 0 : i32
      %dma_start3A_367 = arith.constant 0 : i32
      %dma_start3A_368 = tpu.memref_slice %arg6[%scan3A_275, %arg0, %dma_start3A_366, %dma_start3A_367] : memref<3x2x10240x64xf32, #tpu.memory_space<hbm>> -> memref<1x1x10240x64xf32, #tpu.memory_space<hbm>>
      %dma_start3A_369 = tpu.memref_squeeze %dma_start3A_368 : memref<1x1x10240x64xf32, #tpu.memory_space<hbm>> -> memref<10240x64xf32, #tpu.memory_space<hbm>>
      %dma_start3A_370 = arith.constant 0 : i32
      %dma_start3A_371 = arith.constant 0 : i32
      %dma_start3A_372 = tpu.memref_slice %dma_start3A_369[%dma_start3A_370, %dma_start3A_371] : memref<10240x64xf32, #tpu.memory_space<hbm>> -> memref<10240x64xf32, #tpu.memory_space<hbm>>
      tpu.enqueue_indirect_dma source(%dma_start3A_372 : memref<10240x64xf32, #tpu.memory_space<hbm>>) target(%arg9 : memref<128x64xf32, #tpu.memory_space<vmem>>) offsets(%dma_start3A_365 : memref<128xi32, #tpu.memory_space<vmem>>) semaphore(%arg14 : memref<!tpu.dma_semaphore, #tpu.memory_space<semaphore_mem>>)
      %mul3A_373 = arith.constant 4 : i32
      %mul3A_374 = arith.muli %mul3A_373, %scan3A_343 : i32
      %add3A_375 = arith.constant 1 : i32
      %add3A_376 = arith.addi %mul3A_374, %add3A_375 : i32
      %dma_wait3A_377 = arith.constant 0 : i32
      %dma_wait3A_378 = arith.constant 0 : i32
      %dma_wait3A_379 = tpu.memref_slice %arg6[%scan3A_275, %arg0, %dma_wait3A_377, %dma_wait3A_378] : memref<3x2x10240x64xf32, #tpu.memory_space<hbm>> -> memref<1x1x10240x64xf32, #tpu.memory_space<hbm>>
      %dma_wait3A_380 = tpu.memref_squeeze %dma_wait3A_379 : memref<1x1x10240x64xf32, #tpu.memory_space<hbm>> -> memref<10240x64xf32, #tpu.memory_space<hbm>>
      %dma_wait3A_381 = arith.constant 0 : i32
      %dma_wait3A_382 = arith.constant 0 : i32
      %dma_wait3A_383 = tpu.memref_slice %dma_wait3A_380[%dma_wait3A_381, %dma_wait3A_382] : memref<10240x64xf32, #tpu.memory_space<hbm>> -> memref<128x64xf32, #tpu.memory_space<hbm>>
      %dma_wait3A_384 = arith.constant 0 : i32
      %dma_wait3A_385 = arith.constant 0 : i32
      %dma_wait3A_386 = tpu.memref_slice %arg6[%scan3A_275, %arg0, %dma_wait3A_384, %dma_wait3A_385] : memref<3x2x10240x64xf32, #tpu.memory_space<hbm>> -> memref<1x1x10240x64xf32, #tpu.memory_space<hbm>>
      %dma_wait3A_387 = tpu.memref_squeeze %dma_wait3A_386 : memref<1x1x10240x64xf32, #tpu.memory_space<hbm>> -> memref<10240x64xf32, #tpu.memory_space<hbm>>
      %dma_wait3A_388 = arith.constant 0 : i32
      %dma_wait3A_389 = arith.constant 0 : i32
      %dma_wait3A_390 = tpu.memref_slice %dma_wait3A_387[%dma_wait3A_388, %dma_wait3A_389] : memref<10240x64xf32, #tpu.memory_space<hbm>> -> memref<128x64xf32, #tpu.memory_space<hbm>>
      tpu.wait_dma2 semaphore(%arg15 : memref<!tpu.dma_semaphore, #tpu.memory_space<semaphore_mem>>) src(%dma_wait3A_390 : memref<128x64xf32, #tpu.memory_space<hbm>>) dst(%arg10 : memref<128x64xf32, #tpu.memory_space<vmem>>)
      "tpu.region"() ({
        %run_scoped3A_463 = tpu.sem_alloc : memref<!tpu.dma_semaphore, #tpu.memory_space<semaphore_mem>>
        %dma_start3A_464 = arith.constant 0 : i32
        %dma_start3A_465 = tpu.memref_slice %arg8[%add3A_376, %dma_start3A_464] : memref<160x128xi32, #tpu.memory_space<vmem>> -> memref<1x128xi32, #tpu.memory_space<vmem>>
        %dma_start3A_466 = tpu.memref_squeeze %dma_start3A_465 : memref<1x128xi32, #tpu.memory_space<vmem>> -> memref<128xi32, #tpu.memory_space<vmem>>
        %dma_start3A_467 = arith.constant 0 : i32
        %dma_start3A_468 = arith.constant 0 : i32
        %dma_start3A_469 = tpu.memref_slice %arg13[%dma_start3A_467, %dma_start3A_468] : memref<10240x64xf32, #tpu.memory_space<vmem_shared>> -> memref<10240x64xf32, #tpu.memory_space<vmem_shared>>
        tpu.enqueue_indirect_dma source(%arg10 : memref<128x64xf32, #tpu.memory_space<vmem>>) target(%dma_start3A_469 : memref<10240x64xf32, #tpu.memory_space<vmem_shared>>) offsets(%dma_start3A_466 : memref<128xi32, #tpu.memory_space<vmem>>) semaphore(%run_scoped3A_463 : memref<!tpu.dma_semaphore, #tpu.memory_space<semaphore_mem>>) {add = true}
        %dma_wait3A_470 = arith.constant 0 : i32
        %dma_wait3A_471 = tpu.memref_slice %arg8[%add3A_376, %dma_wait3A_470] : memref<160x128xi32, #tpu.memory_space<vmem>> -> memref<1x128xi32, #tpu.memory_space<vmem>>
        %dma_wait3A_472 = tpu.memref_squeeze %dma_wait3A_471 : memref<1x128xi32, #tpu.memory_space<vmem>> -> memref<128xi32, #tpu.memory_space<vmem>>
        %dma_wait3A_473 = arith.constant 0 : i32
        %dma_wait3A_474 = arith.constant 0 : i32
        %dma_wait3A_475 = tpu.memref_slice %arg13[%dma_wait3A_473, %dma_wait3A_474] : memref<10240x64xf32, #tpu.memory_space<vmem_shared>> -> memref<10240x64xf32, #tpu.memory_space<vmem_shared>>
        tpu.wait_indirect_dma semaphore(%run_scoped3A_463 : memref<!tpu.dma_semaphore, #tpu.memory_space<semaphore_mem>>) src(%arg10 : memref<128x64xf32, #tpu.memory_space<vmem>>) dst(%dma_wait3A_475 : memref<10240x64xf32, #tpu.memory_space<vmem_shared>>)
        tpu.yield
      }) : () -> ()
      %add3A_391 = arith.constant 4 : i32
      %add3A_392 = arith.addi %add3A_376, %add3A_391 : i32
      %dma_start3A_393 = arith.constant 0 : i32
      %dma_start3A_394 = tpu.memref_slice %arg7[%add3A_392, %dma_start3A_393] : memref<164x128xi32, #tpu.memory_space<vmem>> -> memref<1x128xi32, #tpu.memory_space<vmem>>
      %dma_start3A_395 = tpu.memref_squeeze %dma_start3A_394 : memref<1x128xi32, #tpu.memory_space<vmem>> -> memref<128xi32, #tpu.memory_space<vmem>>
      %dma_start3A_396 = arith.constant 0 : i32
      %dma_start3A_397 = arith.constant 0 : i32
      %dma_start3A_398 = tpu.memref_slice %arg6[%scan3A_275, %arg0, %dma_start3A_396, %dma_start3A_397] : memref<3x2x10240x64xf32, #tpu.memory_space<hbm>> -> memref<1x1x10240x64xf32, #tpu.memory_space<hbm>>
      %dma_start3A_399 = tpu.memref_squeeze %dma_start3A_398 : memref<1x1x10240x64xf32, #tpu.memory_space<hbm>> -> memref<10240x64xf32, #tpu.memory_space<hbm>>
      %dma_start3A_400 = arith.constant 0 : i32
      %dma_start3A_401 = arith.constant 0 : i32
      %dma_start3A_402 = tpu.memref_slice %dma_start3A_399[%dma_start3A_400, %dma_start3A_401] : memref<10240x64xf32, #tpu.memory_space<hbm>> -> memref<10240x64xf32, #tpu.memory_space<hbm>>
      tpu.enqueue_indirect_dma source(%dma_start3A_402 : memref<10240x64xf32, #tpu.memory_space<hbm>>) target(%arg10 : memref<128x64xf32, #tpu.memory_space<vmem>>) offsets(%dma_start3A_395 : memref<128xi32, #tpu.memory_space<vmem>>) semaphore(%arg15 : memref<!tpu.dma_semaphore, #tpu.memory_space<semaphore_mem>>)
      %mul3A_403 = arith.constant 4 : i32
      %mul3A_404 = arith.muli %mul3A_403, %scan3A_343 : i32
      %add3A_405 = arith.constant 2 : i32
      %add3A_406 = arith.addi %mul3A_404, %add3A_405 : i32
      %dma_wait3A_407 = arith.constant 0 : i32
      %dma_wait3A_408 = arith.constant 0 : i32
      %dma_wait3A_409 = tpu.memref_slice %arg6[%scan3A_275, %arg0, %dma_wait3A_407, %dma_wait3A_408] : memref<3x2x10240x64xf32, #tpu.memory_space<hbm>> -> memref<1x1x10240x64xf32, #tpu.memory_space<hbm>>
      %dma_wait3A_410 = tpu.memref_squeeze %dma_wait3A_409 : memref<1x1x10240x64xf32, #tpu.memory_space<hbm>> -> memref<10240x64xf32, #tpu.memory_space<hbm>>
      %dma_wait3A_411 = arith.constant 0 : i32
      %dma_wait3A_412 = arith.constant 0 : i32
      %dma_wait3A_413 = tpu.memref_slice %dma_wait3A_410[%dma_wait3A_411, %dma_wait3A_412] : memref<10240x64xf32, #tpu.memory_space<hbm>> -> memref<128x64xf32, #tpu.memory_space<hbm>>
      %dma_wait3A_414 = arith.constant 0 : i32
      %dma_wait3A_415 = arith.constant 0 : i32
      %dma_wait3A_416 = tpu.memref_slice %arg6[%scan3A_275, %arg0, %dma_wait3A_414, %dma_wait3A_415] : memref<3x2x10240x64xf32, #tpu.memory_space<hbm>> -> memref<1x1x10240x64xf32, #tpu.memory_space<hbm>>
      %dma_wait3A_417 = tpu.memref_squeeze %dma_wait3A_416 : memref<1x1x10240x64xf32, #tpu.memory_space<hbm>> -> memref<10240x64xf32, #tpu.memory_space<hbm>>
      %dma_wait3A_418 = arith.constant 0 : i32
      %dma_wait3A_419 = arith.constant 0 : i32
      %dma_wait3A_420 = tpu.memref_slice %dma_wait3A_417[%dma_wait3A_418, %dma_wait3A_419] : memref<10240x64xf32, #tpu.memory_space<hbm>> -> memref<128x64xf32, #tpu.memory_space<hbm>>
      tpu.wait_dma2 semaphore(%arg16 : memref<!tpu.dma_semaphore, #tpu.memory_space<semaphore_mem>>) src(%dma_wait3A_420 : memref<128x64xf32, #tpu.memory_space<hbm>>) dst(%arg11 : memref<128x64xf32, #tpu.memory_space<vmem>>)
      "tpu.region"() ({
        %run_scoped3A_463 = tpu.sem_alloc : memref<!tpu.dma_semaphore, #tpu.memory_space<semaphore_mem>>
        %dma_start3A_464 = arith.constant 0 : i32
        %dma_start3A_465 = tpu.memref_slice %arg8[%add3A_406, %dma_start3A_464] : memref<160x128xi32, #tpu.memory_space<vmem>> -> memref<1x128xi32, #tpu.memory_space<vmem>>
        %dma_start3A_466 = tpu.memref_squeeze %dma_start3A_465 : memref<1x128xi32, #tpu.memory_space<vmem>> -> memref<128xi32, #tpu.memory_space<vmem>>
        %dma_start3A_467 = arith.constant 0 : i32
        %dma_start3A_468 = arith.constant 0 : i32
        %dma_start3A_469 = tpu.memref_slice %arg13[%dma_start3A_467, %dma_start3A_468] : memref<10240x64xf32, #tpu.memory_space<vmem_shared>> -> memref<10240x64xf32, #tpu.memory_space<vmem_shared>>
        tpu.enqueue_indirect_dma source(%arg11 : memref<128x64xf32, #tpu.memory_space<vmem>>) target(%dma_start3A_469 : memref<10240x64xf32, #tpu.memory_space<vmem_shared>>) offsets(%dma_start3A_466 : memref<128xi32, #tpu.memory_space<vmem>>) semaphore(%run_scoped3A_463 : memref<!tpu.dma_semaphore, #tpu.memory_space<semaphore_mem>>) {add = true}
        %dma_wait3A_470 = arith.constant 0 : i32
        %dma_wait3A_471 = tpu.memref_slice %arg8[%add3A_406, %dma_wait3A_470] : memref<160x128xi32, #tpu.memory_space<vmem>> -> memref<1x128xi32, #tpu.memory_space<vmem>>
        %dma_wait3A_472 = tpu.memref_squeeze %dma_wait3A_471 : memref<1x128xi32, #tpu.memory_space<vmem>> -> memref<128xi32, #tpu.memory_space<vmem>>
        %dma_wait3A_473 = arith.constant 0 : i32
        %dma_wait3A_474 = arith.constant 0 : i32
        %dma_wait3A_475 = tpu.memref_slice %arg13[%dma_wait3A_473, %dma_wait3A_474] : memref<10240x64xf32, #tpu.memory_space<vmem_shared>> -> memref<10240x64xf32, #tpu.memory_space<vmem_shared>>
        tpu.wait_indirect_dma semaphore(%run_scoped3A_463 : memref<!tpu.dma_semaphore, #tpu.memory_space<semaphore_mem>>) src(%arg11 : memref<128x64xf32, #tpu.memory_space<vmem>>) dst(%dma_wait3A_475 : memref<10240x64xf32, #tpu.memory_space<vmem_shared>>)
        tpu.yield
      }) : () -> ()
      %add3A_421 = arith.constant 4 : i32
      %add3A_422 = arith.addi %add3A_406, %add3A_421 : i32
      %dma_start3A_423 = arith.constant 0 : i32
      %dma_start3A_424 = tpu.memref_slice %arg7[%add3A_422, %dma_start3A_423] : memref<164x128xi32, #tpu.memory_space<vmem>> -> memref<1x128xi32, #tpu.memory_space<vmem>>
      %dma_start3A_425 = tpu.memref_squeeze %dma_start3A_424 : memref<1x128xi32, #tpu.memory_space<vmem>> -> memref<128xi32, #tpu.memory_space<vmem>>
      %dma_start3A_426 = arith.constant 0 : i32
      %dma_start3A_427 = arith.constant 0 : i32
      %dma_start3A_428 = tpu.memref_slice %arg6[%scan3A_275, %arg0, %dma_start3A_426, %dma_start3A_427] : memref<3x2x10240x64xf32, #tpu.memory_space<hbm>> -> memref<1x1x10240x64xf32, #tpu.memory_space<hbm>>
      %dma_start3A_429 = tpu.memref_squeeze %dma_start3A_428 : memref<1x1x10240x64xf32, #tpu.memory_space<hbm>> -> memref<10240x64xf32, #tpu.memory_space<hbm>>
      %dma_start3A_430 = arith.constant 0 : i32
      %dma_start3A_431 = arith.constant 0 : i32
      %dma_start3A_432 = tpu.memref_slice %dma_start3A_429[%dma_start3A_430, %dma_start3A_431] : memref<10240x64xf32, #tpu.memory_space<hbm>> -> memref<10240x64xf32, #tpu.memory_space<hbm>>
      tpu.enqueue_indirect_dma source(%dma_start3A_432 : memref<10240x64xf32, #tpu.memory_space<hbm>>) target(%arg11 : memref<128x64xf32, #tpu.memory_space<vmem>>) offsets(%dma_start3A_425 : memref<128xi32, #tpu.memory_space<vmem>>) semaphore(%arg16 : memref<!tpu.dma_semaphore, #tpu.memory_space<semaphore_mem>>)
      %mul3A_433 = arith.constant 4 : i32
      %mul3A_434 = arith.muli %mul3A_433, %scan3A_343 : i32
      %add3A_435 = arith.constant 3 : i32
      %add3A_436 = arith.addi %mul3A_434, %add3A_435 : i32
      %dma_wait3A_437 = arith.constant 0 : i32
      %dma_wait3A_438 = arith.constant 0 : i32
      %dma_wait3A_439 = tpu.memref_slice %arg6[%scan3A_275, %arg0, %dma_wait3A_437, %dma_wait3A_438] : memref<3x2x10240x64xf32, #tpu.memory_space<hbm>> -> memref<1x1x10240x64xf32, #tpu.memory_space<hbm>>
      %dma_wait3A_440 = tpu.memref_squeeze %dma_wait3A_439 : memref<1x1x10240x64xf32, #tpu.memory_space<hbm>> -> memref<10240x64xf32, #tpu.memory_space<hbm>>
      %dma_wait3A_441 = arith.constant 0 : i32
      %dma_wait3A_442 = arith.constant 0 : i32
      %dma_wait3A_443 = tpu.memref_slice %dma_wait3A_440[%dma_wait3A_441, %dma_wait3A_442] : memref<10240x64xf32, #tpu.memory_space<hbm>> -> memref<128x64xf32, #tpu.memory_space<hbm>>
      %dma_wait3A_444 = arith.constant 0 : i32
      %dma_wait3A_445 = arith.constant 0 : i32
      %dma_wait3A_446 = tpu.memref_slice %arg6[%scan3A_275, %arg0, %dma_wait3A_444, %dma_wait3A_445] : memref<3x2x10240x64xf32, #tpu.memory_space<hbm>> -> memref<1x1x10240x64xf32, #tpu.memory_space<hbm>>
      %dma_wait3A_447 = tpu.memref_squeeze %dma_wait3A_446 : memref<1x1x10240x64xf32, #tpu.memory_space<hbm>> -> memref<10240x64xf32, #tpu.memory_space<hbm>>
      %dma_wait3A_448 = arith.constant 0 : i32
      %dma_wait3A_449 = arith.constant 0 : i32
      %dma_wait3A_450 = tpu.memref_slice %dma_wait3A_447[%dma_wait3A_448, %dma_wait3A_449] : memref<10240x64xf32, #tpu.memory_space<hbm>> -> memref<128x64xf32, #tpu.memory_space<hbm>>
      tpu.wait_dma2 semaphore(%arg17 : memref<!tpu.dma_semaphore, #tpu.memory_space<semaphore_mem>>) src(%dma_wait3A_450 : memref<128x64xf32, #tpu.memory_space<hbm>>) dst(%arg12 : memref<128x64xf32, #tpu.memory_space<vmem>>)
      "tpu.region"() ({
        %run_scoped3A_463 = tpu.sem_alloc : memref<!tpu.dma_semaphore, #tpu.memory_space<semaphore_mem>>
        %dma_start3A_464 = arith.constant 0 : i32
        %dma_start3A_465 = tpu.memref_slice %arg8[%add3A_436, %dma_start3A_464] : memref<160x128xi32, #tpu.memory_space<vmem>> -> memref<1x128xi32, #tpu.memory_space<vmem>>
        %dma_start3A_466 = tpu.memref_squeeze %dma_start3A_465 : memref<1x128xi32, #tpu.memory_space<vmem>> -> memref<128xi32, #tpu.memory_space<vmem>>
        %dma_start3A_467 = arith.constant 0 : i32
        %dma_start3A_468 = arith.constant 0 : i32
        %dma_start3A_469 = tpu.memref_slice %arg13[%dma_start3A_467, %dma_start3A_468] : memref<10240x64xf32, #tpu.memory_space<vmem_shared>> -> memref<10240x64xf32, #tpu.memory_space<vmem_shared>>
        tpu.enqueue_indirect_dma source(%arg12 : memref<128x64xf32, #tpu.memory_space<vmem>>) target(%dma_start3A_469 : memref<10240x64xf32, #tpu.memory_space<vmem_shared>>) offsets(%dma_start3A_466 : memref<128xi32, #tpu.memory_space<vmem>>) semaphore(%run_scoped3A_463 : memref<!tpu.dma_semaphore, #tpu.memory_space<semaphore_mem>>) {add = true}
        %dma_wait3A_470 = arith.constant 0 : i32
        %dma_wait3A_471 = tpu.memref_slice %arg8[%add3A_436, %dma_wait3A_470] : memref<160x128xi32, #tpu.memory_space<vmem>> -> memref<1x128xi32, #tpu.memory_space<vmem>>
        %dma_wait3A_472 = tpu.memref_squeeze %dma_wait3A_471 : memref<1x128xi32, #tpu.memory_space<vmem>> -> memref<128xi32, #tpu.memory_space<vmem>>
        %dma_wait3A_473 = arith.constant 0 : i32
        %dma_wait3A_474 = arith.constant 0 : i32
        %dma_wait3A_475 = tpu.memref_slice %arg13[%dma_wait3A_473, %dma_wait3A_474] : memref<10240x64xf32, #tpu.memory_space<vmem_shared>> -> memref<10240x64xf32, #tpu.memory_space<vmem_shared>>
        tpu.wait_indirect_dma semaphore(%run_scoped3A_463 : memref<!tpu.dma_semaphore, #tpu.memory_space<semaphore_mem>>) src(%arg12 : memref<128x64xf32, #tpu.memory_space<vmem>>) dst(%dma_wait3A_475 : memref<10240x64xf32, #tpu.memory_space<vmem_shared>>)
        tpu.yield
      }) : () -> ()
      %add3A_451 = arith.constant 4 : i32
      %add3A_452 = arith.addi %add3A_436, %add3A_451 : i32
      %dma_start3A_453 = arith.constant 0 : i32
      %dma_start3A_454 = tpu.memref_slice %arg7[%add3A_452, %dma_start3A_453] : memref<164x128xi32, #tpu.memory_space<vmem>> -> memref<1x128xi32, #tpu.memory_space<vmem>>
      %dma_start3A_455 = tpu.memref_squeeze %dma_start3A_454 : memref<1x128xi32, #tpu.memory_space<vmem>> -> memref<128xi32, #tpu.memory_space<vmem>>
      %dma_start3A_456 = arith.constant 0 : i32
      %dma_start3A_457 = arith.constant 0 : i32
      %dma_start3A_458 = tpu.memref_slice %arg6[%scan3A_275, %arg0, %dma_start3A_456, %dma_start3A_457] : memref<3x2x10240x64xf32, #tpu.memory_space<hbm>> -> memref<1x1x10240x64xf32, #tpu.memory_space<hbm>>
      %dma_start3A_459 = tpu.memref_squeeze %dma_start3A_458 : memref<1x1x10240x64xf32, #tpu.memory_space<hbm>> -> memref<10240x64xf32, #tpu.memory_space<hbm>>
      %dma_start3A_460 = arith.constant 0 : i32
      %dma_start3A_461 = arith.constant 0 : i32
      %dma_start3A_462 = tpu.memref_slice %dma_start3A_459[%dma_start3A_460, %dma_start3A_461] : memref<10240x64xf32, #tpu.memory_space<hbm>> -> memref<10240x64xf32, #tpu.memory_space<hbm>>
      tpu.enqueue_indirect_dma source(%dma_start3A_462 : memref<10240x64xf32, #tpu.memory_space<hbm>>) target(%arg12 : memref<128x64xf32, #tpu.memory_space<vmem>>) offsets(%dma_start3A_455 : memref<128xi32, #tpu.memory_space<vmem>>) semaphore(%arg17 : memref<!tpu.dma_semaphore, #tpu.memory_space<semaphore_mem>>)
    }
    %scan3A_280 = arith.constant 40 : i32
    %dma_wait3A_281 = arith.constant 1 : i32
    %dma_wait3A_282 = arith.constant 0 : i32
    %dma_wait3A_283 = arith.constant 0 : i32
    %dma_wait3A_284 = tpu.memref_slice %arg6[%dma_wait3A_281, %arg0, %dma_wait3A_282, %dma_wait3A_283] : memref<3x2x10240x64xf32, #tpu.memory_space<hbm>> -> memref<1x1x10240x64xf32, #tpu.memory_space<hbm>>
    %dma_wait3A_285 = tpu.memref_squeeze %dma_wait3A_284 : memref<1x1x10240x64xf32, #tpu.memory_space<hbm>> -> memref<10240x64xf32, #tpu.memory_space<hbm>>
    %dma_wait3A_286 = arith.constant 0 : i32
    %dma_wait3A_287 = arith.constant 0 : i32
    %dma_wait3A_288 = tpu.memref_slice %dma_wait3A_285[%dma_wait3A_286, %dma_wait3A_287] : memref<10240x64xf32, #tpu.memory_space<hbm>> -> memref<128x64xf32, #tpu.memory_space<hbm>>
    %dma_wait3A_289 = arith.constant 0 : i32
    %dma_wait3A_290 = arith.constant 0 : i32
    %dma_wait3A_291 = tpu.memref_slice %arg6[%dma_wait3A_281, %arg0, %dma_wait3A_289, %dma_wait3A_290] : memref<3x2x10240x64xf32, #tpu.memory_space<hbm>> -> memref<1x1x10240x64xf32, #tpu.memory_space<hbm>>
    %dma_wait3A_292 = tpu.memref_squeeze %dma_wait3A_291 : memref<1x1x10240x64xf32, #tpu.memory_space<hbm>> -> memref<10240x64xf32, #tpu.memory_space<hbm>>
    %dma_wait3A_293 = arith.constant 0 : i32
    %dma_wait3A_294 = arith.constant 0 : i32
    %dma_wait3A_295 = tpu.memref_slice %dma_wait3A_292[%dma_wait3A_293, %dma_wait3A_294] : memref<10240x64xf32, #tpu.memory_space<hbm>> -> memref<128x64xf32, #tpu.memory_space<hbm>>
    tpu.wait_dma2 semaphore(%arg14 : memref<!tpu.dma_semaphore, #tpu.memory_space<semaphore_mem>>) src(%dma_wait3A_295 : memref<128x64xf32, #tpu.memory_space<hbm>>) dst(%arg9 : memref<128x64xf32, #tpu.memory_space<vmem>>)
    %dma_wait3A_296 = arith.constant 1 : i32
    %dma_wait3A_297 = arith.constant 0 : i32
    %dma_wait3A_298 = arith.constant 0 : i32
    %dma_wait3A_299 = tpu.memref_slice %arg6[%dma_wait3A_296, %arg0, %dma_wait3A_297, %dma_wait3A_298] : memref<3x2x10240x64xf32, #tpu.memory_space<hbm>> -> memref<1x1x10240x64xf32, #tpu.memory_space<hbm>>
    %dma_wait3A_300 = tpu.memref_squeeze %dma_wait3A_299 : memref<1x1x10240x64xf32, #tpu.memory_space<hbm>> -> memref<10240x64xf32, #tpu.memory_space<hbm>>
    %dma_wait3A_301 = arith.constant 0 : i32
    %dma_wait3A_302 = arith.constant 0 : i32
    %dma_wait3A_303 = tpu.memref_slice %dma_wait3A_300[%dma_wait3A_301, %dma_wait3A_302] : memref<10240x64xf32, #tpu.memory_space<hbm>> -> memref<128x64xf32, #tpu.memory_space<hbm>>
    %dma_wait3A_304 = arith.constant 0 : i32
    %dma_wait3A_305 = arith.constant 0 : i32
    %dma_wait3A_306 = tpu.memref_slice %arg6[%dma_wait3A_296, %arg0, %dma_wait3A_304, %dma_wait3A_305] : memref<3x2x10240x64xf32, #tpu.memory_space<hbm>> -> memref<1x1x10240x64xf32, #tpu.memory_space<hbm>>
    %dma_wait3A_307 = tpu.memref_squeeze %dma_wait3A_306 : memref<1x1x10240x64xf32, #tpu.memory_space<hbm>> -> memref<10240x64xf32, #tpu.memory_space<hbm>>
    %dma_wait3A_308 = arith.constant 0 : i32
    %dma_wait3A_309 = arith.constant 0 : i32
    %dma_wait3A_310 = tpu.memref_slice %dma_wait3A_307[%dma_wait3A_308, %dma_wait3A_309] : memref<10240x64xf32, #tpu.memory_space<hbm>> -> memref<128x64xf32, #tpu.memory_space<hbm>>
    tpu.wait_dma2 semaphore(%arg15 : memref<!tpu.dma_semaphore, #tpu.memory_space<semaphore_mem>>) src(%dma_wait3A_310 : memref<128x64xf32, #tpu.memory_space<hbm>>) dst(%arg10 : memref<128x64xf32, #tpu.memory_space<vmem>>)
    %dma_wait3A_311 = arith.constant 1 : i32
    %dma_wait3A_312 = arith.constant 0 : i32
    %dma_wait3A_313 = arith.constant 0 : i32
    %dma_wait3A_314 = tpu.memref_slice %arg6[%dma_wait3A_311, %arg0, %dma_wait3A_312, %dma_wait3A_313] : memref<3x2x10240x64xf32, #tpu.memory_space<hbm>> -> memref<1x1x10240x64xf32, #tpu.memory_space<hbm>>
    %dma_wait3A_315 = tpu.memref_squeeze %dma_wait3A_314 : memref<1x1x10240x64xf32, #tpu.memory_space<hbm>> -> memref<10240x64xf32, #tpu.memory_space<hbm>>
    %dma_wait3A_316 = arith.constant 0 : i32
    %dma_wait3A_317 = arith.constant 0 : i32
    %dma_wait3A_318 = tpu.memref_slice %dma_wait3A_315[%dma_wait3A_316, %dma_wait3A_317] : memref<10240x64xf32, #tpu.memory_space<hbm>> -> memref<128x64xf32, #tpu.memory_space<hbm>>
    %dma_wait3A_319 = arith.constant 0 : i32
    %dma_wait3A_320 = arith.constant 0 : i32
    %dma_wait3A_321 = tpu.memref_slice %arg6[%dma_wait3A_311, %arg0, %dma_wait3A_319, %dma_wait3A_320] : memref<3x2x10240x64xf32, #tpu.memory_space<hbm>> -> memref<1x1x10240x64xf32, #tpu.memory_space<hbm>>
    %dma_wait3A_322 = tpu.memref_squeeze %dma_wait3A_321 : memref<1x1x10240x64xf32, #tpu.memory_space<hbm>> -> memref<10240x64xf32, #tpu.memory_space<hbm>>
    %dma_wait3A_323 = arith.constant 0 : i32
    %dma_wait3A_324 = arith.constant 0 : i32
    %dma_wait3A_325 = tpu.memref_slice %dma_wait3A_322[%dma_wait3A_323, %dma_wait3A_324] : memref<10240x64xf32, #tpu.memory_space<hbm>> -> memref<128x64xf32, #tpu.memory_space<hbm>>
    tpu.wait_dma2 semaphore(%arg16 : memref<!tpu.dma_semaphore, #tpu.memory_space<semaphore_mem>>) src(%dma_wait3A_325 : memref<128x64xf32, #tpu.memory_space<hbm>>) dst(%arg11 : memref<128x64xf32, #tpu.memory_space<vmem>>)
    %dma_wait3A_326 = arith.constant 1 : i32
    %dma_wait3A_327 = arith.constant 0 : i32
    %dma_wait3A_328 = arith.constant 0 : i32
    %dma_wait3A_329 = tpu.memref_slice %arg6[%dma_wait3A_326, %arg0, %dma_wait3A_327, %dma_wait3A_328] : memref<3x2x10240x64xf32, #tpu.memory_space<hbm>> -> memref<1x1x10240x64xf32, #tpu.memory_space<hbm>>
    %dma_wait3A_330 = tpu.memref_squeeze %dma_wait3A_329 : memref<1x1x10240x64xf32, #tpu.memory_space<hbm>> -> memref<10240x64xf32, #tpu.memory_space<hbm>>
    %dma_wait3A_331 = arith.constant 0 : i32
    %dma_wait3A_332 = arith.constant 0 : i32
    %dma_wait3A_333 = tpu.memref_slice %dma_wait3A_330[%dma_wait3A_331, %dma_wait3A_332] : memref<10240x64xf32, #tpu.memory_space<hbm>> -> memref<128x64xf32, #tpu.memory_space<hbm>>
    %dma_wait3A_334 = arith.constant 0 : i32
    %dma_wait3A_335 = arith.constant 0 : i32
    %dma_wait3A_336 = tpu.memref_slice %arg6[%dma_wait3A_326, %arg0, %dma_wait3A_334, %dma_wait3A_335] : memref<3x2x10240x64xf32, #tpu.memory_space<hbm>> -> memref<1x1x10240x64xf32, #tpu.memory_space<hbm>>
    %dma_wait3A_337 = tpu.memref_squeeze %dma_wait3A_336 : memref<1x1x10240x64xf32, #tpu.memory_space<hbm>> -> memref<10240x64xf32, #tpu.memory_space<hbm>>
    %dma_wait3A_338 = arith.constant 0 : i32
    %dma_wait3A_339 = arith.constant 0 : i32
    %dma_wait3A_340 = tpu.memref_slice %dma_wait3A_337[%dma_wait3A_338, %dma_wait3A_339] : memref<10240x64xf32, #tpu.memory_space<hbm>> -> memref<128x64xf32, #tpu.memory_space<hbm>>
    tpu.wait_dma2 semaphore(%arg17 : memref<!tpu.dma_semaphore, #tpu.memory_space<semaphore_mem>>) src(%dma_wait3A_340 : memref<128x64xf32, #tpu.memory_space<hbm>>) dst(%arg12 : memref<128x64xf32, #tpu.memory_space<vmem>>)
    %barrier3A_341 = arith.constant 0 : index
    tpu.barrier barrier_id(%barrier3A_341)
    %run_scoped3A_342 = arith.constant 2 : i32
    "tpu.region"() ({
      %run_scoped3A_343 = tpu.sem_alloc : memref<!tpu.dma_semaphore, #tpu.memory_space<semaphore_mem>>
      %dma_start3A_344 = arith.constant 0 : i32
      %dma_start3A_345 = tpu.memref_slice %arg6[%run_scoped3A_342, %arg0, %mul3A_0, %dma_start3A_344] : memref<3x2x10240x64xf32, #tpu.memory_space<hbm>> -> memref<1x1x640x64xf32, #tpu.memory_space<hbm>>
      %dma_start3A_346 = tpu.memref_squeeze %dma_start3A_345 : memref<1x1x640x64xf32, #tpu.memory_space<hbm>> -> memref<640x64xf32, #tpu.memory_space<hbm>>
      %dma_start3A_347 = arith.constant 0 : i32
      %dma_start3A_348 = tpu.memref_slice %arg13[%mul3A_0, %dma_start3A_347] : memref<10240x64xf32, #tpu.memory_space<vmem_shared>> -> memref<640x64xf32, #tpu.memory_space<vmem_shared>>
      tpu.enqueue_dma source(%dma_start3A_348 : memref<640x64xf32, #tpu.memory_space<vmem_shared>>) target(%dma_start3A_346 : memref<640x64xf32, #tpu.memory_space<hbm>>) target_semaphore(%run_scoped3A_343 : memref<!tpu.dma_semaphore, #tpu.memory_space<semaphore_mem>>)
      %dma_wait3A_349 = arith.constant 0 : i32
      %dma_wait3A_350 = tpu.memref_slice %arg6[%run_scoped3A_342, %arg0, %mul3A_0, %dma_wait3A_349] : memref<3x2x10240x64xf32, #tpu.memory_space<hbm>> -> memref<1x1x640x64xf32, #tpu.memory_space<hbm>>
      %dma_wait3A_351 = tpu.memref_squeeze %dma_wait3A_350 : memref<1x1x640x64xf32, #tpu.memory_space<hbm>> -> memref<640x64xf32, #tpu.memory_space<hbm>>
      %dma_wait3A_352 = arith.constant 0 : i32
      %dma_wait3A_353 = tpu.memref_slice %arg13[%mul3A_0, %dma_wait3A_352] : memref<10240x64xf32, #tpu.memory_space<vmem_shared>> -> memref<640x64xf32, #tpu.memory_space<vmem_shared>>
      tpu.wait_dma2 semaphore(%run_scoped3A_343 : memref<!tpu.dma_semaphore, #tpu.memory_space<semaphore_mem>>) src(%dma_wait3A_353 : memref<640x64xf32, #tpu.memory_space<vmem_shared>>) dst(%dma_wait3A_351 : memref<640x64xf32, #tpu.memory_space<hbm>>)
      tpu.yield
    }) : () -> ()
    return
  }
}

#map = affine_map<(d0, d1) -> (0, 0, 0, 0)>
#map1 = affine_map<(d0, d1) -> (0, 0, 0)>
#map2 = affine_map<(d0, d1) -> (0, 0)>
module attributes {stable_mosaic.version = 14 : i64} {
  func.func @body(%arg0: i32, %arg1: i32, %arg2: memref<3x2x10240x64xf32, #tpu.memory_space<hbm>>, %arg3: memref<2x16x160x128xi32, #tpu.memory_space<hbm>>, %arg4: memref<16x4x128xi32, #tpu.memory_space<hbm>>, %arg5: memref<640x64xf32, #tpu.memory_space<hbm>>, %arg6: memref<1x2x10240x64xf32, #tpu.memory_space<hbm>>, %arg7: memref<164x128xi32, #tpu.memory_space<vmem>>, %arg8: memref<160x128xi32, #tpu.memory_space<vmem>>, %arg9: memref<128x64xf32, #tpu.memory_space<vmem>>, %arg10: memref<128x64xf32, #tpu.memory_space<vmem>>, %arg11: memref<128x64xf32, #tpu.memory_space<vmem>>, %arg12: memref<128x64xf32, #tpu.memory_space<vmem>>, %arg13: memref<10240x64xf32, #tpu.memory_space<vmem_shared>>, %arg14: memref<!tpu.dma_semaphore, #tpu.memory_space<semaphore_mem>>, %arg15: memref<!tpu.dma_semaphore, #tpu.memory_space<semaphore_mem>>, %arg16: memref<!tpu.dma_semaphore, #tpu.memory_space<semaphore_mem>>, %arg17: memref<!tpu.dma_semaphore, #tpu.memory_space<semaphore_mem>>) attributes {dimension_semantics = [#tpu.dimension_semantics<core_parallel>, #tpu.dimension_semantics<subcore_parallel>], iteration_bounds = array<i64: 2, 16>, scalar_prefetch = 0 : i64, scratch_operands = 11 : i64, tpu.core_type = #tpu.core_type<sc_vector_subcore>, window_params = [{transform_indices = #map}, {transform_indices = #map}, {transform_indices = #map1}, {transform_indices = #map2}, {transform_indices = #map}]} {
    %mul3A = arith.constant 640 : i32
    %mul3A_0 = arith.muli %arg1, %mul3A : i32
    %run_scoped3A = arith.constant 0 : i32
    "tpu.region"() ({
      %run_scoped3A_116 = tpu.sem_alloc : memref<!tpu.dma_semaphore, #tpu.memory_space<semaphore_mem>>
      %dma_start3A_117 = arith.constant 0 : i32
      %dma_start3A_118 = arith.constant 0 : i32
      %dma_start3A_119 = tpu.memref_slice %arg3[%run_scoped3A, %arg1, %dma_start3A_117, %dma_start3A_118] : memref<2x16x160x128xi32, #tpu.memory_space<hbm>> -> memref<1x1x160x128xi32, #tpu.memory_space<hbm>>
      %dma_start3A_120 = tpu.memref_squeeze %dma_start3A_119 : memref<1x1x160x128xi32, #tpu.memory_space<hbm>> -> memref<160x128xi32, #tpu.memory_space<hbm>>
      %dma_start3A_121 = arith.constant 0 : i32
      %dma_start3A_122 = arith.constant 0 : i32
      %dma_start3A_123 = tpu.memref_slice %arg3[%run_scoped3A, %arg1, %dma_start3A_121, %dma_start3A_122] : memref<2x16x160x128xi32, #tpu.memory_space<hbm>> -> memref<1x1x160x128xi32, #tpu.memory_space<hbm>>
      %dma_start3A_124 = tpu.memref_squeeze %dma_start3A_123 : memref<1x1x160x128xi32, #tpu.memory_space<hbm>> -> memref<160x128xi32, #tpu.memory_space<hbm>>
      tpu.enqueue_dma source(%dma_start3A_124 : memref<160x128xi32, #tpu.memory_space<hbm>>) target(%arg8 : memref<160x128xi32, #tpu.memory_space<vmem>>) target_semaphore(%run_scoped3A_116 : memref<!tpu.dma_semaphore, #tpu.memory_space<semaphore_mem>>)
      %dma_wait3A_125 = arith.constant 0 : i32
      %dma_wait3A_126 = arith.constant 0 : i32
      %dma_wait3A_127 = tpu.memref_slice %arg3[%run_scoped3A, %arg1, %dma_wait3A_125, %dma_wait3A_126] : memref<2x16x160x128xi32, #tpu.memory_space<hbm>> -> memref<1x1x160x128xi32, #tpu.memory_space<hbm>>
      %dma_wait3A_128 = tpu.memref_squeeze %dma_wait3A_127 : memref<1x1x160x128xi32, #tpu.memory_space<hbm>> -> memref<160x128xi32, #tpu.memory_space<hbm>>
      %dma_wait3A_129 = arith.constant 0 : i32
      %dma_wait3A_130 = arith.constant 0 : i32
      %dma_wait3A_131 = tpu.memref_slice %arg3[%run_scoped3A, %arg1, %dma_wait3A_129, %dma_wait3A_130] : memref<2x16x160x128xi32, #tpu.memory_space<hbm>> -> memref<1x1x160x128xi32, #tpu.memory_space<hbm>>
      %dma_wait3A_132 = tpu.memref_squeeze %dma_wait3A_131 : memref<1x1x160x128xi32, #tpu.memory_space<hbm>> -> memref<160x128xi32, #tpu.memory_space<hbm>>
      tpu.wait_dma2 semaphore(%run_scoped3A_116 : memref<!tpu.dma_semaphore, #tpu.memory_space<semaphore_mem>>) src(%dma_wait3A_132 : memref<160x128xi32, #tpu.memory_space<hbm>>) dst(%arg8 : memref<160x128xi32, #tpu.memory_space<vmem>>)
      tpu.yield
    }) : () -> ()
    %run_scoped3A_1 = arith.constant 1 : i32
    "tpu.region"() ({
      %run_scoped3A_116 = tpu.sem_alloc : memref<!tpu.dma_semaphore, #tpu.memory_space<semaphore_mem>>
      %dma_start3A_117 = arith.constant 0 : i32
      %dma_start3A_118 = arith.constant 0 : i32
      %dma_start3A_119 = tpu.memref_slice %arg7[%dma_start3A_117, %dma_start3A_118] : memref<164x128xi32, #tpu.memory_space<vmem>> -> memref<160x128xi32, #tpu.memory_space<vmem>>
      %dma_start3A_120 = arith.constant 0 : i32
      %dma_start3A_121 = arith.constant 0 : i32
      %dma_start3A_122 = tpu.memref_slice %arg3[%run_scoped3A_1, %arg1, %dma_start3A_120, %dma_start3A_121] : memref<2x16x160x128xi32, #tpu.memory_space<hbm>> -> memref<1x1x160x128xi32, #tpu.memory_space<hbm>>
      %dma_start3A_123 = tpu.memref_squeeze %dma_start3A_122 : memref<1x1x160x128xi32, #tpu.memory_space<hbm>> -> memref<160x128xi32, #tpu.memory_space<hbm>>
      %dma_start3A_124 = arith.constant 0 : i32
      %dma_start3A_125 = arith.constant 0 : i32
      %dma_start3A_126 = tpu.memref_slice %arg7[%dma_start3A_124, %dma_start3A_125] : memref<164x128xi32, #tpu.memory_space<vmem>> -> memref<160x128xi32, #tpu.memory_space<vmem>>
      %dma_start3A_127 = arith.constant 0 : i32
      %dma_start3A_128 = arith.constant 0 : i32
      %dma_start3A_129 = tpu.memref_slice %arg3[%run_scoped3A_1, %arg1, %dma_start3A_127, %dma_start3A_128] : memref<2x16x160x128xi32, #tpu.memory_space<hbm>> -> memref<1x1x160x128xi32, #tpu.memory_space<hbm>>
      %dma_start3A_130 = tpu.memref_squeeze %dma_start3A_129 : memref<1x1x160x128xi32, #tpu.memory_space<hbm>> -> memref<160x128xi32, #tpu.memory_space<hbm>>
      tpu.enqueue_dma source(%dma_start3A_130 : memref<160x128xi32, #tpu.memory_space<hbm>>) target(%dma_start3A_126 : memref<160x128xi32, #tpu.memory_space<vmem>>) target_semaphore(%run_scoped3A_116 : memref<!tpu.dma_semaphore, #tpu.memory_space<semaphore_mem>>)
      %dma_wait3A_131 = arith.constant 0 : i32
      %dma_wait3A_132 = arith.constant 0 : i32
      %dma_wait3A_133 = tpu.memref_slice %arg7[%dma_wait3A_131, %dma_wait3A_132] : memref<164x128xi32, #tpu.memory_space<vmem>> -> memref<160x128xi32, #tpu.memory_space<vmem>>
      %dma_wait3A_134 = arith.constant 0 : i32
      %dma_wait3A_135 = arith.constant 0 : i32
      %dma_wait3A_136 = tpu.memref_slice %arg3[%run_scoped3A_1, %arg1, %dma_wait3A_134, %dma_wait3A_135] : memref<2x16x160x128xi32, #tpu.memory_space<hbm>> -> memref<1x1x160x128xi32, #tpu.memory_space<hbm>>
      %dma_wait3A_137 = tpu.memref_squeeze %dma_wait3A_136 : memref<1x1x160x128xi32, #tpu.memory_space<hbm>> -> memref<160x128xi32, #tpu.memory_space<hbm>>
      %dma_wait3A_138 = arith.constant 0 : i32
      %dma_wait3A_139 = arith.constant 0 : i32
      %dma_wait3A_140 = tpu.memref_slice %arg7[%dma_wait3A_138, %dma_wait3A_139] : memref<164x128xi32, #tpu.memory_space<vmem>> -> memref<160x128xi32, #tpu.memory_space<vmem>>
      %dma_wait3A_141 = arith.constant 0 : i32
      %dma_wait3A_142 = arith.constant 0 : i32
      %dma_wait3A_143 = tpu.memref_slice %arg3[%run_scoped3A_1, %arg1, %dma_wait3A_141, %dma_wait3A_142] : memref<2x16x160x128xi32, #tpu.memory_space<hbm>> -> memref<1x1x160x128xi32, #tpu.memory_space<hbm>>
      %dma_wait3A_144 = tpu.memref_squeeze %dma_wait3A_143 : memref<1x1x160x128xi32, #tpu.memory_space<hbm>> -> memref<160x128xi32, #tpu.memory_space<hbm>>
      tpu.wait_dma2 semaphore(%run_scoped3A_116 : memref<!tpu.dma_semaphore, #tpu.memory_space<semaphore_mem>>) src(%dma_wait3A_144 : memref<160x128xi32, #tpu.memory_space<hbm>>) dst(%dma_wait3A_140 : memref<160x128xi32, #tpu.memory_space<vmem>>)
      tpu.yield
    }) : () -> ()
    "tpu.region"() ({
      %run_scoped3A_116 = tpu.sem_alloc : memref<!tpu.dma_semaphore, #tpu.memory_space<semaphore_mem>>
      %dma_start3A_117 = arith.constant 160 : i32
      %dma_start3A_118 = arith.constant 0 : i32
      %dma_start3A_119 = tpu.memref_slice %arg7[%dma_start3A_117, %dma_start3A_118] : memref<164x128xi32, #tpu.memory_space<vmem>> -> memref<4x128xi32, #tpu.memory_space<vmem>>
      %dma_start3A_120 = arith.constant 0 : i32
      %dma_start3A_121 = arith.constant 0 : i32
      %dma_start3A_122 = tpu.memref_slice %arg4[%arg1, %dma_start3A_120, %dma_start3A_121] : memref<16x4x128xi32, #tpu.memory_space<hbm>> -> memref<1x4x128xi32, #tpu.memory_space<hbm>>
      %dma_start3A_123 = tpu.memref_squeeze %dma_start3A_122 : memref<1x4x128xi32, #tpu.memory_space<hbm>> -> memref<4x128xi32, #tpu.memory_space<hbm>>
      %dma_start3A_124 = arith.constant 160 : i32
      %dma_start3A_125 = arith.constant 0 : i32
      %dma_start3A_126 = tpu.memref_slice %arg7[%dma_start3A_124, %dma_start3A_125] : memref<164x128xi32, #tpu.memory_space<vmem>> -> memref<4x128xi32, #tpu.memory_space<vmem>>
      %dma_start3A_127 = arith.constant 0 : i32
      %dma_start3A_128 = arith.constant 0 : i32
      %dma_start3A_129 = tpu.memref_slice %arg4[%arg1, %dma_start3A_127, %dma_start3A_128] : memref<16x4x128xi32, #tpu.memory_space<hbm>> -> memref<1x4x128xi32, #tpu.memory_space<hbm>>
      %dma_start3A_130 = tpu.memref_squeeze %dma_start3A_129 : memref<1x4x128xi32, #tpu.memory_space<hbm>> -> memref<4x128xi32, #tpu.memory_space<hbm>>
      tpu.enqueue_dma source(%dma_start3A_130 : memref<4x128xi32, #tpu.memory_space<hbm>>) target(%dma_start3A_126 : memref<4x128xi32, #tpu.memory_space<vmem>>) target_semaphore(%run_scoped3A_116 : memref<!tpu.dma_semaphore, #tpu.memory_space<semaphore_mem>>)
      %dma_wait3A_131 = arith.constant 160 : i32
      %dma_wait3A_132 = arith.constant 0 : i32
      %dma_wait3A_133 = tpu.memref_slice %arg7[%dma_wait3A_131, %dma_wait3A_132] : memref<164x128xi32, #tpu.memory_space<vmem>> -> memref<4x128xi32, #tpu.memory_space<vmem>>
      %dma_wait3A_134 = arith.constant 0 : i32
      %dma_wait3A_135 = arith.constant 0 : i32
      %dma_wait3A_136 = tpu.memref_slice %arg4[%arg1, %dma_wait3A_134, %dma_wait3A_135] : memref<16x4x128xi32, #tpu.memory_space<hbm>> -> memref<1x4x128xi32, #tpu.memory_space<hbm>>
      %dma_wait3A_137 = tpu.memref_squeeze %dma_wait3A_136 : memref<1x4x128xi32, #tpu.memory_space<hbm>> -> memref<4x128xi32, #tpu.memory_space<hbm>>
      %dma_wait3A_138 = arith.constant 160 : i32
      %dma_wait3A_139 = arith.constant 0 : i32
      %dma_wait3A_140 = tpu.memref_slice %arg7[%dma_wait3A_138, %dma_wait3A_139] : memref<164x128xi32, #tpu.memory_space<vmem>> -> memref<4x128xi32, #tpu.memory_space<vmem>>
      %dma_wait3A_141 = arith.constant 0 : i32
      %dma_wait3A_142 = arith.constant 0 : i32
      %dma_wait3A_143 = tpu.memref_slice %arg4[%arg1, %dma_wait3A_141, %dma_wait3A_142] : memref<16x4x128xi32, #tpu.memory_space<hbm>> -> memref<1x4x128xi32, #tpu.memory_space<hbm>>
      %dma_wait3A_144 = tpu.memref_squeeze %dma_wait3A_143 : memref<1x4x128xi32, #tpu.memory_space<hbm>> -> memref<4x128xi32, #tpu.memory_space<hbm>>
      tpu.wait_dma2 semaphore(%run_scoped3A_116 : memref<!tpu.dma_semaphore, #tpu.memory_space<semaphore_mem>>) src(%dma_wait3A_144 : memref<4x128xi32, #tpu.memory_space<hbm>>) dst(%dma_wait3A_140 : memref<4x128xi32, #tpu.memory_space<vmem>>)
      tpu.yield
    }) : () -> ()
    "tpu.region"() ({
      %run_scoped3A_116 = tpu.sem_alloc : memref<!tpu.dma_semaphore, #tpu.memory_space<semaphore_mem>>
      %dma_start3A_117 = arith.constant 0 : i32
      %dma_start3A_118 = tpu.memref_slice %arg13[%mul3A_0, %dma_start3A_117] : memref<10240x64xf32, #tpu.memory_space<vmem_shared>> -> memref<640x64xf32, #tpu.memory_space<vmem_shared>>
      tpu.enqueue_dma source(%arg5 : memref<640x64xf32, #tpu.memory_space<hbm>>) target(%dma_start3A_118 : memref<640x64xf32, #tpu.memory_space<vmem_shared>>) target_semaphore(%run_scoped3A_116 : memref<!tpu.dma_semaphore, #tpu.memory_space<semaphore_mem>>)
      %dma_wait3A_119 = arith.constant 0 : i32
      %dma_wait3A_120 = tpu.memref_slice %arg13[%mul3A_0, %dma_wait3A_119] : memref<10240x64xf32, #tpu.memory_space<vmem_shared>> -> memref<640x64xf32, #tpu.memory_space<vmem_shared>>
      tpu.wait_dma2 semaphore(%run_scoped3A_116 : memref<!tpu.dma_semaphore, #tpu.memory_space<semaphore_mem>>) src(%arg5 : memref<640x64xf32, #tpu.memory_space<hbm>>) dst(%dma_wait3A_120 : memref<640x64xf32, #tpu.memory_space<vmem_shared>>)
      tpu.yield
    }) : () -> ()
    %barrier3A = arith.constant 0 : index
    tpu.barrier barrier_id(%barrier3A)
    %dma_start3A = arith.constant 2 : i32
    %dma_start3A_2 = arith.constant 0 : i32
    %dma_start3A_3 = arith.constant 0 : i32
    %dma_start3A_4 = tpu.memref_slice %arg7[%dma_start3A_2, %dma_start3A_3] : memref<164x128xi32, #tpu.memory_space<vmem>> -> memref<1x128xi32, #tpu.memory_space<vmem>>
    %dma_start3A_5 = tpu.memref_squeeze %dma_start3A_4 : memref<1x128xi32, #tpu.memory_space<vmem>> -> memref<128xi32, #tpu.memory_space<vmem>>
    %dma_start3A_6 = arith.constant 0 : i32
    %dma_start3A_7 = arith.constant 0 : i32
    %dma_start3A_8 = tpu.memref_slice %arg2[%dma_start3A, %arg0, %dma_start3A_6, %dma_start3A_7] : memref<3x2x10240x64xf32, #tpu.memory_space<hbm>> -> memref<1x1x10240x64xf32, #tpu.memory_space<hbm>>
    %dma_start3A_9 = tpu.memref_squeeze %dma_start3A_8 : memref<1x1x10240x64xf32, #tpu.memory_space<hbm>> -> memref<10240x64xf32, #tpu.memory_space<hbm>>
    %dma_start3A_10 = arith.constant 0 : i32
    %dma_start3A_11 = arith.constant 0 : i32
    %dma_start3A_12 = tpu.memref_slice %dma_start3A_9[%dma_start3A_10, %dma_start3A_11] : memref<10240x64xf32, #tpu.memory_space<hbm>> -> memref<10240x64xf32, #tpu.memory_space<hbm>>
    tpu.enqueue_indirect_dma source(%dma_start3A_12 : memref<10240x64xf32, #tpu.memory_space<hbm>>) target(%arg9 : memref<128x64xf32, #tpu.memory_space<vmem>>) offsets(%dma_start3A_5 : memref<128xi32, #tpu.memory_space<vmem>>) semaphore(%arg14 : memref<!tpu.dma_semaphore, #tpu.memory_space<semaphore_mem>>)
    %dma_start3A_13 = arith.constant 2 : i32
    %dma_start3A_14 = arith.constant 1 : i32
    %dma_start3A_15 = arith.constant 0 : i32
    %dma_start3A_16 = tpu.memref_slice %arg7[%dma_start3A_14, %dma_start3A_15] : memref<164x128xi32, #tpu.memory_space<vmem>> -> memref<1x128xi32, #tpu.memory_space<vmem>>
    %dma_start3A_17 = tpu.memref_squeeze %dma_start3A_16 : memref<1x128xi32, #tpu.memory_space<vmem>> -> memref<128xi32, #tpu.memory_space<vmem>>
    %dma_start3A_18 = arith.constant 0 : i32
    %dma_start3A_19 = arith.constant 0 : i32
    %dma_start3A_20 = tpu.memref_slice %arg2[%dma_start3A_13, %arg0, %dma_start3A_18, %dma_start3A_19] : memref<3x2x10240x64xf32, #tpu.memory_space<hbm>> -> memref<1x1x10240x64xf32, #tpu.memory_space<hbm>>
    %dma_start3A_21 = tpu.memref_squeeze %dma_start3A_20 : memref<1x1x10240x64xf32, #tpu.memory_space<hbm>> -> memref<10240x64xf32, #tpu.memory_space<hbm>>
    %dma_start3A_22 = arith.constant 0 : i32
    %dma_start3A_23 = arith.constant 0 : i32
    %dma_start3A_24 = tpu.memref_slice %dma_start3A_21[%dma_start3A_22, %dma_start3A_23] : memref<10240x64xf32, #tpu.memory_space<hbm>> -> memref<10240x64xf32, #tpu.memory_space<hbm>>
    tpu.enqueue_indirect_dma source(%dma_start3A_24 : memref<10240x64xf32, #tpu.memory_space<hbm>>) target(%arg10 : memref<128x64xf32, #tpu.memory_space<vmem>>) offsets(%dma_start3A_17 : memref<128xi32, #tpu.memory_space<vmem>>) semaphore(%arg15 : memref<!tpu.dma_semaphore, #tpu.memory_space<semaphore_mem>>)
    %dma_start3A_25 = arith.constant 2 : i32
    %dma_start3A_26 = arith.constant 2 : i32
    %dma_start3A_27 = arith.constant 0 : i32
    %dma_start3A_28 = tpu.memref_slice %arg7[%dma_start3A_26, %dma_start3A_27] : memref<164x128xi32, #tpu.memory_space<vmem>> -> memref<1x128xi32, #tpu.memory_space<vmem>>
    %dma_start3A_29 = tpu.memref_squeeze %dma_start3A_28 : memref<1x128xi32, #tpu.memory_space<vmem>> -> memref<128xi32, #tpu.memory_space<vmem>>
    %dma_start3A_30 = arith.constant 0 : i32
    %dma_start3A_31 = arith.constant 0 : i32
    %dma_start3A_32 = tpu.memref_slice %arg2[%dma_start3A_25, %arg0, %dma_start3A_30, %dma_start3A_31] : memref<3x2x10240x64xf32, #tpu.memory_space<hbm>> -> memref<1x1x10240x64xf32, #tpu.memory_space<hbm>>
    %dma_start3A_33 = tpu.memref_squeeze %dma_start3A_32 : memref<1x1x10240x64xf32, #tpu.memory_space<hbm>> -> memref<10240x64xf32, #tpu.memory_space<hbm>>
    %dma_start3A_34 = arith.constant 0 : i32
    %dma_start3A_35 = arith.constant 0 : i32
    %dma_start3A_36 = tpu.memref_slice %dma_start3A_33[%dma_start3A_34, %dma_start3A_35] : memref<10240x64xf32, #tpu.memory_space<hbm>> -> memref<10240x64xf32, #tpu.memory_space<hbm>>
    tpu.enqueue_indirect_dma source(%dma_start3A_36 : memref<10240x64xf32, #tpu.memory_space<hbm>>) target(%arg11 : memref<128x64xf32, #tpu.memory_space<vmem>>) offsets(%dma_start3A_29 : memref<128xi32, #tpu.memory_space<vmem>>) semaphore(%arg16 : memref<!tpu.dma_semaphore, #tpu.memory_space<semaphore_mem>>)
    %dma_start3A_37 = arith.constant 2 : i32
    %dma_start3A_38 = arith.constant 3 : i32
    %dma_start3A_39 = arith.constant 0 : i32
    %dma_start3A_40 = tpu.memref_slice %arg7[%dma_start3A_38, %dma_start3A_39] : memref<164x128xi32, #tpu.memory_space<vmem>> -> memref<1x128xi32, #tpu.memory_space<vmem>>
    %dma_start3A_41 = tpu.memref_squeeze %dma_start3A_40 : memref<1x128xi32, #tpu.memory_space<vmem>> -> memref<128xi32, #tpu.memory_space<vmem>>
    %dma_start3A_42 = arith.constant 0 : i32
    %dma_start3A_43 = arith.constant 0 : i32
    %dma_start3A_44 = tpu.memref_slice %arg2[%dma_start3A_37, %arg0, %dma_start3A_42, %dma_start3A_43] : memref<3x2x10240x64xf32, #tpu.memory_space<hbm>> -> memref<1x1x10240x64xf32, #tpu.memory_space<hbm>>
    %dma_start3A_45 = tpu.memref_squeeze %dma_start3A_44 : memref<1x1x10240x64xf32, #tpu.memory_space<hbm>> -> memref<10240x64xf32, #tpu.memory_space<hbm>>
    %dma_start3A_46 = arith.constant 0 : i32
    %dma_start3A_47 = arith.constant 0 : i32
    %dma_start3A_48 = tpu.memref_slice %dma_start3A_45[%dma_start3A_46, %dma_start3A_47] : memref<10240x64xf32, #tpu.memory_space<hbm>> -> memref<10240x64xf32, #tpu.memory_space<hbm>>
    tpu.enqueue_indirect_dma source(%dma_start3A_48 : memref<10240x64xf32, #tpu.memory_space<hbm>>) target(%arg12 : memref<128x64xf32, #tpu.memory_space<vmem>>) offsets(%dma_start3A_41 : memref<128xi32, #tpu.memory_space<vmem>>) semaphore(%arg17 : memref<!tpu.dma_semaphore, #tpu.memory_space<semaphore_mem>>)
    %scan3A = arith.constant 0 : i32
    %scan3A_49 = arith.constant 2 : i32
    %scan3A_50 = arith.constant 0 : i32
    %scan3A_51 = arith.constant 40 : i32
    %scan3A_52 = arith.addi %scan3A_50, %scan3A_51 : i32
    %scan3A_53 = arith.constant 1 : i32
    scf.for %scan3A_116 = %scan3A_50 to %scan3A_52 step %scan3A_53  : i32 {
      %mul3A_117 = arith.constant 4 : i32
      %mul3A_118 = arith.muli %mul3A_117, %scan3A_116 : i32
      %add3A = arith.constant 0 : i32
      %add3A_119 = arith.addi %mul3A_118, %add3A : i32
      %dma_wait3A_120 = arith.constant 0 : i32
      %dma_wait3A_121 = arith.constant 0 : i32
      %dma_wait3A_122 = tpu.memref_slice %arg2[%scan3A_49, %arg0, %dma_wait3A_120, %dma_wait3A_121] : memref<3x2x10240x64xf32, #tpu.memory_space<hbm>> -> memref<1x1x10240x64xf32, #tpu.memory_space<hbm>>
      %dma_wait3A_123 = tpu.memref_squeeze %dma_wait3A_122 : memref<1x1x10240x64xf32, #tpu.memory_space<hbm>> -> memref<10240x64xf32, #tpu.memory_space<hbm>>
      %dma_wait3A_124 = arith.constant 0 : i32
      %dma_wait3A_125 = arith.constant 0 : i32
      %dma_wait3A_126 = tpu.memref_slice %dma_wait3A_123[%dma_wait3A_124, %dma_wait3A_125] : memref<10240x64xf32, #tpu.memory_space<hbm>> -> memref<128x64xf32, #tpu.memory_space<hbm>>
      %dma_wait3A_127 = arith.constant 0 : i32
      %dma_wait3A_128 = arith.constant 0 : i32
      %dma_wait3A_129 = tpu.memref_slice %arg2[%scan3A_49, %arg0, %dma_wait3A_127, %dma_wait3A_128] : memref<3x2x10240x64xf32, #tpu.memory_space<hbm>> -> memref<1x1x10240x64xf32, #tpu.memory_space<hbm>>
      %dma_wait3A_130 = tpu.memref_squeeze %dma_wait3A_129 : memref<1x1x10240x64xf32, #tpu.memory_space<hbm>> -> memref<10240x64xf32, #tpu.memory_space<hbm>>
      %dma_wait3A_131 = arith.constant 0 : i32
      %dma_wait3A_132 = arith.constant 0 : i32
      %dma_wait3A_133 = tpu.memref_slice %dma_wait3A_130[%dma_wait3A_131, %dma_wait3A_132] : memref<10240x64xf32, #tpu.memory_space<hbm>> -> memref<128x64xf32, #tpu.memory_space<hbm>>
      tpu.wait_dma2 semaphore(%arg14 : memref<!tpu.dma_semaphore, #tpu.memory_space<semaphore_mem>>) src(%dma_wait3A_133 : memref<128x64xf32, #tpu.memory_space<hbm>>) dst(%arg9 : memref<128x64xf32, #tpu.memory_space<vmem>>)
      "tpu.region"() ({
        %run_scoped3A_236 = tpu.sem_alloc : memref<!tpu.dma_semaphore, #tpu.memory_space<semaphore_mem>>
        %dma_start3A_237 = arith.constant 0 : i32
        %dma_start3A_238 = tpu.memref_slice %arg8[%add3A_119, %dma_start3A_237] : memref<160x128xi32, #tpu.memory_space<vmem>> -> memref<1x128xi32, #tpu.memory_space<vmem>>
        %dma_start3A_239 = tpu.memref_squeeze %dma_start3A_238 : memref<1x128xi32, #tpu.memory_space<vmem>> -> memref<128xi32, #tpu.memory_space<vmem>>
        %dma_start3A_240 = arith.constant 0 : i32
        %dma_start3A_241 = arith.constant 0 : i32
        %dma_start3A_242 = tpu.memref_slice %arg13[%dma_start3A_240, %dma_start3A_241] : memref<10240x64xf32, #tpu.memory_space<vmem_shared>> -> memref<10240x64xf32, #tpu.memory_space<vmem_shared>>
        tpu.enqueue_indirect_dma source(%arg9 : memref<128x64xf32, #tpu.memory_space<vmem>>) target(%dma_start3A_242 : memref<10240x64xf32, #tpu.memory_space<vmem_shared>>) offsets(%dma_start3A_239 : memref<128xi32, #tpu.memory_space<vmem>>) semaphore(%run_scoped3A_236 : memref<!tpu.dma_semaphore, #tpu.memory_space<semaphore_mem>>) {add = true}
        %dma_wait3A_243 = arith.constant 0 : i32
        %dma_wait3A_244 = tpu.memref_slice %arg8[%add3A_119, %dma_wait3A_243] : memref<160x128xi32, #tpu.memory_space<vmem>> -> memref<1x128xi32, #tpu.memory_space<vmem>>
        %dma_wait3A_245 = tpu.memref_squeeze %dma_wait3A_244 : memref<1x128xi32, #tpu.memory_space<vmem>> -> memref<128xi32, #tpu.memory_space<vmem>>
        %dma_wait3A_246 = arith.constant 0 : i32
        %dma_wait3A_247 = arith.constant 0 : i32
        %dma_wait3A_248 = tpu.memref_slice %arg13[%dma_wait3A_246, %dma_wait3A_247] : memref<10240x64xf32, #tpu.memory_space<vmem_shared>> -> memref<10240x64xf32, #tpu.memory_space<vmem_shared>>
        tpu.wait_indirect_dma semaphore(%run_scoped3A_236 : memref<!tpu.dma_semaphore, #tpu.memory_space<semaphore_mem>>) src(%arg9 : memref<128x64xf32, #tpu.memory_space<vmem>>) dst(%dma_wait3A_248 : memref<10240x64xf32, #tpu.memory_space<vmem_shared>>)
        tpu.yield
      }) : () -> ()
      %add3A_134 = arith.constant 4 : i32
      %add3A_135 = arith.addi %add3A_119, %add3A_134 : i32
      %dma_start3A_136 = arith.constant 0 : i32
      %dma_start3A_137 = tpu.memref_slice %arg7[%add3A_135, %dma_start3A_136] : memref<164x128xi32, #tpu.memory_space<vmem>> -> memref<1x128xi32, #tpu.memory_space<vmem>>
      %dma_start3A_138 = tpu.memref_squeeze %dma_start3A_137 : memref<1x128xi32, #tpu.memory_space<vmem>> -> memref<128xi32, #tpu.memory_space<vmem>>
      %dma_start3A_139 = arith.constant 0 : i32
      %dma_start3A_140 = arith.constant 0 : i32
      %dma_start3A_141 = tpu.memref_slice %arg2[%scan3A_49, %arg0, %dma_start3A_139, %dma_start3A_140] : memref<3x2x10240x64xf32, #tpu.memory_space<hbm>> -> memref<1x1x10240x64xf32, #tpu.memory_space<hbm>>
      %dma_start3A_142 = tpu.memref_squeeze %dma_start3A_141 : memref<1x1x10240x64xf32, #tpu.memory_space<hbm>> -> memref<10240x64xf32, #tpu.memory_space<hbm>>
      %dma_start3A_143 = arith.constant 0 : i32
      %dma_start3A_144 = arith.constant 0 : i32
      %dma_start3A_145 = tpu.memref_slice %dma_start3A_142[%dma_start3A_143, %dma_start3A_144] : memref<10240x64xf32, #tpu.memory_space<hbm>> -> memref<10240x64xf32, #tpu.memory_space<hbm>>
      tpu.enqueue_indirect_dma source(%dma_start3A_145 : memref<10240x64xf32, #tpu.memory_space<hbm>>) target(%arg9 : memref<128x64xf32, #tpu.memory_space<vmem>>) offsets(%dma_start3A_138 : memref<128xi32, #tpu.memory_space<vmem>>) semaphore(%arg14 : memref<!tpu.dma_semaphore, #tpu.memory_space<semaphore_mem>>)
      %mul3A_146 = arith.constant 4 : i32
      %mul3A_147 = arith.muli %mul3A_146, %scan3A_116 : i32
      %add3A_148 = arith.constant 1 : i32
      %add3A_149 = arith.addi %mul3A_147, %add3A_148 : i32
      %dma_wait3A_150 = arith.constant 0 : i32
      %dma_wait3A_151 = arith.constant 0 : i32
      %dma_wait3A_152 = tpu.memref_slice %arg2[%scan3A_49, %arg0, %dma_wait3A_150, %dma_wait3A_151] : memref<3x2x10240x64xf32, #tpu.memory_space<hbm>> -> memref<1x1x10240x64xf32, #tpu.memory_space<hbm>>
      %dma_wait3A_153 = tpu.memref_squeeze %dma_wait3A_152 : memref<1x1x10240x64xf32, #tpu.memory_space<hbm>> -> memref<10240x64xf32, #tpu.memory_space<hbm>>
      %dma_wait3A_154 = arith.constant 0 : i32
      %dma_wait3A_155 = arith.constant 0 : i32
      %dma_wait3A_156 = tpu.memref_slice %dma_wait3A_153[%dma_wait3A_154, %dma_wait3A_155] : memref<10240x64xf32, #tpu.memory_space<hbm>> -> memref<128x64xf32, #tpu.memory_space<hbm>>
      %dma_wait3A_157 = arith.constant 0 : i32
      %dma_wait3A_158 = arith.constant 0 : i32
      %dma_wait3A_159 = tpu.memref_slice %arg2[%scan3A_49, %arg0, %dma_wait3A_157, %dma_wait3A_158] : memref<3x2x10240x64xf32, #tpu.memory_space<hbm>> -> memref<1x1x10240x64xf32, #tpu.memory_space<hbm>>
      %dma_wait3A_160 = tpu.memref_squeeze %dma_wait3A_159 : memref<1x1x10240x64xf32, #tpu.memory_space<hbm>> -> memref<10240x64xf32, #tpu.memory_space<hbm>>
      %dma_wait3A_161 = arith.constant 0 : i32
      %dma_wait3A_162 = arith.constant 0 : i32
      %dma_wait3A_163 = tpu.memref_slice %dma_wait3A_160[%dma_wait3A_161, %dma_wait3A_162] : memref<10240x64xf32, #tpu.memory_space<hbm>> -> memref<128x64xf32, #tpu.memory_space<hbm>>
      tpu.wait_dma2 semaphore(%arg15 : memref<!tpu.dma_semaphore, #tpu.memory_space<semaphore_mem>>) src(%dma_wait3A_163 : memref<128x64xf32, #tpu.memory_space<hbm>>) dst(%arg10 : memref<128x64xf32, #tpu.memory_space<vmem>>)
      "tpu.region"() ({
        %run_scoped3A_236 = tpu.sem_alloc : memref<!tpu.dma_semaphore, #tpu.memory_space<semaphore_mem>>
        %dma_start3A_237 = arith.constant 0 : i32
        %dma_start3A_238 = tpu.memref_slice %arg8[%add3A_149, %dma_start3A_237] : memref<160x128xi32, #tpu.memory_space<vmem>> -> memref<1x128xi32, #tpu.memory_space<vmem>>
        %dma_start3A_239 = tpu.memref_squeeze %dma_start3A_238 : memref<1x128xi32, #tpu.memory_space<vmem>> -> memref<128xi32, #tpu.memory_space<vmem>>
        %dma_start3A_240 = arith.constant 0 : i32
        %dma_start3A_241 = arith.constant 0 : i32
        %dma_start3A_242 = tpu.memref_slice %arg13[%dma_start3A_240, %dma_start3A_241] : memref<10240x64xf32, #tpu.memory_space<vmem_shared>> -> memref<10240x64xf32, #tpu.memory_space<vmem_shared>>
        tpu.enqueue_indirect_dma source(%arg10 : memref<128x64xf32, #tpu.memory_space<vmem>>) target(%dma_start3A_242 : memref<10240x64xf32, #tpu.memory_space<vmem_shared>>) offsets(%dma_start3A_239 : memref<128xi32, #tpu.memory_space<vmem>>) semaphore(%run_scoped3A_236 : memref<!tpu.dma_semaphore, #tpu.memory_space<semaphore_mem>>) {add = true}
        %dma_wait3A_243 = arith.constant 0 : i32
        %dma_wait3A_244 = tpu.memref_slice %arg8[%add3A_149, %dma_wait3A_243] : memref<160x128xi32, #tpu.memory_space<vmem>> -> memref<1x128xi32, #tpu.memory_space<vmem>>
        %dma_wait3A_245 = tpu.memref_squeeze %dma_wait3A_244 : memref<1x128xi32, #tpu.memory_space<vmem>> -> memref<128xi32, #tpu.memory_space<vmem>>
        %dma_wait3A_246 = arith.constant 0 : i32
        %dma_wait3A_247 = arith.constant 0 : i32
        %dma_wait3A_248 = tpu.memref_slice %arg13[%dma_wait3A_246, %dma_wait3A_247] : memref<10240x64xf32, #tpu.memory_space<vmem_shared>> -> memref<10240x64xf32, #tpu.memory_space<vmem_shared>>
        tpu.wait_indirect_dma semaphore(%run_scoped3A_236 : memref<!tpu.dma_semaphore, #tpu.memory_space<semaphore_mem>>) src(%arg10 : memref<128x64xf32, #tpu.memory_space<vmem>>) dst(%dma_wait3A_248 : memref<10240x64xf32, #tpu.memory_space<vmem_shared>>)
        tpu.yield
      }) : () -> ()
      %add3A_164 = arith.constant 4 : i32
      %add3A_165 = arith.addi %add3A_149, %add3A_164 : i32
      %dma_start3A_166 = arith.constant 0 : i32
      %dma_start3A_167 = tpu.memref_slice %arg7[%add3A_165, %dma_start3A_166] : memref<164x128xi32, #tpu.memory_space<vmem>> -> memref<1x128xi32, #tpu.memory_space<vmem>>
      %dma_start3A_168 = tpu.memref_squeeze %dma_start3A_167 : memref<1x128xi32, #tpu.memory_space<vmem>> -> memref<128xi32, #tpu.memory_space<vmem>>
      %dma_start3A_169 = arith.constant 0 : i32
      %dma_start3A_170 = arith.constant 0 : i32
      %dma_start3A_171 = tpu.memref_slice %arg2[%scan3A_49, %arg0, %dma_start3A_169, %dma_start3A_170] : memref<3x2x10240x64xf32, #tpu.memory_space<hbm>> -> memref<1x1x10240x64xf32, #tpu.memory_space<hbm>>
      %dma_start3A_172 = tpu.memref_squeeze %dma_start3A_171 : memref<1x1x10240x64xf32, #tpu.memory_space<hbm>> -> memref<10240x64xf32, #tpu.memory_space<hbm>>
      %dma_start3A_173 = arith.constant 0 : i32
      %dma_start3A_174 = arith.constant 0 : i32
      %dma_start3A_175 = tpu.memref_slice %dma_start3A_172[%dma_start3A_173, %dma_start3A_174] : memref<10240x64xf32, #tpu.memory_space<hbm>> -> memref<10240x64xf32, #tpu.memory_space<hbm>>
      tpu.enqueue_indirect_dma source(%dma_start3A_175 : memref<10240x64xf32, #tpu.memory_space<hbm>>) target(%arg10 : memref<128x64xf32, #tpu.memory_space<vmem>>) offsets(%dma_start3A_168 : memref<128xi32, #tpu.memory_space<vmem>>) semaphore(%arg15 : memref<!tpu.dma_semaphore, #tpu.memory_space<semaphore_mem>>)
      %mul3A_176 = arith.constant 4 : i32
      %mul3A_177 = arith.muli %mul3A_176, %scan3A_116 : i32
      %add3A_178 = arith.constant 2 : i32
      %add3A_179 = arith.addi %mul3A_177, %add3A_178 : i32
      %dma_wait3A_180 = arith.constant 0 : i32
      %dma_wait3A_181 = arith.constant 0 : i32
      %dma_wait3A_182 = tpu.memref_slice %arg2[%scan3A_49, %arg0, %dma_wait3A_180, %dma_wait3A_181] : memref<3x2x10240x64xf32, #tpu.memory_space<hbm>> -> memref<1x1x10240x64xf32, #tpu.memory_space<hbm>>
      %dma_wait3A_183 = tpu.memref_squeeze %dma_wait3A_182 : memref<1x1x10240x64xf32, #tpu.memory_space<hbm>> -> memref<10240x64xf32, #tpu.memory_space<hbm>>
      %dma_wait3A_184 = arith.constant 0 : i32
      %dma_wait3A_185 = arith.constant 0 : i32
      %dma_wait3A_186 = tpu.memref_slice %dma_wait3A_183[%dma_wait3A_184, %dma_wait3A_185] : memref<10240x64xf32, #tpu.memory_space<hbm>> -> memref<128x64xf32, #tpu.memory_space<hbm>>
      %dma_wait3A_187 = arith.constant 0 : i32
      %dma_wait3A_188 = arith.constant 0 : i32
      %dma_wait3A_189 = tpu.memref_slice %arg2[%scan3A_49, %arg0, %dma_wait3A_187, %dma_wait3A_188] : memref<3x2x10240x64xf32, #tpu.memory_space<hbm>> -> memref<1x1x10240x64xf32, #tpu.memory_space<hbm>>
      %dma_wait3A_190 = tpu.memref_squeeze %dma_wait3A_189 : memref<1x1x10240x64xf32, #tpu.memory_space<hbm>> -> memref<10240x64xf32, #tpu.memory_space<hbm>>
      %dma_wait3A_191 = arith.constant 0 : i32
      %dma_wait3A_192 = arith.constant 0 : i32
      %dma_wait3A_193 = tpu.memref_slice %dma_wait3A_190[%dma_wait3A_191, %dma_wait3A_192] : memref<10240x64xf32, #tpu.memory_space<hbm>> -> memref<128x64xf32, #tpu.memory_space<hbm>>
      tpu.wait_dma2 semaphore(%arg16 : memref<!tpu.dma_semaphore, #tpu.memory_space<semaphore_mem>>) src(%dma_wait3A_193 : memref<128x64xf32, #tpu.memory_space<hbm>>) dst(%arg11 : memref<128x64xf32, #tpu.memory_space<vmem>>)
      "tpu.region"() ({
        %run_scoped3A_236 = tpu.sem_alloc : memref<!tpu.dma_semaphore, #tpu.memory_space<semaphore_mem>>
        %dma_start3A_237 = arith.constant 0 : i32
        %dma_start3A_238 = tpu.memref_slice %arg8[%add3A_179, %dma_start3A_237] : memref<160x128xi32, #tpu.memory_space<vmem>> -> memref<1x128xi32, #tpu.memory_space<vmem>>
        %dma_start3A_239 = tpu.memref_squeeze %dma_start3A_238 : memref<1x128xi32, #tpu.memory_space<vmem>> -> memref<128xi32, #tpu.memory_space<vmem>>
        %dma_start3A_240 = arith.constant 0 : i32
        %dma_start3A_241 = arith.constant 0 : i32
        %dma_start3A_242 = tpu.memref_slice %arg13[%dma_start3A_240, %dma_start3A_241] : memref<10240x64xf32, #tpu.memory_space<vmem_shared>> -> memref<10240x64xf32, #tpu.memory_space<vmem_shared>>
        tpu.enqueue_indirect_dma source(%arg11 : memref<128x64xf32, #tpu.memory_space<vmem>>) target(%dma_start3A_242 : memref<10240x64xf32, #tpu.memory_space<vmem_shared>>) offsets(%dma_start3A_239 : memref<128xi32, #tpu.memory_space<vmem>>) semaphore(%run_scoped3A_236 : memref<!tpu.dma_semaphore, #tpu.memory_space<semaphore_mem>>) {add = true}
        %dma_wait3A_243 = arith.constant 0 : i32
        %dma_wait3A_244 = tpu.memref_slice %arg8[%add3A_179, %dma_wait3A_243] : memref<160x128xi32, #tpu.memory_space<vmem>> -> memref<1x128xi32, #tpu.memory_space<vmem>>
        %dma_wait3A_245 = tpu.memref_squeeze %dma_wait3A_244 : memref<1x128xi32, #tpu.memory_space<vmem>> -> memref<128xi32, #tpu.memory_space<vmem>>
        %dma_wait3A_246 = arith.constant 0 : i32
        %dma_wait3A_247 = arith.constant 0 : i32
        %dma_wait3A_248 = tpu.memref_slice %arg13[%dma_wait3A_246, %dma_wait3A_247] : memref<10240x64xf32, #tpu.memory_space<vmem_shared>> -> memref<10240x64xf32, #tpu.memory_space<vmem_shared>>
        tpu.wait_indirect_dma semaphore(%run_scoped3A_236 : memref<!tpu.dma_semaphore, #tpu.memory_space<semaphore_mem>>) src(%arg11 : memref<128x64xf32, #tpu.memory_space<vmem>>) dst(%dma_wait3A_248 : memref<10240x64xf32, #tpu.memory_space<vmem_shared>>)
        tpu.yield
      }) : () -> ()
      %add3A_194 = arith.constant 4 : i32
      %add3A_195 = arith.addi %add3A_179, %add3A_194 : i32
      %dma_start3A_196 = arith.constant 0 : i32
      %dma_start3A_197 = tpu.memref_slice %arg7[%add3A_195, %dma_start3A_196] : memref<164x128xi32, #tpu.memory_space<vmem>> -> memref<1x128xi32, #tpu.memory_space<vmem>>
      %dma_start3A_198 = tpu.memref_squeeze %dma_start3A_197 : memref<1x128xi32, #tpu.memory_space<vmem>> -> memref<128xi32, #tpu.memory_space<vmem>>
      %dma_start3A_199 = arith.constant 0 : i32
      %dma_start3A_200 = arith.constant 0 : i32
      %dma_start3A_201 = tpu.memref_slice %arg2[%scan3A_49, %arg0, %dma_start3A_199, %dma_start3A_200] : memref<3x2x10240x64xf32, #tpu.memory_space<hbm>> -> memref<1x1x10240x64xf32, #tpu.memory_space<hbm>>
      %dma_start3A_202 = tpu.memref_squeeze %dma_start3A_201 : memref<1x1x10240x64xf32, #tpu.memory_space<hbm>> -> memref<10240x64xf32, #tpu.memory_space<hbm>>
      %dma_start3A_203 = arith.constant 0 : i32
      %dma_start3A_204 = arith.constant 0 : i32
      %dma_start3A_205 = tpu.memref_slice %dma_start3A_202[%dma_start3A_203, %dma_start3A_204] : memref<10240x64xf32, #tpu.memory_space<hbm>> -> memref<10240x64xf32, #tpu.memory_space<hbm>>
      tpu.enqueue_indirect_dma source(%dma_start3A_205 : memref<10240x64xf32, #tpu.memory_space<hbm>>) target(%arg11 : memref<128x64xf32, #tpu.memory_space<vmem>>) offsets(%dma_start3A_198 : memref<128xi32, #tpu.memory_space<vmem>>) semaphore(%arg16 : memref<!tpu.dma_semaphore, #tpu.memory_space<semaphore_mem>>)
      %mul3A_206 = arith.constant 4 : i32
      %mul3A_207 = arith.muli %mul3A_206, %scan3A_116 : i32
      %add3A_208 = arith.constant 3 : i32
      %add3A_209 = arith.addi %mul3A_207, %add3A_208 : i32
      %dma_wait3A_210 = arith.constant 0 : i32
      %dma_wait3A_211 = arith.constant 0 : i32
      %dma_wait3A_212 = tpu.memref_slice %arg2[%scan3A_49, %arg0, %dma_wait3A_210, %dma_wait3A_211] : memref<3x2x10240x64xf32, #tpu.memory_space<hbm>> -> memref<1x1x10240x64xf32, #tpu.memory_space<hbm>>
      %dma_wait3A_213 = tpu.memref_squeeze %dma_wait3A_212 : memref<1x1x10240x64xf32, #tpu.memory_space<hbm>> -> memref<10240x64xf32, #tpu.memory_space<hbm>>
      %dma_wait3A_214 = arith.constant 0 : i32
      %dma_wait3A_215 = arith.constant 0 : i32
      %dma_wait3A_216 = tpu.memref_slice %dma_wait3A_213[%dma_wait3A_214, %dma_wait3A_215] : memref<10240x64xf32, #tpu.memory_space<hbm>> -> memref<128x64xf32, #tpu.memory_space<hbm>>
      %dma_wait3A_217 = arith.constant 0 : i32
      %dma_wait3A_218 = arith.constant 0 : i32
      %dma_wait3A_219 = tpu.memref_slice %arg2[%scan3A_49, %arg0, %dma_wait3A_217, %dma_wait3A_218] : memref<3x2x10240x64xf32, #tpu.memory_space<hbm>> -> memref<1x1x10240x64xf32, #tpu.memory_space<hbm>>
      %dma_wait3A_220 = tpu.memref_squeeze %dma_wait3A_219 : memref<1x1x10240x64xf32, #tpu.memory_space<hbm>> -> memref<10240x64xf32, #tpu.memory_space<hbm>>
      %dma_wait3A_221 = arith.constant 0 : i32
      %dma_wait3A_222 = arith.constant 0 : i32
      %dma_wait3A_223 = tpu.memref_slice %dma_wait3A_220[%dma_wait3A_221, %dma_wait3A_222] : memref<10240x64xf32, #tpu.memory_space<hbm>> -> memref<128x64xf32, #tpu.memory_space<hbm>>
      tpu.wait_dma2 semaphore(%arg17 : memref<!tpu.dma_semaphore, #tpu.memory_space<semaphore_mem>>) src(%dma_wait3A_223 : memref<128x64xf32, #tpu.memory_space<hbm>>) dst(%arg12 : memref<128x64xf32, #tpu.memory_space<vmem>>)
      "tpu.region"() ({
        %run_scoped3A_236 = tpu.sem_alloc : memref<!tpu.dma_semaphore, #tpu.memory_space<semaphore_mem>>
        %dma_start3A_237 = arith.constant 0 : i32
        %dma_start3A_238 = tpu.memref_slice %arg8[%add3A_209, %dma_start3A_237] : memref<160x128xi32, #tpu.memory_space<vmem>> -> memref<1x128xi32, #tpu.memory_space<vmem>>
        %dma_start3A_239 = tpu.memref_squeeze %dma_start3A_238 : memref<1x128xi32, #tpu.memory_space<vmem>> -> memref<128xi32, #tpu.memory_space<vmem>>
        %dma_start3A_240 = arith.constant 0 : i32
        %dma_start3A_241 = arith.constant 0 : i32
        %dma_start3A_242 = tpu.memref_slice %arg13[%dma_start3A_240, %dma_start3A_241] : memref<10240x64xf32, #tpu.memory_space<vmem_shared>> -> memref<10240x64xf32, #tpu.memory_space<vmem_shared>>
        tpu.enqueue_indirect_dma source(%arg12 : memref<128x64xf32, #tpu.memory_space<vmem>>) target(%dma_start3A_242 : memref<10240x64xf32, #tpu.memory_space<vmem_shared>>) offsets(%dma_start3A_239 : memref<128xi32, #tpu.memory_space<vmem>>) semaphore(%run_scoped3A_236 : memref<!tpu.dma_semaphore, #tpu.memory_space<semaphore_mem>>) {add = true}
        %dma_wait3A_243 = arith.constant 0 : i32
        %dma_wait3A_244 = tpu.memref_slice %arg8[%add3A_209, %dma_wait3A_243] : memref<160x128xi32, #tpu.memory_space<vmem>> -> memref<1x128xi32, #tpu.memory_space<vmem>>
        %dma_wait3A_245 = tpu.memref_squeeze %dma_wait3A_244 : memref<1x128xi32, #tpu.memory_space<vmem>> -> memref<128xi32, #tpu.memory_space<vmem>>
        %dma_wait3A_246 = arith.constant 0 : i32
        %dma_wait3A_247 = arith.constant 0 : i32
        %dma_wait3A_248 = tpu.memref_slice %arg13[%dma_wait3A_246, %dma_wait3A_247] : memref<10240x64xf32, #tpu.memory_space<vmem_shared>> -> memref<10240x64xf32, #tpu.memory_space<vmem_shared>>
        tpu.wait_indirect_dma semaphore(%run_scoped3A_236 : memref<!tpu.dma_semaphore, #tpu.memory_space<semaphore_mem>>) src(%arg12 : memref<128x64xf32, #tpu.memory_space<vmem>>) dst(%dma_wait3A_248 : memref<10240x64xf32, #tpu.memory_space<vmem_shared>>)
        tpu.yield
      }) : () -> ()
      %add3A_224 = arith.constant 4 : i32
      %add3A_225 = arith.addi %add3A_209, %add3A_224 : i32
      %dma_start3A_226 = arith.constant 0 : i32
      %dma_start3A_227 = tpu.memref_slice %arg7[%add3A_225, %dma_start3A_226] : memref<164x128xi32, #tpu.memory_space<vmem>> -> memref<1x128xi32, #tpu.memory_space<vmem>>
      %dma_start3A_228 = tpu.memref_squeeze %dma_start3A_227 : memref<1x128xi32, #tpu.memory_space<vmem>> -> memref<128xi32, #tpu.memory_space<vmem>>
      %dma_start3A_229 = arith.constant 0 : i32
      %dma_start3A_230 = arith.constant 0 : i32
      %dma_start3A_231 = tpu.memref_slice %arg2[%scan3A_49, %arg0, %dma_start3A_229, %dma_start3A_230] : memref<3x2x10240x64xf32, #tpu.memory_space<hbm>> -> memref<1x1x10240x64xf32, #tpu.memory_space<hbm>>
      %dma_start3A_232 = tpu.memref_squeeze %dma_start3A_231 : memref<1x1x10240x64xf32, #tpu.memory_space<hbm>> -> memref<10240x64xf32, #tpu.memory_space<hbm>>
      %dma_start3A_233 = arith.constant 0 : i32
      %dma_start3A_234 = arith.constant 0 : i32
      %dma_start3A_235 = tpu.memref_slice %dma_start3A_232[%dma_start3A_233, %dma_start3A_234] : memref<10240x64xf32, #tpu.memory_space<hbm>> -> memref<10240x64xf32, #tpu.memory_space<hbm>>
      tpu.enqueue_indirect_dma source(%dma_start3A_235 : memref<10240x64xf32, #tpu.memory_space<hbm>>) target(%arg12 : memref<128x64xf32, #tpu.memory_space<vmem>>) offsets(%dma_start3A_228 : memref<128xi32, #tpu.memory_space<vmem>>) semaphore(%arg17 : memref<!tpu.dma_semaphore, #tpu.memory_space<semaphore_mem>>)
    }
    %scan3A_54 = arith.constant 40 : i32
    %dma_wait3A = arith.constant 2 : i32
    %dma_wait3A_55 = arith.constant 0 : i32
    %dma_wait3A_56 = arith.constant 0 : i32
    %dma_wait3A_57 = tpu.memref_slice %arg2[%dma_wait3A, %arg0, %dma_wait3A_55, %dma_wait3A_56] : memref<3x2x10240x64xf32, #tpu.memory_space<hbm>> -> memref<1x1x10240x64xf32, #tpu.memory_space<hbm>>
    %dma_wait3A_58 = tpu.memref_squeeze %dma_wait3A_57 : memref<1x1x10240x64xf32, #tpu.memory_space<hbm>> -> memref<10240x64xf32, #tpu.memory_space<hbm>>
    %dma_wait3A_59 = arith.constant 0 : i32
    %dma_wait3A_60 = arith.constant 0 : i32
    %dma_wait3A_61 = tpu.memref_slice %dma_wait3A_58[%dma_wait3A_59, %dma_wait3A_60] : memref<10240x64xf32, #tpu.memory_space<hbm>> -> memref<128x64xf32, #tpu.memory_space<hbm>>
    %dma_wait3A_62 = arith.constant 0 : i32
    %dma_wait3A_63 = arith.constant 0 : i32
    %dma_wait3A_64 = tpu.memref_slice %arg2[%dma_wait3A, %arg0, %dma_wait3A_62, %dma_wait3A_63] : memref<3x2x10240x64xf32, #tpu.memory_space<hbm>> -> memref<1x1x10240x64xf32, #tpu.memory_space<hbm>>
    %dma_wait3A_65 = tpu.memref_squeeze %dma_wait3A_64 : memref<1x1x10240x64xf32, #tpu.memory_space<hbm>> -> memref<10240x64xf32, #tpu.memory_space<hbm>>
    %dma_wait3A_66 = arith.constant 0 : i32
    %dma_wait3A_67 = arith.constant 0 : i32
    %dma_wait3A_68 = tpu.memref_slice %dma_wait3A_65[%dma_wait3A_66, %dma_wait3A_67] : memref<10240x64xf32, #tpu.memory_space<hbm>> -> memref<128x64xf32, #tpu.memory_space<hbm>>
    tpu.wait_dma2 semaphore(%arg14 : memref<!tpu.dma_semaphore, #tpu.memory_space<semaphore_mem>>) src(%dma_wait3A_68 : memref<128x64xf32, #tpu.memory_space<hbm>>) dst(%arg9 : memref<128x64xf32, #tpu.memory_space<vmem>>)
    %dma_wait3A_69 = arith.constant 2 : i32
    %dma_wait3A_70 = arith.constant 0 : i32
    %dma_wait3A_71 = arith.constant 0 : i32
    %dma_wait3A_72 = tpu.memref_slice %arg2[%dma_wait3A_69, %arg0, %dma_wait3A_70, %dma_wait3A_71] : memref<3x2x10240x64xf32, #tpu.memory_space<hbm>> -> memref<1x1x10240x64xf32, #tpu.memory_space<hbm>>
    %dma_wait3A_73 = tpu.memref_squeeze %dma_wait3A_72 : memref<1x1x10240x64xf32, #tpu.memory_space<hbm>> -> memref<10240x64xf32, #tpu.memory_space<hbm>>
    %dma_wait3A_74 = arith.constant 0 : i32
    %dma_wait3A_75 = arith.constant 0 : i32
    %dma_wait3A_76 = tpu.memref_slice %dma_wait3A_73[%dma_wait3A_74, %dma_wait3A_75] : memref<10240x64xf32, #tpu.memory_space<hbm>> -> memref<128x64xf32, #tpu.memory_space<hbm>>
    %dma_wait3A_77 = arith.constant 0 : i32
    %dma_wait3A_78 = arith.constant 0 : i32
    %dma_wait3A_79 = tpu.memref_slice %arg2[%dma_wait3A_69, %arg0, %dma_wait3A_77, %dma_wait3A_78] : memref<3x2x10240x64xf32, #tpu.memory_space<hbm>> -> memref<1x1x10240x64xf32, #tpu.memory_space<hbm>>
    %dma_wait3A_80 = tpu.memref_squeeze %dma_wait3A_79 : memref<1x1x10240x64xf32, #tpu.memory_space<hbm>> -> memref<10240x64xf32, #tpu.memory_space<hbm>>
    %dma_wait3A_81 = arith.constant 0 : i32
    %dma_wait3A_82 = arith.constant 0 : i32
    %dma_wait3A_83 = tpu.memref_slice %dma_wait3A_80[%dma_wait3A_81, %dma_wait3A_82] : memref<10240x64xf32, #tpu.memory_space<hbm>> -> memref<128x64xf32, #tpu.memory_space<hbm>>
    tpu.wait_dma2 semaphore(%arg15 : memref<!tpu.dma_semaphore, #tpu.memory_space<semaphore_mem>>) src(%dma_wait3A_83 : memref<128x64xf32, #tpu.memory_space<hbm>>) dst(%arg10 : memref<128x64xf32, #tpu.memory_space<vmem>>)
    %dma_wait3A_84 = arith.constant 2 : i32
    %dma_wait3A_85 = arith.constant 0 : i32
    %dma_wait3A_86 = arith.constant 0 : i32
    %dma_wait3A_87 = tpu.memref_slice %arg2[%dma_wait3A_84, %arg0, %dma_wait3A_85, %dma_wait3A_86] : memref<3x2x10240x64xf32, #tpu.memory_space<hbm>> -> memref<1x1x10240x64xf32, #tpu.memory_space<hbm>>
    %dma_wait3A_88 = tpu.memref_squeeze %dma_wait3A_87 : memref<1x1x10240x64xf32, #tpu.memory_space<hbm>> -> memref<10240x64xf32, #tpu.memory_space<hbm>>
    %dma_wait3A_89 = arith.constant 0 : i32
    %dma_wait3A_90 = arith.constant 0 : i32
    %dma_wait3A_91 = tpu.memref_slice %dma_wait3A_88[%dma_wait3A_89, %dma_wait3A_90] : memref<10240x64xf32, #tpu.memory_space<hbm>> -> memref<128x64xf32, #tpu.memory_space<hbm>>
    %dma_wait3A_92 = arith.constant 0 : i32
    %dma_wait3A_93 = arith.constant 0 : i32
    %dma_wait3A_94 = tpu.memref_slice %arg2[%dma_wait3A_84, %arg0, %dma_wait3A_92, %dma_wait3A_93] : memref<3x2x10240x64xf32, #tpu.memory_space<hbm>> -> memref<1x1x10240x64xf32, #tpu.memory_space<hbm>>
    %dma_wait3A_95 = tpu.memref_squeeze %dma_wait3A_94 : memref<1x1x10240x64xf32, #tpu.memory_space<hbm>> -> memref<10240x64xf32, #tpu.memory_space<hbm>>
    %dma_wait3A_96 = arith.constant 0 : i32
    %dma_wait3A_97 = arith.constant 0 : i32
    %dma_wait3A_98 = tpu.memref_slice %dma_wait3A_95[%dma_wait3A_96, %dma_wait3A_97] : memref<10240x64xf32, #tpu.memory_space<hbm>> -> memref<128x64xf32, #tpu.memory_space<hbm>>
    tpu.wait_dma2 semaphore(%arg16 : memref<!tpu.dma_semaphore, #tpu.memory_space<semaphore_mem>>) src(%dma_wait3A_98 : memref<128x64xf32, #tpu.memory_space<hbm>>) dst(%arg11 : memref<128x64xf32, #tpu.memory_space<vmem>>)
    %dma_wait3A_99 = arith.constant 2 : i32
    %dma_wait3A_100 = arith.constant 0 : i32
    %dma_wait3A_101 = arith.constant 0 : i32
    %dma_wait3A_102 = tpu.memref_slice %arg2[%dma_wait3A_99, %arg0, %dma_wait3A_100, %dma_wait3A_101] : memref<3x2x10240x64xf32, #tpu.memory_space<hbm>> -> memref<1x1x10240x64xf32, #tpu.memory_space<hbm>>
    %dma_wait3A_103 = tpu.memref_squeeze %dma_wait3A_102 : memref<1x1x10240x64xf32, #tpu.memory_space<hbm>> -> memref<10240x64xf32, #tpu.memory_space<hbm>>
    %dma_wait3A_104 = arith.constant 0 : i32
    %dma_wait3A_105 = arith.constant 0 : i32
    %dma_wait3A_106 = tpu.memref_slice %dma_wait3A_103[%dma_wait3A_104, %dma_wait3A_105] : memref<10240x64xf32, #tpu.memory_space<hbm>> -> memref<128x64xf32, #tpu.memory_space<hbm>>
    %dma_wait3A_107 = arith.constant 0 : i32
    %dma_wait3A_108 = arith.constant 0 : i32
    %dma_wait3A_109 = tpu.memref_slice %arg2[%dma_wait3A_99, %arg0, %dma_wait3A_107, %dma_wait3A_108] : memref<3x2x10240x64xf32, #tpu.memory_space<hbm>> -> memref<1x1x10240x64xf32, #tpu.memory_space<hbm>>
    %dma_wait3A_110 = tpu.memref_squeeze %dma_wait3A_109 : memref<1x1x10240x64xf32, #tpu.memory_space<hbm>> -> memref<10240x64xf32, #tpu.memory_space<hbm>>
    %dma_wait3A_111 = arith.constant 0 : i32
    %dma_wait3A_112 = arith.constant 0 : i32
    %dma_wait3A_113 = tpu.memref_slice %dma_wait3A_110[%dma_wait3A_111, %dma_wait3A_112] : memref<10240x64xf32, #tpu.memory_space<hbm>> -> memref<128x64xf32, #tpu.memory_space<hbm>>
    tpu.wait_dma2 semaphore(%arg17 : memref<!tpu.dma_semaphore, #tpu.memory_space<semaphore_mem>>) src(%dma_wait3A_113 : memref<128x64xf32, #tpu.memory_space<hbm>>) dst(%arg12 : memref<128x64xf32, #tpu.memory_space<vmem>>)
    %barrier3A_114 = arith.constant 0 : index
    tpu.barrier barrier_id(%barrier3A_114)
    %run_scoped3A_115 = arith.constant 0 : i32
    "tpu.region"() ({
      %run_scoped3A_116 = tpu.sem_alloc : memref<!tpu.dma_semaphore, #tpu.memory_space<semaphore_mem>>
      %dma_start3A_117 = arith.constant 0 : i32
      %dma_start3A_118 = tpu.memref_slice %arg6[%run_scoped3A_115, %arg0, %mul3A_0, %dma_start3A_117] : memref<1x2x10240x64xf32, #tpu.memory_space<hbm>> -> memref<1x1x640x64xf32, #tpu.memory_space<hbm>>
      %dma_start3A_119 = tpu.memref_squeeze %dma_start3A_118 : memref<1x1x640x64xf32, #tpu.memory_space<hbm>> -> memref<640x64xf32, #tpu.memory_space<hbm>>
      %dma_start3A_120 = arith.constant 0 : i32
      %dma_start3A_121 = tpu.memref_slice %arg13[%mul3A_0, %dma_start3A_120] : memref<10240x64xf32, #tpu.memory_space<vmem_shared>> -> memref<640x64xf32, #tpu.memory_space<vmem_shared>>
      tpu.enqueue_dma source(%dma_start3A_121 : memref<640x64xf32, #tpu.memory_space<vmem_shared>>) target(%dma_start3A_119 : memref<640x64xf32, #tpu.memory_space<hbm>>) target_semaphore(%run_scoped3A_116 : memref<!tpu.dma_semaphore, #tpu.memory_space<semaphore_mem>>)
      %dma_wait3A_122 = arith.constant 0 : i32
      %dma_wait3A_123 = tpu.memref_slice %arg6[%run_scoped3A_115, %arg0, %mul3A_0, %dma_wait3A_122] : memref<1x2x10240x64xf32, #tpu.memory_space<hbm>> -> memref<1x1x640x64xf32, #tpu.memory_space<hbm>>
      %dma_wait3A_124 = tpu.memref_squeeze %dma_wait3A_123 : memref<1x1x640x64xf32, #tpu.memory_space<hbm>> -> memref<640x64xf32, #tpu.memory_space<hbm>>
      %dma_wait3A_125 = arith.constant 0 : i32
      %dma_wait3A_126 = tpu.memref_slice %arg13[%mul3A_0, %dma_wait3A_125] : memref<10240x64xf32, #tpu.memory_space<vmem_shared>> -> memref<640x64xf32, #tpu.memory_space<vmem_shared>>
      tpu.wait_dma2 semaphore(%run_scoped3A_116 : memref<!tpu.dma_semaphore, #tpu.memory_space<semaphore_mem>>) src(%dma_wait3A_126 : memref<640x64xf32, #tpu.memory_space<vmem_shared>>) dst(%dma_wait3A_124 : memref<640x64xf32, #tpu.memory_space<hbm>>)
      tpu.yield
    }) : () -> ()
    return
  }
}

module attributes {stable_mosaic.version = 14 : i64} {
  func.func @_dense1_body(%arg0: i32, %arg1: memref<1000x128xf32, #tpu.memory_space<vmem>>, %arg2: memref<3x2x1000x64xf32, #tpu.memory_space<vmem>>, %arg3: memref<6x128x128xf32, #tpu.memory_space<vmem>>, %arg4: memref<6x128x128xf32, #tpu.memory_space<vmem>>, %arg5: memref<1000x256xf32, #tpu.memory_space<vmem>>) attributes {dimension_semantics = [#tpu.dimension_semantics<arbitrary>], iteration_bounds = array<i64: 10>, scalar_prefetch = 0 : i64, scratch_operands = 0 : i64, tpu.core_type = #tpu.core_type<tc>, window_params = [{transform_indices = @transform_0, window_bounds = array<i64: 1000, 128>}, {transform_indices = @transform_1, window_bounds = array<i64: 3, 2, 1000, 64>}, {pipeline_mode = #tpu.pipeline_mode<synchronous>, transform_indices = @transform_2, window_bounds = array<i64: 6, 128, 128>}, {pipeline_mode = #tpu.pipeline_mode<synchronous>, transform_indices = @transform_3, window_bounds = array<i64: 6, 128, 128>}, {transform_indices = @transform_4, window_bounds = array<i64: 1000, 256>}]} {
    %get3A = arith.constant 0 : index
    %get3A_0 = arith.constant 0 : index
    %get3A_1 = vector.load %arg1[%get3A, %get3A_0] : memref<1000x128xf32, #tpu.memory_space<vmem>>, vector<1000x128xf32>
    %get3A_2 = arith.constant 0 : index
    %get3A_3 = arith.constant 0 : index
    %get3A_4 = arith.constant 0 : index
    %get3A_5 = vector.load %arg3[%get3A_2, %get3A_3, %get3A_4] : memref<6x128x128xf32, #tpu.memory_space<vmem>>, vector<1x128x128xf32>
    %get3A_6 = vector.shape_cast %get3A_5 : vector<1x128x128xf32> to vector<128x128xf32>
    %get3A_7 = arith.constant 1 : index
    %get3A_8 = arith.constant 0 : index
    %get3A_9 = arith.constant 0 : index
    %get3A_10 = vector.load %arg3[%get3A_7, %get3A_8, %get3A_9] : memref<6x128x128xf32, #tpu.memory_space<vmem>>, vector<1x128x128xf32>
    %get3A_11 = vector.shape_cast %get3A_10 : vector<1x128x128xf32> to vector<128x128xf32>
    %add3A = arith.addf %get3A_6, %get3A_11 : vector<128x128xf32>
    %get3A_12 = arith.constant 2 : index
    %get3A_13 = arith.constant 0 : index
    %get3A_14 = arith.constant 0 : index
    %get3A_15 = vector.load %arg3[%get3A_12, %get3A_13, %get3A_14] : memref<6x128x128xf32, #tpu.memory_space<vmem>>, vector<1x128x128xf32>
    %get3A_16 = vector.shape_cast %get3A_15 : vector<1x128x128xf32> to vector<128x128xf32>
    %add3A_17 = arith.addf %add3A, %get3A_16 : vector<128x128xf32>
    %dot_general3A = arith.constant dense<0.000000e+00> : vector<1000x128xf32>
    %dot_general3A_18 = tpu.matmul %get3A_1, %add3A_17, %dot_general3A {dimension_numbers = #tpu.dot_dimension_numbers<[1], [0], [0], [1], [0, 0, 1, 1], [], []>, transpose_lhs_hint = false} : vector<1000x128xf32>, vector<128x128xf32>, vector<1000x128xf32> -> vector<1000x128xf32>
    %get3A_19 = arith.constant 0 : index
    %get3A_20 = arith.constant 0 : index
    %get3A_21 = arith.constant 0 : index
    %get3A_22 = vector.load %arg4[%get3A_19, %get3A_20, %get3A_21] : memref<6x128x128xf32, #tpu.memory_space<vmem>>, vector<1x128x128xf32>
    %get3A_23 = vector.shape_cast %get3A_22 : vector<1x128x128xf32> to vector<128x128xf32>
    %get3A_24 = arith.constant 1 : index
    %get3A_25 = arith.constant 0 : index
    %get3A_26 = arith.constant 0 : index
    %get3A_27 = vector.load %arg4[%get3A_24, %get3A_25, %get3A_26] : memref<6x128x128xf32, #tpu.memory_space<vmem>>, vector<1x128x128xf32>
    %get3A_28 = vector.shape_cast %get3A_27 : vector<1x128x128xf32> to vector<128x128xf32>
    %add3A_29 = arith.addf %get3A_23, %get3A_28 : vector<128x128xf32>
    %get3A_30 = arith.constant 2 : index
    %get3A_31 = arith.constant 0 : index
    %get3A_32 = arith.constant 0 : index
    %get3A_33 = vector.load %arg4[%get3A_30, %get3A_31, %get3A_32] : memref<6x128x128xf32, #tpu.memory_space<vmem>>, vector<1x128x128xf32>
    %get3A_34 = vector.shape_cast %get3A_33 : vector<1x128x128xf32> to vector<128x128xf32>
    %add3A_35 = arith.addf %add3A_29, %get3A_34 : vector<128x128xf32>
    %dot_general3A_36 = arith.constant dense<0.000000e+00> : vector<1000x128xf32>
    %dot_general3A_37 = tpu.matmul %get3A_1, %add3A_35, %dot_general3A_36 {dimension_numbers = #tpu.dot_dimension_numbers<[1], [0], [0], [1], [0, 0, 1, 1], [], []>, transpose_lhs_hint = false} : vector<1000x128xf32>, vector<128x128xf32>, vector<1000x128xf32> -> vector<1000x128xf32>
    %get3A_38 = arith.constant 0 : index
    %get3A_39 = arith.constant 0 : index
    %get3A_40 = arith.constant 0 : index
    %get3A_41 = arith.constant 0 : index
    %get3A_42 = vector.load %arg2[%get3A_38, %get3A_39, %get3A_40, %get3A_41] : memref<3x2x1000x64xf32, #tpu.memory_space<vmem>>, vector<1x1x1000x64xf32>
    %get3A_43 = vector.shape_cast %get3A_42 : vector<1x1x1000x64xf32> to vector<1000x64xf32>
    %get3A_44 = arith.constant 3 : index
    %get3A_45 = arith.constant 0 : index
    %get3A_46 = arith.constant 0 : index
    %get3A_47 = vector.load %arg3[%get3A_44, %get3A_45, %get3A_46] : memref<6x128x128xf32, #tpu.memory_space<vmem>>, vector<1x64x128xf32>
    %get3A_48 = vector.shape_cast %get3A_47 : vector<1x64x128xf32> to vector<64x128xf32>
    %dot_general3A_49 = arith.constant dense<0.000000e+00> : vector<1000x128xf32>
    %dot_general3A_50 = tpu.matmul %get3A_43, %get3A_48, %dot_general3A_49 {dimension_numbers = #tpu.dot_dimension_numbers<[1], [0], [0], [1], [0, 0, 1, 1], [], []>, transpose_lhs_hint = false} : vector<1000x64xf32>, vector<64x128xf32>, vector<1000x128xf32> -> vector<1000x128xf32>
    %add3A_51 = arith.addf %dot_general3A_18, %dot_general3A_50 : vector<1000x128xf32>
    %get3A_52 = arith.constant 3 : index
    %get3A_53 = arith.constant 0 : index
    %get3A_54 = arith.constant 0 : index
    %get3A_55 = vector.load %arg4[%get3A_52, %get3A_53, %get3A_54] : memref<6x128x128xf32, #tpu.memory_space<vmem>>, vector<1x64x128xf32>
    %get3A_56 = vector.shape_cast %get3A_55 : vector<1x64x128xf32> to vector<64x128xf32>
    %dot_general3A_57 = arith.constant dense<0.000000e+00> : vector<1000x128xf32>
    %dot_general3A_58 = tpu.matmul %get3A_43, %get3A_56, %dot_general3A_57 {dimension_numbers = #tpu.dot_dimension_numbers<[1], [0], [0], [1], [0, 0, 1, 1], [], []>, transpose_lhs_hint = false} : vector<1000x64xf32>, vector<64x128xf32>, vector<1000x128xf32> -> vector<1000x128xf32>
    %add3A_59 = arith.addf %dot_general3A_37, %dot_general3A_58 : vector<1000x128xf32>
    %get3A_60 = arith.constant 0 : index
    %get3A_61 = arith.constant 1 : index
    %get3A_62 = arith.constant 0 : index
    %get3A_63 = arith.constant 0 : index
    %get3A_64 = vector.load %arg2[%get3A_60, %get3A_61, %get3A_62, %get3A_63] : memref<3x2x1000x64xf32, #tpu.memory_space<vmem>>, vector<1x1x1000x64xf32>
    %get3A_65 = vector.shape_cast %get3A_64 : vector<1x1x1000x64xf32> to vector<1000x64xf32>
    %get3A_66 = arith.constant 3 : index
    %get3A_67 = arith.constant 64 : index
    %get3A_68 = arith.constant 0 : index
    %get3A_69 = vector.load %arg3[%get3A_66, %get3A_67, %get3A_68] : memref<6x128x128xf32, #tpu.memory_space<vmem>>, vector<1x64x128xf32>
    %get3A_70 = vector.shape_cast %get3A_69 : vector<1x64x128xf32> to vector<64x128xf32>
    %dot_general3A_71 = arith.constant dense<0.000000e+00> : vector<1000x128xf32>
    %dot_general3A_72 = tpu.matmul %get3A_65, %get3A_70, %dot_general3A_71 {dimension_numbers = #tpu.dot_dimension_numbers<[1], [0], [0], [1], [0, 0, 1, 1], [], []>, transpose_lhs_hint = false} : vector<1000x64xf32>, vector<64x128xf32>, vector<1000x128xf32> -> vector<1000x128xf32>
    %add3A_73 = arith.addf %add3A_51, %dot_general3A_72 : vector<1000x128xf32>
    %get3A_74 = arith.constant 3 : index
    %get3A_75 = arith.constant 64 : index
    %get3A_76 = arith.constant 0 : index
    %get3A_77 = vector.load %arg4[%get3A_74, %get3A_75, %get3A_76] : memref<6x128x128xf32, #tpu.memory_space<vmem>>, vector<1x64x128xf32>
    %get3A_78 = vector.shape_cast %get3A_77 : vector<1x64x128xf32> to vector<64x128xf32>
    %dot_general3A_79 = arith.constant dense<0.000000e+00> : vector<1000x128xf32>
    %dot_general3A_80 = tpu.matmul %get3A_65, %get3A_78, %dot_general3A_79 {dimension_numbers = #tpu.dot_dimension_numbers<[1], [0], [0], [1], [0, 0, 1, 1], [], []>, transpose_lhs_hint = false} : vector<1000x64xf32>, vector<64x128xf32>, vector<1000x128xf32> -> vector<1000x128xf32>
    %add3A_81 = arith.addf %add3A_59, %dot_general3A_80 : vector<1000x128xf32>
    %get3A_82 = arith.constant 1 : index
    %get3A_83 = arith.constant 0 : index
    %get3A_84 = arith.constant 0 : index
    %get3A_85 = arith.constant 0 : index
    %get3A_86 = vector.load %arg2[%get3A_82, %get3A_83, %get3A_84, %get3A_85] : memref<3x2x1000x64xf32, #tpu.memory_space<vmem>>, vector<1x1x1000x64xf32>
    %get3A_87 = vector.shape_cast %get3A_86 : vector<1x1x1000x64xf32> to vector<1000x64xf32>
    %get3A_88 = arith.constant 4 : index
    %get3A_89 = arith.constant 0 : index
    %get3A_90 = arith.constant 0 : index
    %get3A_91 = vector.load %arg3[%get3A_88, %get3A_89, %get3A_90] : memref<6x128x128xf32, #tpu.memory_space<vmem>>, vector<1x64x128xf32>
    %get3A_92 = vector.shape_cast %get3A_91 : vector<1x64x128xf32> to vector<64x128xf32>
    %dot_general3A_93 = arith.constant dense<0.000000e+00> : vector<1000x128xf32>
    %dot_general3A_94 = tpu.matmul %get3A_87, %get3A_92, %dot_general3A_93 {dimension_numbers = #tpu.dot_dimension_numbers<[1], [0], [0], [1], [0, 0, 1, 1], [], []>, transpose_lhs_hint = false} : vector<1000x64xf32>, vector<64x128xf32>, vector<1000x128xf32> -> vector<1000x128xf32>
    %add3A_95 = arith.addf %add3A_73, %dot_general3A_94 : vector<1000x128xf32>
    %get3A_96 = arith.constant 4 : index
    %get3A_97 = arith.constant 0 : index
    %get3A_98 = arith.constant 0 : index
    %get3A_99 = vector.load %arg4[%get3A_96, %get3A_97, %get3A_98] : memref<6x128x128xf32, #tpu.memory_space<vmem>>, vector<1x64x128xf32>
    %get3A_100 = vector.shape_cast %get3A_99 : vector<1x64x128xf32> to vector<64x128xf32>
    %dot_general3A_101 = arith.constant dense<0.000000e+00> : vector<1000x128xf32>
    %dot_general3A_102 = tpu.matmul %get3A_87, %get3A_100, %dot_general3A_101 {dimension_numbers = #tpu.dot_dimension_numbers<[1], [0], [0], [1], [0, 0, 1, 1], [], []>, transpose_lhs_hint = false} : vector<1000x64xf32>, vector<64x128xf32>, vector<1000x128xf32> -> vector<1000x128xf32>
    %add3A_103 = arith.addf %add3A_81, %dot_general3A_102 : vector<1000x128xf32>
    %get3A_104 = arith.constant 1 : index
    %get3A_105 = arith.constant 1 : index
    %get3A_106 = arith.constant 0 : index
    %get3A_107 = arith.constant 0 : index
    %get3A_108 = vector.load %arg2[%get3A_104, %get3A_105, %get3A_106, %get3A_107] : memref<3x2x1000x64xf32, #tpu.memory_space<vmem>>, vector<1x1x1000x64xf32>
    %get3A_109 = vector.shape_cast %get3A_108 : vector<1x1x1000x64xf32> to vector<1000x64xf32>
    %get3A_110 = arith.constant 4 : index
    %get3A_111 = arith.constant 64 : index
    %get3A_112 = arith.constant 0 : index
    %get3A_113 = vector.load %arg3[%get3A_110, %get3A_111, %get3A_112] : memref<6x128x128xf32, #tpu.memory_space<vmem>>, vector<1x64x128xf32>
    %get3A_114 = vector.shape_cast %get3A_113 : vector<1x64x128xf32> to vector<64x128xf32>
    %dot_general3A_115 = arith.constant dense<0.000000e+00> : vector<1000x128xf32>
    %dot_general3A_116 = tpu.matmul %get3A_109, %get3A_114, %dot_general3A_115 {dimension_numbers = #tpu.dot_dimension_numbers<[1], [0], [0], [1], [0, 0, 1, 1], [], []>, transpose_lhs_hint = false} : vector<1000x64xf32>, vector<64x128xf32>, vector<1000x128xf32> -> vector<1000x128xf32>
    %add3A_117 = arith.addf %add3A_95, %dot_general3A_116 : vector<1000x128xf32>
    %get3A_118 = arith.constant 4 : index
    %get3A_119 = arith.constant 64 : index
    %get3A_120 = arith.constant 0 : index
    %get3A_121 = vector.load %arg4[%get3A_118, %get3A_119, %get3A_120] : memref<6x128x128xf32, #tpu.memory_space<vmem>>, vector<1x64x128xf32>
    %get3A_122 = vector.shape_cast %get3A_121 : vector<1x64x128xf32> to vector<64x128xf32>
    %dot_general3A_123 = arith.constant dense<0.000000e+00> : vector<1000x128xf32>
    %dot_general3A_124 = tpu.matmul %get3A_109, %get3A_122, %dot_general3A_123 {dimension_numbers = #tpu.dot_dimension_numbers<[1], [0], [0], [1], [0, 0, 1, 1], [], []>, transpose_lhs_hint = false} : vector<1000x64xf32>, vector<64x128xf32>, vector<1000x128xf32> -> vector<1000x128xf32>
    %add3A_125 = arith.addf %add3A_103, %dot_general3A_124 : vector<1000x128xf32>
    %swap3A = arith.constant 0 : index
    %swap3A_126 = arith.constant 0 : index
    %swap3A_127 = vector.load %arg5[%swap3A, %swap3A_126] : memref<1000x256xf32, #tpu.memory_space<vmem>>, vector<1000x128xf32>
    tpu.vector_store %arg5[%swap3A, %swap3A_126], %add3A_117 {strides = array<i32>} : memref<1000x256xf32, #tpu.memory_space<vmem>>, vector<1000x128xf32>,
    %swap3A_128 = arith.constant 0 : index
    %swap3A_129 = arith.constant 128 : index
    %swap3A_130 = vector.load %arg5[%swap3A_128, %swap3A_129] : memref<1000x256xf32, #tpu.memory_space<vmem>>, vector<1000x128xf32>
    tpu.vector_store %arg5[%swap3A_128, %swap3A_129], %add3A_125 {strides = array<i32>} : memref<1000x256xf32, #tpu.memory_space<vmem>>, vector<1000x128xf32>,
    return
  }
  func.func @transform_0(%arg0: i32) -> (i32, i32) {
    %c0_i32 = arith.constant 0 : i32
    %c0_i32_0 = arith.constant 0 : i32
    return %arg0, %c0_i32 : i32, i32
  }
  func.func @transform_1(%arg0: i32) -> (i32, i32, i32, i32) {
    %c0_i32 = arith.constant 0 : i32
    %c0_i32_0 = arith.constant 0 : i32
    %c0_i32_1 = arith.constant 0 : i32
    %c0_i32_2 = arith.constant 0 : i32
    return %c0_i32, %c0_i32_0, %arg0, %c0_i32_1 : i32, i32, i32, i32
  }
  func.func @transform_2(%arg0: i32) -> (i32, i32, i32) {
    %c0_i32 = arith.constant 0 : i32
    %c0_i32_0 = arith.constant 0 : i32
    %c0_i32_1 = arith.constant 0 : i32
    %c0_i32_2 = arith.constant 0 : i32
    return %c0_i32, %c0_i32_0, %c0_i32_1 : i32, i32, i32
  }
  func.func @transform_3(%arg0: i32) -> (i32, i32, i32) {
    %c0_i32 = arith.constant 0 : i32
    %c0_i32_0 = arith.constant 0 : i32
    %c0_i32_1 = arith.constant 0 : i32
    %c0_i32_2 = arith.constant 0 : i32
    return %c0_i32, %c0_i32_0, %c0_i32_1 : i32, i32, i32
  }
  func.func @transform_4(%arg0: i32) -> (i32, i32) {
    %c0_i32 = arith.constant 0 : i32
    %c0_i32_0 = arith.constant 0 : i32
    return %arg0, %c0_i32 : i32, i32
  }
}

module attributes {stable_mosaic.version = 14 : i64} {
  func.func @_dense2_body(%arg0: i32, %arg1: memref<1000x256xf32, #tpu.memory_space<vmem>>, %arg2: memref<1x2x1000x64xf32, #tpu.memory_space<vmem>>, %arg3: memref<6x128x128xf32, #tpu.memory_space<vmem>>, %arg4: memref<6x128x128xf32, #tpu.memory_space<vmem>>, %arg5: memref<1x128xf32, #tpu.memory_space<vmem>>, %arg6: memref<1x128xf32, #tpu.memory_space<vmem>>, %arg7: memref<1x128xf32, #tpu.memory_space<vmem>>, %arg8: memref<1x128xf32, #tpu.memory_space<vmem>>, %arg9: memref<1x128xf32, #tpu.memory_space<vmem>>, %arg10: memref<1x128xf32, #tpu.memory_space<vmem>>, %arg11: memref<1x128xf32, #tpu.memory_space<vmem>>, %arg12: memref<1x128xf32, #tpu.memory_space<vmem>>, %arg13: memref<1000x256xf32, #tpu.memory_space<vmem>>) attributes {dimension_semantics = [#tpu.dimension_semantics<arbitrary>], iteration_bounds = array<i64: 10>, scalar_prefetch = 0 : i64, scratch_operands = 0 : i64, tpu.core_type = #tpu.core_type<tc>, window_params = [{transform_indices = @transform_0, window_bounds = array<i64: 1000, 256>}, {transform_indices = @transform_1, window_bounds = array<i64: 1, 2, 1000, 64>}, {pipeline_mode = #tpu.pipeline_mode<synchronous>, transform_indices = @transform_2, window_bounds = array<i64: 6, 128, 128>}, {pipeline_mode = #tpu.pipeline_mode<synchronous>, transform_indices = @transform_3, window_bounds = array<i64: 6, 128, 128>}, {pipeline_mode = #tpu.pipeline_mode<synchronous>, transform_indices = @transform_4, window_bounds = array<i64: 1, 128>}, {pipeline_mode = #tpu.pipeline_mode<synchronous>, transform_indices = @transform_5, window_bounds = array<i64: 1, 128>}, {pipeline_mode = #tpu.pipeline_mode<synchronous>, transform_indices = @transform_6, window_bounds = array<i64: 1, 128>}, {pipeline_mode = #tpu.pipeline_mode<synchronous>, transform_indices = @transform_7, window_bounds = array<i64: 1, 128>}, {pipeline_mode = #tpu.pipeline_mode<synchronous>, transform_indices = @transform_8, window_bounds = array<i64: 1, 128>}, {pipeline_mode = #tpu.pipeline_mode<synchronous>, transform_indices = @transform_9, window_bounds = array<i64: 1, 128>}, {pipeline_mode = #tpu.pipeline_mode<synchronous>, transform_indices = @transform_10, window_bounds = array<i64: 1, 128>}, {pipeline_mode = #tpu.pipeline_mode<synchronous>, transform_indices = @transform_11, window_bounds = array<i64: 1, 128>}, {transform_indices = @transform_12, window_bounds = array<i64: 1000, 256>}]} {
    %get3A = arith.constant 0 : index
    %get3A_0 = arith.constant 0 : index
    %get3A_1 = vector.load %arg1[%get3A, %get3A_0] : memref<1000x256xf32, #tpu.memory_space<vmem>>, vector<1000x128xf32>
    %get3A_2 = arith.constant 0 : index
    %get3A_3 = arith.constant 128 : index
    %get3A_4 = vector.load %arg1[%get3A_2, %get3A_3] : memref<1000x256xf32, #tpu.memory_space<vmem>>, vector<1000x128xf32>
    %get3A_5 = arith.constant 0 : index
    %get3A_6 = arith.constant 0 : index
    %get3A_7 = arith.constant 0 : index
    %get3A_8 = arith.constant 0 : index
    %get3A_9 = vector.load %arg2[%get3A_5, %get3A_6, %get3A_7, %get3A_8] : memref<1x2x1000x64xf32, #tpu.memory_space<vmem>>, vector<1x1x1000x64xf32>
    %get3A_10 = vector.shape_cast %get3A_9 : vector<1x1x1000x64xf32> to vector<1000x64xf32>
    %get3A_11 = arith.constant 5 : index
    %get3A_12 = arith.constant 0 : index
    %get3A_13 = arith.constant 0 : index
    %get3A_14 = vector.load %arg3[%get3A_11, %get3A_12, %get3A_13] : memref<6x128x128xf32, #tpu.memory_space<vmem>>, vector<1x64x128xf32>
    %get3A_15 = vector.shape_cast %get3A_14 : vector<1x64x128xf32> to vector<64x128xf32>
    %dot_general3A = arith.constant dense<0.000000e+00> : vector<1000x128xf32>
    %dot_general3A_16 = tpu.matmul %get3A_10, %get3A_15, %dot_general3A {dimension_numbers = #tpu.dot_dimension_numbers<[1], [0], [0], [1], [0, 0, 1, 1], [], []>, transpose_lhs_hint = false} : vector<1000x64xf32>, vector<64x128xf32>, vector<1000x128xf32> -> vector<1000x128xf32>
    %add3A = arith.addf %get3A_1, %dot_general3A_16 : vector<1000x128xf32>
    %get3A_17 = arith.constant 5 : index
    %get3A_18 = arith.constant 0 : index
    %get3A_19 = arith.constant 0 : index
    %get3A_20 = vector.load %arg4[%get3A_17, %get3A_18, %get3A_19] : memref<6x128x128xf32, #tpu.memory_space<vmem>>, vector<1x64x128xf32>
    %get3A_21 = vector.shape_cast %get3A_20 : vector<1x64x128xf32> to vector<64x128xf32>
    %dot_general3A_22 = arith.constant dense<0.000000e+00> : vector<1000x128xf32>
    %dot_general3A_23 = tpu.matmul %get3A_10, %get3A_21, %dot_general3A_22 {dimension_numbers = #tpu.dot_dimension_numbers<[1], [0], [0], [1], [0, 0, 1, 1], [], []>, transpose_lhs_hint = false} : vector<1000x64xf32>, vector<64x128xf32>, vector<1000x128xf32> -> vector<1000x128xf32>
    %add3A_24 = arith.addf %get3A_4, %dot_general3A_23 : vector<1000x128xf32>
    %get3A_25 = arith.constant 0 : index
    %get3A_26 = arith.constant 1 : index
    %get3A_27 = arith.constant 0 : index
    %get3A_28 = arith.constant 0 : index
    %get3A_29 = vector.load %arg2[%get3A_25, %get3A_26, %get3A_27, %get3A_28] : memref<1x2x1000x64xf32, #tpu.memory_space<vmem>>, vector<1x1x1000x64xf32>
    %get3A_30 = vector.shape_cast %get3A_29 : vector<1x1x1000x64xf32> to vector<1000x64xf32>
    %get3A_31 = arith.constant 5 : index
    %get3A_32 = arith.constant 64 : index
    %get3A_33 = arith.constant 0 : index
    %get3A_34 = vector.load %arg3[%get3A_31, %get3A_32, %get3A_33] : memref<6x128x128xf32, #tpu.memory_space<vmem>>, vector<1x64x128xf32>
    %get3A_35 = vector.shape_cast %get3A_34 : vector<1x64x128xf32> to vector<64x128xf32>
    %dot_general3A_36 = arith.constant dense<0.000000e+00> : vector<1000x128xf32>
    %dot_general3A_37 = tpu.matmul %get3A_30, %get3A_35, %dot_general3A_36 {dimension_numbers = #tpu.dot_dimension_numbers<[1], [0], [0], [1], [0, 0, 1, 1], [], []>, transpose_lhs_hint = false} : vector<1000x64xf32>, vector<64x128xf32>, vector<1000x128xf32> -> vector<1000x128xf32>
    %add3A_38 = arith.addf %add3A, %dot_general3A_37 : vector<1000x128xf32>
    %get3A_39 = arith.constant 5 : index
    %get3A_40 = arith.constant 64 : index
    %get3A_41 = arith.constant 0 : index
    %get3A_42 = vector.load %arg4[%get3A_39, %get3A_40, %get3A_41] : memref<6x128x128xf32, #tpu.memory_space<vmem>>, vector<1x64x128xf32>
    %get3A_43 = vector.shape_cast %get3A_42 : vector<1x64x128xf32> to vector<64x128xf32>
    %dot_general3A_44 = arith.constant dense<0.000000e+00> : vector<1000x128xf32>
    %dot_general3A_45 = tpu.matmul %get3A_30, %get3A_43, %dot_general3A_44 {dimension_numbers = #tpu.dot_dimension_numbers<[1], [0], [0], [1], [0, 0, 1, 1], [], []>, transpose_lhs_hint = false} : vector<1000x64xf32>, vector<64x128xf32>, vector<1000x128xf32> -> vector<1000x128xf32>
    %add3A_46 = arith.addf %add3A_24, %dot_general3A_45 : vector<1000x128xf32>
    %max3A = arith.constant 0.000000e+00 : f32
    %max3A_47 = vector.broadcast %max3A : f32 to vector<1000x128xf32>
    %max3A_48 = arith.maximumf %add3A_38, %max3A_47 : vector<1000x128xf32>
    %get3A_49 = arith.constant 0 : index
    %get3A_50 = arith.constant 0 : index
    %get3A_51 = vector.load %arg7[%get3A_49, %get3A_50] : memref<1x128xf32, #tpu.memory_space<vmem>>, vector<1x128xf32>
    %sub3A = vector.broadcast %get3A_51 : vector<1x128xf32> to vector<1000x128xf32>
    %sub3A_52 = arith.subf %max3A_48, %sub3A : vector<1000x128xf32>
    %get3A_53 = arith.constant 0 : index
    %get3A_54 = arith.constant 0 : index
    %get3A_55 = vector.load %arg8[%get3A_53, %get3A_54] : memref<1x128xf32, #tpu.memory_space<vmem>>, vector<1x128xf32>
    %add3A_56 = arith.constant 1.000000e-03 : f32
    %add3A_57 = vector.broadcast %add3A_56 : f32 to vector<1x128xf32>
    %add3A_58 = arith.addf %get3A_55, %add3A_57 : vector<1x128xf32>
    %sqrt3A = math.sqrt %add3A_58 : vector<1x128xf32>
    %div3A = vector.broadcast %sqrt3A : vector<1x128xf32> to vector<1000x128xf32>
    %div3A_59 = arith.divf %sub3A_52, %div3A : vector<1000x128xf32>
    %get3A_60 = arith.constant 0 : index
    %get3A_61 = arith.constant 0 : index
    %get3A_62 = vector.load %arg5[%get3A_60, %get3A_61] : memref<1x128xf32, #tpu.memory_space<vmem>>, vector<1x128xf32>
    %mul3A = vector.broadcast %get3A_62 : vector<1x128xf32> to vector<1000x128xf32>
    %mul3A_63 = arith.mulf %div3A_59, %mul3A : vector<1000x128xf32>
    %get3A_64 = arith.constant 0 : index
    %get3A_65 = arith.constant 0 : index
    %get3A_66 = vector.load %arg6[%get3A_64, %get3A_65] : memref<1x128xf32, #tpu.memory_space<vmem>>, vector<1x128xf32>
    %add3A_67 = vector.broadcast %get3A_66 : vector<1x128xf32> to vector<1000x128xf32>
    %add3A_68 = arith.addf %mul3A_63, %add3A_67 : vector<1000x128xf32>
    %get3A_69 = arith.constant 0 : index
    %get3A_70 = arith.constant 0 : index
    %get3A_71 = vector.load %arg11[%get3A_69, %get3A_70] : memref<1x128xf32, #tpu.memory_space<vmem>>, vector<1x128xf32>
    %sub3A_72 = vector.broadcast %get3A_71 : vector<1x128xf32> to vector<1000x128xf32>
    %sub3A_73 = arith.subf %add3A_46, %sub3A_72 : vector<1000x128xf32>
    %get3A_74 = arith.constant 0 : index
    %get3A_75 = arith.constant 0 : index
    %get3A_76 = vector.load %arg12[%get3A_74, %get3A_75] : memref<1x128xf32, #tpu.memory_space<vmem>>, vector<1x128xf32>
    %add3A_77 = arith.constant 1.000000e-03 : f32
    %add3A_78 = vector.broadcast %add3A_77 : f32 to vector<1x128xf32>
    %add3A_79 = arith.addf %get3A_76, %add3A_78 : vector<1x128xf32>
    %sqrt3A_80 = math.sqrt %add3A_79 : vector<1x128xf32>
    %div3A_81 = vector.broadcast %sqrt3A_80 : vector<1x128xf32> to vector<1000x128xf32>
    %div3A_82 = arith.divf %sub3A_73, %div3A_81 : vector<1000x128xf32>
    %get3A_83 = arith.constant 0 : index
    %get3A_84 = arith.constant 0 : index
    %get3A_85 = vector.load %arg9[%get3A_83, %get3A_84] : memref<1x128xf32, #tpu.memory_space<vmem>>, vector<1x128xf32>
    %mul3A_86 = vector.broadcast %get3A_85 : vector<1x128xf32> to vector<1000x128xf32>
    %mul3A_87 = arith.mulf %div3A_82, %mul3A_86 : vector<1000x128xf32>
    %get3A_88 = arith.constant 0 : index
    %get3A_89 = arith.constant 0 : index
    %get3A_90 = vector.load %arg10[%get3A_88, %get3A_89] : memref<1x128xf32, #tpu.memory_space<vmem>>, vector<1x128xf32>
    %add3A_91 = vector.broadcast %get3A_90 : vector<1x128xf32> to vector<1000x128xf32>
    %add3A_92 = arith.addf %mul3A_87, %add3A_91 : vector<1000x128xf32>
    %swap3A = arith.constant 0 : index
    %swap3A_93 = arith.constant 0 : index
    %swap3A_94 = vector.load %arg13[%swap3A, %swap3A_93] : memref<1000x256xf32, #tpu.memory_space<vmem>>, vector<1000x128xf32>
    tpu.vector_store %arg13[%swap3A, %swap3A_93], %add3A_68 {strides = array<i32>} : memref<1000x256xf32, #tpu.memory_space<vmem>>, vector<1000x128xf32>,
    %swap3A_95 = arith.constant 0 : index
    %swap3A_96 = arith.constant 128 : index
    %swap3A_97 = vector.load %arg13[%swap3A_95, %swap3A_96] : memref<1000x256xf32, #tpu.memory_space<vmem>>, vector<1000x128xf32>
    tpu.vector_store %arg13[%swap3A_95, %swap3A_96], %add3A_92 {strides = array<i32>} : memref<1000x256xf32, #tpu.memory_space<vmem>>, vector<1000x128xf32>,
    return
  }
  func.func @transform_0(%arg0: i32) -> (i32, i32) {
    %c0_i32 = arith.constant 0 : i32
    %c0_i32_0 = arith.constant 0 : i32
    return %arg0, %c0_i32 : i32, i32
  }
  func.func @transform_1(%arg0: i32) -> (i32, i32, i32, i32) {
    %c0_i32 = arith.constant 0 : i32
    %c0_i32_0 = arith.constant 0 : i32
    %c0_i32_1 = arith.constant 0 : i32
    %c0_i32_2 = arith.constant 0 : i32
    return %c0_i32, %c0_i32_0, %arg0, %c0_i32_1 : i32, i32, i32, i32
  }
  func.func @transform_2(%arg0: i32) -> (i32, i32, i32) {
    %c0_i32 = arith.constant 0 : i32
    %c0_i32_0 = arith.constant 0 : i32
    %c0_i32_1 = arith.constant 0 : i32
    %c0_i32_2 = arith.constant 0 : i32
    return %c0_i32, %c0_i32_0, %c0_i32_1 : i32, i32, i32
  }
  func.func @transform_3(%arg0: i32) -> (i32, i32, i32) {
    %c0_i32 = arith.constant 0 : i32
    %c0_i32_0 = arith.constant 0 : i32
    %c0_i32_1 = arith.constant 0 : i32
    %c0_i32_2 = arith.constant 0 : i32
    return %c0_i32, %c0_i32_0, %c0_i32_1 : i32, i32, i32
  }
  func.func @transform_4(%arg0: i32) -> (i32, i32) {
    %c0_i32 = arith.constant 0 : i32
    %c0_i32_0 = arith.constant 0 : i32
    %c0_i32_1 = arith.constant 0 : i32
    return %c0_i32, %c0_i32_0 : i32, i32
  }
  func.func @transform_5(%arg0: i32) -> (i32, i32) {
    %c0_i32 = arith.constant 0 : i32
    %c0_i32_0 = arith.constant 0 : i32
    %c0_i32_1 = arith.constant 0 : i32
    return %c0_i32, %c0_i32_0 : i32, i32
  }
  func.func @transform_6(%arg0: i32) -> (i32, i32) {
    %c0_i32 = arith.constant 0 : i32
    %c0_i32_0 = arith.constant 0 : i32
    %c0_i32_1 = arith.constant 0 : i32
    return %c0_i32, %c0_i32_0 : i32, i32
  }
  func.func @transform_7(%arg0: i32) -> (i32, i32) {
    %c0_i32 = arith.constant 0 : i32
    %c0_i32_0 = arith.constant 0 : i32
    %c0_i32_1 = arith.constant 0 : i32
    return %c0_i32, %c0_i32_0 : i32, i32
  }
  func.func @transform_8(%arg0: i32) -> (i32, i32) {
    %c0_i32 = arith.constant 0 : i32
    %c0_i32_0 = arith.constant 0 : i32
    %c0_i32_1 = arith.constant 0 : i32
    return %c0_i32, %c0_i32_0 : i32, i32
  }
  func.func @transform_9(%arg0: i32) -> (i32, i32) {
    %c0_i32 = arith.constant 0 : i32
    %c0_i32_0 = arith.constant 0 : i32
    %c0_i32_1 = arith.constant 0 : i32
    return %c0_i32, %c0_i32_0 : i32, i32
  }
  func.func @transform_10(%arg0: i32) -> (i32, i32) {
    %c0_i32 = arith.constant 0 : i32
    %c0_i32_0 = arith.constant 0 : i32
    %c0_i32_1 = arith.constant 0 : i32
    return %c0_i32, %c0_i32_0 : i32, i32
  }
  func.func @transform_11(%arg0: i32) -> (i32, i32) {
    %c0_i32 = arith.constant 0 : i32
    %c0_i32_0 = arith.constant 0 : i32
    %c0_i32_1 = arith.constant 0 : i32
    return %c0_i32, %c0_i32_0 : i32, i32
  }
  func.func @transform_12(%arg0: i32) -> (i32, i32) {
    %c0_i32 = arith.constant 0 : i32
    %c0_i32_0 = arith.constant 0 : i32
    return %arg0, %c0_i32 : i32, i32
  }
}

</mosaic_0001>

<sc_bundles>
// kernel: kernel.6.cloned.1.call-start
scs
__scs_entry_jumppad:
0x0: {  	(pc) =	sbr.rel $0x88, $3  }
0x1: {  	(tag) =	ssettag $0x0;
	lr =	simm.s32 $0x1  }
0x2: {  	[smem:$0x3F95] =	sst lr;
	_ =	strace $0xD0000000  }
0x3: {  	_ = 	snop  }
0x4: {  	_ = 	snop  }
0x5: {  	_ = 	snop  }
0x6: {  	_ = 	snop  }
0x7: {  	_ = 	snop  }
__scs_overlays_trampoline_lowered:
0x8: {  	[smem:$0x3FA4] =	sst s0  }
0x9: {  	[smem:$0x3FA5] =	sst s1  }
0xa: {  	[smem:$0x3FA6] =	sst s2  }
0xb: {  	[smem:$0x3FA7] =	sst s3  }
0xc: {  	[smem:$0x3FA8] =	sst s4  }
0xd: {  	[smem:$0x3FA9] =	sst s5  }
0xe: {  	[smem:$0x3FAA] =	sst s6  }
0xf: {  	[smem:$0x3FAB] =	sst s7  }
0x10: {  	[smem:$0x3FAC] =	sst s8  }
0x11: {  	[smem:$0x3FAD] =	sst s9;
	s0 =	simm.s32 @!p0 $0x0  }
0x12: {  	s1 =	sld [smem:$0x3F93];
	s0 =	simm.s32 @p0 $0x1  }
0x13: {  	[smem:$0x3FAE] =	sst s0;
	s0 =	simm.s32 @!p1 $0x0  }
0x14: {  	s2 =	sld [smem:$0x3F92];
	s0 =	simm.s32 @p1 $0x1  }
0x15: {  	[smem:$0x3FAF] =	sst s0;
	s0 =	simm.s32 @!p2 $0x0  }
0x16: {  	s3 =	sld [smem:$0x3FDB];
	s0 =	simm.s32 @p2 $0x1  }
0x17: {  	s4 =	simm.s32 $0x1BF5;
	[smem:$0x3FB1] =	sst s0  }
0x18: {  	s0 =	sld [smem:$0x3F94];
	_ =	swait.ge [sflag:s4], $0x0  }
0x19: {  	s7 =	sld [smem:$0x3F95]  }
0x1a: {  	s8 =	sadd.s32 $0xFFFFE003, lr  }
0x1b: {  	s9 =	sadd.s32 $0xFFFFFEF7, lr;
	s5 =	simm.s32 $0xFFFFFFFF;
	p2 =	slt.u32 s8, $0xFFFFF086  }
0x1c: {  	p1 =	slt.u32 s9, $0xF7A;
	s5 =	simm.s32 @!p2 $0x0  }
0x1d: {  	s5 =	simm.s32 @p1 $0x1;
	p0 =	seq.s32 s7, s2  }
0x1e: {  	s7 =	smul.u32 @!p0 $0xF7A, s2;
	p2 =	seq.s32 @!p0 s5, $0x0  }
0x1f: {  	s9 =	smul.u32 $0xF7A, s1;
	s8 =	simm.s32 @!p0 $0x1BF5;
	p2 =	por !p2, p0  }
0x20: {  	[sflag:s8] =	ssyncset.s32 @!p0 $0xFFFFF086;
	s6 =	sadd.s32 @!p0 s3, s7;
	s7 =	simm.s32 @!p0 $0x108  }
0x21: {  	s3 =	sadd.s32 s3, s9;
	s6 =	sadd.s32 @!p0 $0x88, s6;
	s7 =	simm.s32 @p2 $0x1082  }
0x22: {  	[simem:s7], [sflag:s8] =	dma.local @!p0 [hbm:s6], $0xF7A  }
0x23: {  	s9 =	sor.u32 $0xD0000000, s2;
	s6 =	simm.s32 $0x108;
	_ =	swait.ge @!p0 [sflag:s8], $0x0  }
0x24: {  	s3 =	sadd.s32 $0x88, s3;
	s6 =	simm.s32 @!p1 $0x1082;
	[sflag:s4] =	ssyncset.s32 $0xFFFFF086  }
0x25: {  	[simem:s6], [sflag:s4] =	dma.local [hbm:s3], $0xF7A  }
0x26: {  	[smem:$0x3F95] =	sst s1;
	(tag) =	ssettag s2;
	_ =	strace s9  }
0x27: {  	s1 =	sld [smem:$0x3FA5]  }
0x28: {  	s2 =	sld [smem:$0x3FA6]  }
0x29: {  	s4 =	sld [smem:$0x3FA8]  }
0x2a: {  	p0 =	seq.s32 s5, $0x0;
	s5 =	sld [smem:$0x3FA9]  }
0x2b: {  	s6 =	sld [smem:$0x3FAA]  }
0x2c: {  	s7 =	sld [smem:$0x3FAB]  }
0x2d: {  	s3 =	simm.s32 $0x108;
	s8 =	sld [smem:$0x3FAC]  }
0x2e: {  	s3 =	simm.s32 @!p0 $0x1082;
	s9 =	sld [smem:$0x3FAD]  }
0x2f: {  	lr =	sadd.s32 s0, s3;
	s0 =	sld [smem:$0x3FA4]  }
0x30: {  	s3 =	sld [smem:$0x3FA7]  }
0x31: {  	[smem:$0x3FB0] =	sst s10  }
0x32: {  	s10 =	sld [smem:$0x3FAE];
	_ =	sdelay $0x3  }
0x33: {  	p0 =	seq.s32 s10, $0x1;
	s10 =	sld [smem:$0x3FB0];
	_ =	sdelay $0x3  }
0x34: {  	[smem:$0x3FB0] =	sst s10  }
0x35: {  	s10 =	sld [smem:$0x3FAF];
	_ =	sdelay $0x3  }
0x36: {  	p1 =	seq.s32 s10, $0x1;
	s10 =	sld [smem:$0x3FB0];
	_ =	sdelay $0x3  }
0x37: {  	[smem:$0x3FB0] =	sst s10  }
0x38: {  	s10 =	sld [smem:$0x3FB1]  }
0x39: {  	_ = 	snop;
	(pc) =	sbr.ind lr, $3  }
0x3a: {  	_ = 	snop  }
0x3b: {  	_ = 	snop  }
0x3c: {  	p2 =	seq.s32 s10, $0x1;
	s10 =	sld [smem:$0x3FB0]  }
0x3d: {  	_ =	shalt  }
0x3e: {  	_ =	shalt  }
0x3f: {  	_ =	shalt  }
0x40: {  	_ =	shalt  }
0x41: {  	_ =	shalt  }
0x42: {  	_ =	shalt  }
0x43: {  	_ =	shalt  }
0x44: {  	_ =	shalt  }
0x45: {  	_ =	shalt  }
0x46: {  	_ =	shalt  }
0x47: {  	_ =	shalt  }
0x48: {  	_ =	shalt  }
0x49: {  	_ =	shalt  }
0x4a: {  	_ =	shalt  }
0x4b: {  	_ =	shalt  }
0x4c: {  	_ =	shalt  }
0x4d: {  	_ =	shalt  }
0x4e: {  	_ =	shalt  }
0x4f: {  	_ =	shalt  }
0x50: {  	_ =	shalt  }
0x51: {  	_ =	shalt  }
0x52: {  	_ =	shalt  }
0x53: {  	_ =	shalt  }
0x54: {  	_ =	shalt  }
0x55: {  	_ =	shalt  }
0x56: {  	_ =	shalt  }
0x57: {  	_ =	shalt  }
0x58: {  	_ =	shalt  }
0x59: {  	_ =	shalt  }
0x5a: {  	_ =	shalt  }
0x5b: {  	_ =	shalt  }
0x5c: {  	_ =	shalt  }
0x5d: {  	_ =	shalt  }
0x5e: {  	_ =	shalt  }
0x5f: {  	_ =	shalt  }
0x60: {  	_ =	shalt  }
0x61: {  	_ =	shalt  }
0x62: {  	_ =	shalt  }
0x63: {  	_ =	shalt  }
0x64: {  	_ =	shalt  }
0x65: {  	_ =	shalt  }
0x66: {  	_ =	shalt  }
0x67: {  	_ =	shalt  }
0x68: {  	_ =	shalt  }
0x69: {  	_ =	shalt  }
0x6a: {  	_ =	shalt  }
0x6b: {  	_ =	shalt  }
0x6c: {  	_ =	shalt  }
0x6d: {  	_ =	shalt  }
0x6e: {  	_ =	shalt  }
0x6f: {  	_ =	shalt  }
0x70: {  	_ =	shalt  }
0x71: {  	_ =	shalt  }
0x72: {  	_ =	shalt  }
0x73: {  	_ =	shalt  }
0x74: {  	_ =	shalt  }
0x75: {  	_ =	shalt  }
0x76: {  	_ =	shalt  }
0x77: {  	_ =	shalt  }
0x78: {  	_ =	shalt  }
0x79: {  	_ =	shalt  }
0x7a: {  	_ =	shalt  }
0x7b: {  	_ =	shalt  }
0x7c: {  	_ =	shalt  }
0x7d: {  	_ =	shalt  }
0x7e: {  	_ =	shalt  }
0x7f: {  	_ =	shalt  }
0x80: {  	_ =	shalt  }
0x81: {  	_ =	shalt  }
0x82: {  	_ =	shalt  }
0x83: {  	_ =	shalt  }
0x84: {  	_ =	shalt  }
0x85: {  	_ =	shalt  }
0x86: {  	_ =	shalt  }
0x87: {  	_ =	shalt  }
.Lfunc_end0:
.L_simem_size_0:
called_computation_lowered:
.L_overlay_start_0:
0x88: {  	s2 =	sld [smem:$0x3FD9]  }
0x89: {  	s3 =	sld [smem:$0x3FFE];
	_ =	sdelay $0x1  }
0x8a: {  	s1 =	srdreg.scid  }
0x8b: {  	s0 =	sand.u32 $0x1, s1  }
0x8c: {  	s17 =	sshll.u32 s0, $0xA;
	s2 =	sadd.s32 s3, s2  }
0x8d: {  	s2 =	sadd.s32 s2, s17  }
0x8e: {  	[smem:$0x3FBC] =	sst s2  }
0x8f: {  	_ = 	snop  }
0x90: {  	s2 =	sld [smem:$0x3FD0];
	(tm) =	ssettm $0x1  }
0x91: {  	s18 =	sld [smem:$0x3FFB];
	_ =	sdelay $0x3  }
0x92: {  	_ =	strace s18  }
0x93: {  	s3 =	sld [smem:$0x3FFC];
	_ =	sdelay $0x3  }
0x94: {  	_ =	strace s3  }
0x95: {  	s3 =	sld [smem:$0x3FFD];
	_ =	sdelay $0x3  }
0x96: {  	_ =	strace s3  }
0x97: {  	_ =	strace $0x8FFFFFFF  }
0x98: {  	s19 =	sld [smem:$0x3FDB];
	_ =	sdelay $0x1  }
0x99: {  	s4 =	simm.s32 $_scs_section_size  }
0x9a: {  	s5 =	simm.s32 $_size__tile_overlayer_lowered;
	s6 =	simm.s32 $_tile_overlayer_lowered  }
0x9b: {  	s22 =	simm.s32 $0x1BFF;
	s21 =	sshll.u32 s6, $0x1;
	s3 =	sadd.s32 s4, s19  }
0x9c: {  	s7 =	simm.s32 $0x0;
	s20 =	sshll.u32 s5, $0x1;
	s5 =	sadd.s32 s21, s3  }
0x9d: {  	[timem:s7], [sflag:s22] =	dma.local [hbm:s5], s20  }
0x9e: {  	_ =	swait.ge [sflag:s22], s20  }
0x9f: {  	s4 =	ssub.s32 $0x0, s20;
	[sflag:s22] =	ssyncset.done $0x0  }
0xa0: {  	[sflag:s22] =	ssyncadd.s32 s4;
	_ =	sdelay $0x1  }
0xa1: {  	s23 =	simm.s32 $0x1B8B  }
0xa2: {  	_ =	swait.ge [sflag:s23], $0x1  }
0xa3: {  	[sflag:s23] =	ssyncset.done $0x0  }
0xa4: {  	s25 =	simm.s32 $0x1B8E;
	s24 =	sld [smem:$0x3FFE];
	[sflag:s23] =	ssyncadd.s32 $0xFFFFFFFF  }
0xa5: {  	s26 =	simm.s32 $execute0_lowered;
	[smem:$0x3FD2] =	sst s25  }
0xa6: {  	s5 =	sshll.u32 s26, $0x1;
	_ =	strace $0x80000046;
	[dreg:$0x1] =	wrdreg $0xFFFFFFFF  }
0xa7: {  	s28 =	simm.s32 $_size_execute0_lowered;
	s3 =	sadd.s32 s3, s5;
	[dreg:$0x0] =	wrdreg $0x0  }
0xa8: {  	s5 =	sshll.u32 s28, $0x1;
	[dreg:$0x2] =	wrdreg s3  }
0xa9: {  	[dreg:$0x3] =	wrdreg s5  }
0xaa: {  	[dreg:$0x4] =	wrdreg $0xC0  }
0xab: {  	_ =	task [dreg:s7], $0x5FFFF  }
0xac: {  	[dreg:$0x1] =	wrdreg $0xFFFFFFFF  }
0xad: {  	[dreg:$0x0] =	wrdreg $0x60  }
0xae: {  	[dreg:$0x2] =	wrdreg s2  }
0xaf: {  	[dreg:$0x3] =	wrdreg s24  }
0xb0: {  	[dreg:$0x4] =	wrdreg $0x122000  }
0xb1: {  	[dreg:$0x5] =	wrdreg $0x9  }
0xb2: {  	_ =	task.clear_ibuf [dreg:s7], $0x6FFFF;
	_ =	strace $0x90000046  }
0xb3: {  	s29 =	simm.s32 $0x9;
	_ =	strace $0x80000048  }
0xb4: {  	_ =	swait.ge [sflag:s29], $0x1  }
0xb5: {  	[sflag:s29] =	ssyncadd.s32 $0xFFFFFFFF  }
0xb6: {  	_ =	strace $0x90000048  }
0xb7: {  	_ =	sfence  }
0xb8: {  	s30 =	sld [smem:$0x0];
	_ =	sdelay $0x2  }
0xb9: {  	s31 =	sshll.u32 s1, $0xD;
	s1 =	sshrl.u32 s1, $0x2  }
0xba: {  	s3 =	sand.u32 $0x4000, s31;
	s1 =	sadd.s32 s1, s30  }
0xbb: {  	s0 =	sor.u32 s3, s0;
	s1 =	sshll.u32 s1, $0x11  }
0xbc: {  	s0 =	sor.u32 s1, s0  }
0xbd: {  	s0 =	sadd.s32 $0x8F2B, s0  }
0xbe: {  	[sflag:s0] =	ssyncadd.remote.s32 $0x1  }
0xbf: {  	_ =	sfence.sel $0xFFFF  }
0xc0: {  	[dreg:$0x0] =	wrdreg $0xFFFFFFFF;
	(pc) =	sbr.abs _section_cstart, $3  }
0xc1: {  	[dreg:$0x1] =	wrdreg $0xFFFFFFFF  }
0xc2: {  	_ =	task.clear_ibuf [dreg:s7], $0x2FFFF;
	_ =	strace $0x9FFFFFFF  }
0xc3: {  	(tm) =	ssettm $0x7FFFFFFF  }
tec
execute0_lowered:
.L_overlay_start_1:
0x0: {  	(tag) =	ssettag $0x1  }
0x1: {  	s0 =	rddreg [dreg:$0x0]  }
0x2: {  	s1 =	rddreg [dreg:$0x1]  }
0x3: {  	s2 =	rddreg [dreg:$0x2]  }
0x4: {  	s3 =	simm.s32 $0x0;
	s9 =	stileid.u32;
	s5 =	srdreg.scid  }
0x5: {  	s16 =	simm.s32 $0x5;
	s20 =	simm.s32 $0x80;
	s21 =	simm.s32 $0xA200  }
0x6: {  	s22 =	simm.s32 $0xC200;
	s23 =	simm.s32 $0x100;
	s28 =	simm.s32 $0x1  }
0x7: {  	s29 =	simm.s32 $0x2;
	s30 =	simm.s32 $0x3;
	s31 =	simm.s32 $0x4  }
0x8: {  	[smem:$0x7FF] =	sst s3;
	s4 =	smul.u32 $0x5000, s9;
	s15 =	sshll.u32 s9, $0x6  }
0x9: {  	s8 =	sand.u32 $0x1, s5;
	s9 =	smul.u32 $0xA000, s9;
	_ =	strace $0x80000047  }
0xa: {  	s7 =	sadd.s32 s15, s1;
	s5 =	ssub.s32 $0x2, s8;
	s11 =	smul.u32 $0xA0000, s8  }
0xb: {  	s8 =	smul.u32 $0x13880, s8;
	s18 =	sor.u32 $0x1C05, s15;
	s4 =	sshrl.u32 s4, $0x3  }
0xc: {  	s10 =	sshrl.u32 s5, $0x1;
	s7 =	sadd.s32 $0x16800, s7;
	s19 =	sadd.s32 s9, s2  }
0xd: {  	s6 =	sadd.s32 s4, s1;
	s4 =	sadd.s32 $0x17000, s1;
	s1 =	sadd.s32 $0x18400, s1  }
0xe: {  	s14 =	ssub.s32 s5, s10;
	s24 =	sadd.s32 s9, s11;
	s26 =	sshrl.u32 s11, $0x3  }
0xf: {  	s8 =	sadd.s32 s0, s8;
	s19 =	sshrl.u32 s19, $0x3;
	s0 =	simm.s32 $0x0  }
0x10: {  	s5 =	sadd.s32 $0x2800, s6;
	s6 =	sadd.s32 $0xC800, s6;
	s25 =	sshrl.u32 s24, $0x3  }
0x11: {  	s10 =	sadd.s32 s1, s26;
	s14 =	smax.u32 s14, $0x1;
	s24 =	simm.s32 $0xE200  }
0x12: {  	s26 =	simm.s32 $0x10200;
	s9 =	sadd.s32 s1, s25;
	s12 =	sadd.s32 $0x28000, s10  }
0x13: {  	s25 =	simm.s32 $0x180;
	s11 =	sadd.s32 $0x28000, s9;
	s13 =	sadd.s32 $0x50000, s9  }
.LBB2_1:
0x14: {  	s1 =	simm.s32 $0x5200  }
0x15: {  	[tilespmem:s1], [sflag:$0x5] =	stream.linear.gather [hbm4b:s5+s3], $0x5000, $0x38;
	[tilespmem:$0x1C200] =	vst v63  }
0x16: {  	_ =	swait.ge [sflag:s16], $0x5000  }
0x17: {  	[sflag:s16] =	ssyncset.done $0x0  }
0x18: {  	[sflag:s16] =	ssyncadd.s32 $0xFFFFB000  }
0x19: {  	[tilespmem:s3], [sflag:$0x5] =	stream.linear.gather [hbm4b:s6+s3], $0x5000, $0x38;
	[tilespmem:$0x1C200] =	vst v63  }
0x1a: {  	_ =	swait.ge [sflag:s16], $0x5000  }
0x1b: {  	[sflag:s16] =	ssyncset.done $0x0  }
0x1c: {  	s15 =	simm.s32 $0x5000;
	[sflag:s16] =	ssyncadd.s32 $0xFFFFB000  }
0x1d: {  	[tilespmem:s15], [sflag:$0x5] =	stream.linear.gather [hbm4b:s7+s3], $0x200, $0x38;
	[tilespmem:$0x1C200] =	vst v63  }
0x1e: {  	_ =	swait.ge [sflag:s16], $0x200  }
0x1f: {  	[sflag:s16] =	ssyncset.done $0x0  }
0x20: {  	[sflag:s16] =	ssyncadd.s32 $0xFFFFFE00  }
0x21: {  	[spmem:s19], [sflag:s18] =	dma.local [hbm:s4], $0x1400  }
0x22: {  	_ =	swait.ge [sflag:s16], $0x1400  }
0x23: {  	[sflag:s16] =	ssyncset.done $0x0  }
0x24: {  	[sflag:s16] =	ssyncadd.s32 $0xFFFFEC00  }
0x25: {  	[bflag:$0x0] =	sbarrier.arrive $0xFFFF  }
0x26: {  	[tilespmem:s21], [sflag:$0x1] =	stream.indirect.gather [hbm4b:s8+s20], $0x40, s3, s20, $0xb8;
	[tilespmem:$0x1C200] =	vst v63  }
0x27: {  	_ = 	snop  }
0x28: {  	[tilespmem:s22], [sflag:$0x2] =	stream.indirect.gather [hbm4b:s8+s20], $0x40, s20, s20, $0xb8;
	[tilespmem:$0x1C200] =	vst v63  }
0x29: {  	_ = 	snop  }
0x2a: {  	[tilespmem:s24], [sflag:$0x3] =	stream.indirect.gather [hbm4b:s8+s20], $0x40, s23, s20, $0xb8;
	[tilespmem:$0x1C200] =	vst v63  }
0x2b: {  	_ = 	snop  }
0x2c: {  	[tilespmem:s26], [sflag:$0x4] =	stream.indirect.gather [hbm4b:s8+s20], $0x40, s25, s20, $0xb8;
	[tilespmem:$0x1C200] =	vst v63  }
0x2d: {  	_ =	swait.ge [sflag:s28], $0x2000  }
0x2e: {  	[sflag:s28] =	ssyncset.done $0x0  }
0x2f: {  	s17 =	simm.s32 $0x5200;
	[sflag:s28] =	ssyncadd.s32 $0xFFFFE000  }
0x30: {  	[spmem:s2] =	stream.indirect.scatter.add.f32 [tilespmem:s21], [sflag:$0x5], $0x40, s17, s20, $0xb8;
	[tilespmem:$0x1C200] =	vst v63  }
0x31: {  	_ =	swait.ge [sflag:s16], $0x2000  }
0x32: {  	[sflag:s16] =	ssyncset.done $0x0  }
0x33: {  	s15 =	simm.s32 $0x200;
	[sflag:s16] =	ssyncadd.s32 $0xFFFFE000  }
0x34: {  	[tilespmem:s21], [sflag:$0x1] =	stream.indirect.gather [hbm4b:s8+s20], $0x40, s15, s20, $0xb8;
	[tilespmem:$0x1C200] =	vst v63  }
0x35: {  	_ =	swait.ge [sflag:s29], $0x2000  }
0x36: {  	[sflag:s29] =	ssyncset.done $0x0  }
0x37: {  	s17 =	simm.s32 $0x5280;
	[sflag:s29] =	ssyncadd.s32 $0xFFFFE000  }
0x38: {  	[spmem:s2] =	stream.indirect.scatter.add.f32 [tilespmem:s22], [sflag:$0x5], $0x40, s17, s20, $0xb8;
	[tilespmem:$0x1C200] =	vst v63  }
0x39: {  	_ =	swait.ge [sflag:s16], $0x2000  }
0x3a: {  	[sflag:s16] =	ssyncset.done $0x0  }
0x3b: {  	s15 =	simm.s32 $0x280;
	[sflag:s16] =	ssyncadd.s32 $0xFFFFE000  }
0x3c: {  	[tilespmem:s22], [sflag:$0x2] =	stream.indirect.gather [hbm4b:s8+s20], $0x40, s15, s20, $0xb8;
	[tilespmem:$0x1C200] =	vst v63  }
0x3d: {  	_ =	swait.ge [sflag:s30], $0x2000  }
0x3e: {  	[sflag:s30] =	ssyncset.done $0x0  }
0x3f: {  	s17 =	simm.s32 $0x5300;
	[sflag:s30] =	ssyncadd.s32 $0xFFFFE000  }
0x40: {  	[spmem:s2] =	stream.indirect.scatter.add.f32 [tilespmem:s24], [sflag:$0x5], $0x40, s17, s20, $0xb8;
	[tilespmem:$0x1C200] =	vst v63  }
0x41: {  	_ =	swait.ge [sflag:s16], $0x2000  }
0x42: {  	[sflag:s16] =	ssyncset.done $0x0  }
0x43: {  	s15 =	simm.s32 $0x300;
	[sflag:s16] =	ssyncadd.s32 $0xFFFFE000  }
0x44: {  	[tilespmem:s24], [sflag:$0x3] =	stream.indirect.gather [hbm4b:s8+s20], $0x40, s15, s20, $0xb8;
	[tilespmem:$0x1C200] =	vst v63  }
0x45: {  	_ =	swait.ge [sflag:s31], $0x2000  }
0x46: {  	[sflag:s31] =	ssyncset.done $0x0  }
0x47: {  	s17 =	simm.s32 $0x5380;
	[sflag:s31] =	ssyncadd.s32 $0xFFFFE000  }
0x48: {  	[spmem:s2] =	stream.indirect.scatter.add.f32 [tilespmem:s26], [sflag:$0x5], $0x40, s17, s20, $0xb8;
	[tilespmem:$0x1C200] =	vst v63  }
0x49: {  	_ =	swait.ge [sflag:s16], $0x2000  }
0x4a: {  	[sflag:s16] =	ssyncset.done $0x0  }
0x4b: {  	s1 =	simm.s32 $0x800;
	s15 =	simm.s32 $0x380;
	[sflag:s16] =	ssyncadd.s32 $0xFFFFE000  }
.LBB2_2:
0x4c: {  	[tilespmem:s26], [sflag:$0x4] =	stream.indirect.gather [hbm4b:s8+s20], $0x40, s15, s20, $0xb8;
	[tilespmem:$0x1C200] =	vst v63  }
0x4d: {  	s15 =	smov.u32 s1  }
0x4e: {  	p0 =	sne.s32 s1, $0x13800;
	s1 =	sadd.s32 $0x800, s1;
	_ =	swait.ge [sflag:s28], $0x2000  }
0x4f: {  	s15 =	sshra.s32 s15, $0x2;
	[sflag:s28] =	ssyncset.done $0x0  }
0x50: {  	s17 =	sadd.s32 $0x5200, s15;
	[sflag:s28] =	ssyncadd.s32 $0xFFFFE000  }
0x51: {  	[spmem:s2] =	stream.indirect.scatter.add.f32 [tilespmem:s21], [sflag:$0x5], $0x40, s17, s20, $0xb8;
	[tilespmem:$0x1C200] =	vst v63  }
0x52: {  	_ =	swait.ge [sflag:s16], $0x2000  }
0x53: {  	[sflag:s16] =	ssyncset.done $0x0  }
0x54: {  	s17 =	sadd.s32 $0x200, s15;
	[sflag:s16] =	ssyncadd.s32 $0xFFFFE000  }
0x55: {  	[tilespmem:s21], [sflag:$0x1] =	stream.indirect.gather [hbm4b:s8+s20], $0x40, s17, s20, $0xb8;
	[tilespmem:$0x1C200] =	vst v63  }
0x56: {  	_ =	swait.ge [sflag:s29], $0x2000  }
0x57: {  	[sflag:s29] =	ssyncset.done $0x0  }
0x58: {  	s17 =	sadd.s32 $0x5280, s15;
	[sflag:s29] =	ssyncadd.s32 $0xFFFFE000  }
0x59: {  	[spmem:s2] =	stream.indirect.scatter.add.f32 [tilespmem:s22], [sflag:$0x5], $0x40, s17, s20, $0xb8;
	[tilespmem:$0x1C200] =	vst v63  }
0x5a: {  	_ =	swait.ge [sflag:s16], $0x2000  }
0x5b: {  	[sflag:s16] =	ssyncset.done $0x0  }
0x5c: {  	s17 =	sadd.s32 $0x280, s15;
	[sflag:s16] =	ssyncadd.s32 $0xFFFFE000  }
0x5d: {  	[tilespmem:s22], [sflag:$0x2] =	stream.indirect.gather [hbm4b:s8+s20], $0x40, s17, s20, $0xb8;
	[tilespmem:$0x1C200] =	vst v63  }
0x5e: {  	_ =	swait.ge [sflag:s30], $0x2000  }
0x5f: {  	[sflag:s30] =	ssyncset.done $0x0  }
0x60: {  	s17 =	sadd.s32 $0x5300, s15;
	[sflag:s30] =	ssyncadd.s32 $0xFFFFE000  }
0x61: {  	[spmem:s2] =	stream.indirect.scatter.add.f32 [tilespmem:s24], [sflag:$0x5], $0x40, s17, s20, $0xb8;
	[tilespmem:$0x1C200] =	vst v63  }
0x62: {  	_ =	swait.ge [sflag:s16], $0x2000  }
0x63: {  	[sflag:s16] =	ssyncset.done $0x0  }
0x64: {  	s17 =	sadd.s32 $0x300, s15;
	[sflag:s16] =	ssyncadd.s32 $0xFFFFE000  }
0x65: {  	[tilespmem:s24], [sflag:$0x3] =	stream.indirect.gather [hbm4b:s8+s20], $0x40, s17, s20, $0xb8;
	[tilespmem:$0x1C200] =	vst v63  }
0x66: {  	_ =	swait.ge [sflag:s31], $0x2000  }
0x67: {  	[sflag:s31] =	ssyncset.done $0x0  }
.Ltmp0:
0x68: {  	s17 =	sadd.s32 $0x5380, s15;
	[sflag:s31] =	ssyncadd.s32 $0xFFFFE000;
	(pc) =	sbr.rel @p0 .LBB2_2-.Ltmp0, $4  }
0x69: {  	[spmem:s2] =	stream.indirect.scatter.add.f32 [tilespmem:s26], [sflag:$0x5], $0x40, s17, s20, $0xb8;
	[tilespmem:$0x1C200] =	vst v63  }
0x6a: {  	_ =	swait.ge [sflag:s16], $0x2000  }
0x6b: {  	[sflag:s16] =	ssyncset.done $0x0  }
0x6c: {  	s15 =	sadd.s32 $0x380, s15;
	[sflag:s16] =	ssyncadd.s32 $0xFFFFE000  }
0x6d: {  	[tilespmem:s26], [sflag:$0x4] =	stream.indirect.gather [hbm4b:s8+s20], $0x40, s15, s20, $0xb8;
	[tilespmem:$0x1C200] =	vst v63  }
0x6e: {  	_ =	swait.ge [sflag:s28], $0x2000  }
0x6f: {  	[sflag:s28] =	ssyncset.done $0x0  }
0x70: {  	[sflag:s28] =	ssyncadd.s32 $0xFFFFE000  }
0x71: {  	_ =	swait.ge [sflag:s29], $0x2000  }
0x72: {  	[sflag:s29] =	ssyncset.done $0x0  }
0x73: {  	[sflag:s29] =	ssyncadd.s32 $0xFFFFE000  }
0x74: {  	_ =	swait.ge [sflag:s30], $0x2000  }
0x75: {  	[sflag:s30] =	ssyncset.done $0x0  }
0x76: {  	[sflag:s30] =	ssyncadd.s32 $0xFFFFE000  }
0x77: {  	_ =	swait.ge [sflag:s31], $0x2000  }
0x78: {  	[sflag:s31] =	ssyncset.done $0x0  }
0x79: {  	[sflag:s31] =	ssyncadd.s32 $0xFFFFE000  }
0x7a: {  	[bflag:$0x0] =	sbarrier.arrive $0xFFFF  }
0x7b: {  	[hbm:s9], [sflag:s18] =	dma.local [spmem:s19], $0x1400  }
0x7c: {  	_ =	swait.ge [sflag:s16], $0x1400  }
0x7d: {  	[sflag:s16] =	ssyncset.done $0x0  }
0x7e: {  	[sflag:s16] =	ssyncadd.s32 $0xFFFFEC00  }
0x7f: {  	[spmem:s19], [sflag:s18] =	dma.local [hbm:s4], $0x1400  }
0x80: {  	_ =	swait.ge [sflag:s16], $0x1400  }
0x81: {  	[sflag:s16] =	ssyncset.done $0x0  }
0x82: {  	[sflag:s16] =	ssyncadd.s32 $0xFFFFEC00  }
0x83: {  	s1 =	simm.s32 $0x0;
	[bflag:$0x0] =	sbarrier.arrive $0xFFFF  }
0x84: {  	[tilespmem:s21], [sflag:$0x1] =	stream.indirect.gather [hbm4b:s10+s20], $0x40, s1, s20, $0xb8;
	[tilespmem:$0x1C200] =	vst v63  }
0x85: {  	_ = 	snop  }
0x86: {  	[tilespmem:s22], [sflag:$0x2] =	stream.indirect.gather [hbm4b:s10+s20], $0x40, s20, s20, $0xb8;
	[tilespmem:$0x1C200] =	vst v63  }
0x87: {  	_ = 	snop  }
0x88: {  	[tilespmem:s24], [sflag:$0x3] =	stream.indirect.gather [hbm4b:s10+s20], $0x40, s23, s20, $0xb8;
	[tilespmem:$0x1C200] =	vst v63  }
0x89: {  	_ = 	snop  }
0x8a: {  	[tilespmem:s26], [sflag:$0x4] =	stream.indirect.gather [hbm4b:s10+s20], $0x40, s25, s20, $0xb8;
	[tilespmem:$0x1C200] =	vst v63  }
0x8b: {  	_ =	swait.ge [sflag:s28], $0x2000  }
0x8c: {  	[sflag:s28] =	ssyncset.done $0x0  }
0x8d: {  	s17 =	simm.s32 $0x5200;
	[sflag:s28] =	ssyncadd.s32 $0xFFFFE000  }
0x8e: {  	[spmem:s2] =	stream.indirect.scatter.add.f32 [tilespmem:s21], [sflag:$0x5], $0x40, s17, s20, $0xb8;
	[tilespmem:$0x1C200] =	vst v63  }
0x8f: {  	_ =	swait.ge [sflag:s16], $0x2000  }
0x90: {  	[sflag:s16] =	ssyncset.done $0x0  }
0x91: {  	s15 =	simm.s32 $0x200;
	[sflag:s16] =	ssyncadd.s32 $0xFFFFE000  }
0x92: {  	[tilespmem:s21], [sflag:$0x1] =	stream.indirect.gather [hbm4b:s10+s20], $0x40, s15, s20, $0xb8;
	[tilespmem:$0x1C200] =	vst v63  }
0x93: {  	_ =	swait.ge [sflag:s29], $0x2000  }
0x94: {  	[sflag:s29] =	ssyncset.done $0x0  }
0x95: {  	s17 =	simm.s32 $0x5280;
	[sflag:s29] =	ssyncadd.s32 $0xFFFFE000  }
0x96: {  	[spmem:s2] =	stream.indirect.scatter.add.f32 [tilespmem:s22], [sflag:$0x5], $0x40, s17, s20, $0xb8;
	[tilespmem:$0x1C200] =	vst v63  }
0x97: {  	_ =	swait.ge [sflag:s16], $0x2000  }
0x98: {  	[sflag:s16] =	ssyncset.done $0x0  }
0x99: {  	s15 =	simm.s32 $0x280;
	[sflag:s16] =	ssyncadd.s32 $0xFFFFE000  }
0x9a: {  	[tilespmem:s22], [sflag:$0x2] =	stream.indirect.gather [hbm4b:s10+s20], $0x40, s15, s20, $0xb8;
	[tilespmem:$0x1C200] =	vst v63  }
0x9b: {  	_ =	swait.ge [sflag:s30], $0x2000  }
0x9c: {  	[sflag:s30] =	ssyncset.done $0x0  }
0x9d: {  	s17 =	simm.s32 $0x5300;
	[sflag:s30] =	ssyncadd.s32 $0xFFFFE000  }
0x9e: {  	[spmem:s2] =	stream.indirect.scatter.add.f32 [tilespmem:s24], [sflag:$0x5], $0x40, s17, s20, $0xb8;
	[tilespmem:$0x1C200] =	vst v63  }
0x9f: {  	_ =	swait.ge [sflag:s16], $0x2000  }
0xa0: {  	[sflag:s16] =	ssyncset.done $0x0  }
0xa1: {  	s15 =	simm.s32 $0x300;
	[sflag:s16] =	ssyncadd.s32 $0xFFFFE000  }
0xa2: {  	[tilespmem:s24], [sflag:$0x3] =	stream.indirect.gather [hbm4b:s10+s20], $0x40, s15, s20, $0xb8;
	[tilespmem:$0x1C200] =	vst v63  }
0xa3: {  	_ =	swait.ge [sflag:s31], $0x2000  }
0xa4: {  	[sflag:s31] =	ssyncset.done $0x0  }
0xa5: {  	s17 =	simm.s32 $0x5380;
	[sflag:s31] =	ssyncadd.s32 $0xFFFFE000  }
0xa6: {  	[spmem:s2] =	stream.indirect.scatter.add.f32 [tilespmem:s26], [sflag:$0x5], $0x40, s17, s20, $0xb8;
	[tilespmem:$0x1C200] =	vst v63  }
0xa7: {  	_ =	swait.ge [sflag:s16], $0x2000  }
0xa8: {  	[sflag:s16] =	ssyncset.done $0x0  }
0xa9: {  	s1 =	simm.s32 $0x800;
	s15 =	simm.s32 $0x380;
	[sflag:s16] =	ssyncadd.s32 $0xFFFFE000  }
.LBB2_4:
0xaa: {  	[tilespmem:s26], [sflag:$0x4] =	stream.indirect.gather [hbm4b:s10+s20], $0x40, s15, s20, $0xb8;
	[tilespmem:$0x1C200] =	vst v63  }
0xab: {  	s15 =	smov.u32 s1  }
0xac: {  	p0 =	sne.s32 s1, $0x13800;
	s1 =	sadd.s32 $0x800, s1;
	_ =	swait.ge [sflag:s28], $0x2000  }
0xad: {  	s15 =	sshra.s32 s15, $0x2;
	[sflag:s28] =	ssyncset.done $0x0  }
0xae: {  	s17 =	sadd.s32 $0x5200, s15;
	[sflag:s28] =	ssyncadd.s32 $0xFFFFE000  }
0xaf: {  	[spmem:s2] =	stream.indirect.scatter.add.f32 [tilespmem:s21], [sflag:$0x5], $0x40, s17, s20, $0xb8;
	[tilespmem:$0x1C200] =	vst v63  }
0xb0: {  	_ =	swait.ge [sflag:s16], $0x2000  }
0xb1: {  	[sflag:s16] =	ssyncset.done $0x0  }
0xb2: {  	s17 =	sadd.s32 $0x200, s15;
	[sflag:s16] =	ssyncadd.s32 $0xFFFFE000  }
0xb3: {  	[tilespmem:s21], [sflag:$0x1] =	stream.indirect.gather [hbm4b:s10+s20], $0x40, s17, s20, $0xb8;
	[tilespmem:$0x1C200] =	vst v63  }
0xb4: {  	_ =	swait.ge [sflag:s29], $0x2000  }
0xb5: {  	[sflag:s29] =	ssyncset.done $0x0  }
0xb6: {  	s17 =	sadd.s32 $0x5280, s15;
	[sflag:s29] =	ssyncadd.s32 $0xFFFFE000  }
0xb7: {  	[spmem:s2] =	stream.indirect.scatter.add.f32 [tilespmem:s22], [sflag:$0x5], $0x40, s17, s20, $0xb8;
	[tilespmem:$0x1C200] =	vst v63  }
0xb8: {  	_ =	swait.ge [sflag:s16], $0x2000  }
0xb9: {  	[sflag:s16] =	ssyncset.done $0x0  }
0xba: {  	s17 =	sadd.s32 $0x280, s15;
	[sflag:s16] =	ssyncadd.s32 $0xFFFFE000  }
0xbb: {  	[tilespmem:s22], [sflag:$0x2] =	stream.indirect.gather [hbm4b:s10+s20], $0x40, s17, s20, $0xb8;
	[tilespmem:$0x1C200] =	vst v63  }
0xbc: {  	_ =	swait.ge [sflag:s30], $0x2000  }
0xbd: {  	[sflag:s30] =	ssyncset.done $0x0  }
0xbe: {  	s17 =	sadd.s32 $0x5300, s15;
	[sflag:s30] =	ssyncadd.s32 $0xFFFFE000  }
0xbf: {  	[spmem:s2] =	stream.indirect.scatter.add.f32 [tilespmem:s24], [sflag:$0x5], $0x40, s17, s20, $0xb8;
	[tilespmem:$0x1C200] =	vst v63  }
0xc0: {  	_ =	swait.ge [sflag:s16], $0x2000  }
0xc1: {  	[sflag:s16] =	ssyncset.done $0x0  }
0xc2: {  	s17 =	sadd.s32 $0x300, s15;
	[sflag:s16] =	ssyncadd.s32 $0xFFFFE000  }
0xc3: {  	[tilespmem:s24], [sflag:$0x3] =	stream.indirect.gather [hbm4b:s10+s20], $0x40, s17, s20, $0xb8;
	[tilespmem:$0x1C200] =	vst v63  }
0xc4: {  	_ =	swait.ge [sflag:s31], $0x2000  }
0xc5: {  	[sflag:s31] =	ssyncset.done $0x0  }
.Ltmp1:
0xc6: {  	s17 =	sadd.s32 $0x5380, s15;
	[sflag:s31] =	ssyncadd.s32 $0xFFFFE000;
	(pc) =	sbr.rel @p0 .LBB2_4-.Ltmp1, $4  }
0xc7: {  	[spmem:s2] =	stream.indirect.scatter.add.f32 [tilespmem:s26], [sflag:$0x5], $0x40, s17, s20, $0xb8;
	[tilespmem:$0x1C200] =	vst v63  }
0xc8: {  	_ =	swait.ge [sflag:s16], $0x2000  }
0xc9: {  	[sflag:s16] =	ssyncset.done $0x0  }
0xca: {  	s15 =	sadd.s32 $0x380, s15;
	[sflag:s16] =	ssyncadd.s32 $0xFFFFE000  }
0xcb: {  	[tilespmem:s26], [sflag:$0x4] =	stream.indirect.gather [hbm4b:s10+s20], $0x40, s15, s20, $0xb8;
	[tilespmem:$0x1C200] =	vst v63  }
0xcc: {  	_ =	swait.ge [sflag:s28], $0x2000  }
0xcd: {  	[sflag:s28] =	ssyncset.done $0x0  }
0xce: {  	[sflag:s28] =	ssyncadd.s32 $0xFFFFE000  }
0xcf: {  	_ =	swait.ge [sflag:s29], $0x2000  }
0xd0: {  	[sflag:s29] =	ssyncset.done $0x0  }
0xd1: {  	[sflag:s29] =	ssyncadd.s32 $0xFFFFE000  }
0xd2: {  	_ =	swait.ge [sflag:s30], $0x2000  }
0xd3: {  	[sflag:s30] =	ssyncset.done $0x0  }
0xd4: {  	[sflag:s30] =	ssyncadd.s32 $0xFFFFE000  }
0xd5: {  	_ =	swait.ge [sflag:s31], $0x2000  }
0xd6: {  	[sflag:s31] =	ssyncset.done $0x0  }
0xd7: {  	[sflag:s31] =	ssyncadd.s32 $0xFFFFE000  }
0xd8: {  	[bflag:$0x0] =	sbarrier.arrive $0xFFFF  }
0xd9: {  	[hbm:s11], [sflag:s18] =	dma.local [spmem:s19], $0x1400  }
0xda: {  	_ =	swait.ge [sflag:s16], $0x1400  }
0xdb: {  	[sflag:s16] =	ssyncset.done $0x0  }
0xdc: {  	[sflag:s16] =	ssyncadd.s32 $0xFFFFEC00  }
0xdd: {  	[spmem:s19], [sflag:s18] =	dma.local [hbm:s4], $0x1400  }
0xde: {  	_ =	swait.ge [sflag:s16], $0x1400  }
0xdf: {  	[sflag:s16] =	ssyncset.done $0x0  }
0xe0: {  	[sflag:s16] =	ssyncadd.s32 $0xFFFFEC00  }
0xe1: {  	s1 =	simm.s32 $0x0;
	[bflag:$0x0] =	sbarrier.arrive $0xFFFF  }
0xe2: {  	[tilespmem:s21], [sflag:$0x1] =	stream.indirect.gather [hbm4b:s12+s20], $0x40, s1, s20, $0xb8;
	[tilespmem:$0x1C200] =	vst v63  }
0xe3: {  	_ = 	snop  }
0xe4: {  	[tilespmem:s22], [sflag:$0x2] =	stream.indirect.gather [hbm4b:s12+s20], $0x40, s20, s20, $0xb8;
	[tilespmem:$0x1C200] =	vst v63  }
0xe5: {  	_ = 	snop  }
0xe6: {  	[tilespmem:s24], [sflag:$0x3] =	stream.indirect.gather [hbm4b:s12+s20], $0x40, s23, s20, $0xb8;
	[tilespmem:$0x1C200] =	vst v63  }
0xe7: {  	_ = 	snop  }
0xe8: {  	[tilespmem:s26], [sflag:$0x4] =	stream.indirect.gather [hbm4b:s12+s20], $0x40, s25, s20, $0xb8;
	[tilespmem:$0x1C200] =	vst v63  }
0xe9: {  	_ =	swait.ge [sflag:s28], $0x2000  }
0xea: {  	[sflag:s28] =	ssyncset.done $0x0  }
0xeb: {  	s17 =	simm.s32 $0x5200;
	[sflag:s28] =	ssyncadd.s32 $0xFFFFE000  }
0xec: {  	[spmem:s2] =	stream.indirect.scatter.add.f32 [tilespmem:s21], [sflag:$0x5], $0x40, s17, s20, $0xb8;
	[tilespmem:$0x1C200] =	vst v63  }
0xed: {  	_ =	swait.ge [sflag:s16], $0x2000  }
0xee: {  	[sflag:s16] =	ssyncset.done $0x0  }
0xef: {  	s15 =	simm.s32 $0x200;
	[sflag:s16] =	ssyncadd.s32 $0xFFFFE000  }
0xf0: {  	[tilespmem:s21], [sflag:$0x1] =	stream.indirect.gather [hbm4b:s12+s20], $0x40, s15, s20, $0xb8;
	[tilespmem:$0x1C200] =	vst v63  }
0xf1: {  	_ =	swait.ge [sflag:s29], $0x2000  }
0xf2: {  	[sflag:s29] =	ssyncset.done $0x0  }
0xf3: {  	s17 =	simm.s32 $0x5280;
	[sflag:s29] =	ssyncadd.s32 $0xFFFFE000  }
0xf4: {  	[spmem:s2] =	stream.indirect.scatter.add.f32 [tilespmem:s22], [sflag:$0x5], $0x40, s17, s20, $0xb8;
	[tilespmem:$0x1C200] =	vst v63  }
0xf5: {  	_ =	swait.ge [sflag:s16], $0x2000  }
0xf6: {  	[sflag:s16] =	ssyncset.done $0x0  }
0xf7: {  	s15 =	simm.s32 $0x280;
	[sflag:s16] =	ssyncadd.s32 $0xFFFFE000  }
0xf8: {  	[tilespmem:s22], [sflag:$0x2] =	stream.indirect.gather [hbm4b:s12+s20], $0x40, s15, s20, $0xb8;
	[tilespmem:$0x1C200] =	vst v63  }
0xf9: {  	_ =	swait.ge [sflag:s30], $0x2000  }
0xfa: {  	[sflag:s30] =	ssyncset.done $0x0  }
0xfb: {  	s17 =	simm.s32 $0x5300;
	[sflag:s30] =	ssyncadd.s32 $0xFFFFE000  }
0xfc: {  	[spmem:s2] =	stream.indirect.scatter.add.f32 [tilespmem:s24], [sflag:$0x5], $0x40, s17, s20, $0xb8;
	[tilespmem:$0x1C200] =	vst v63  }
0xfd: {  	_ =	swait.ge [sflag:s16], $0x2000  }
0xfe: {  	[sflag:s16] =	ssyncset.done $0x0  }
0xff: {  	s15 =	simm.s32 $0x300;
	[sflag:s16] =	ssyncadd.s32 $0xFFFFE000  }
0x100: {  	[tilespmem:s24], [sflag:$0x3] =	stream.indirect.gather [hbm4b:s12+s20], $0x40, s15, s20, $0xb8;
	[tilespmem:$0x1C200] =	vst v63  }
0x101: {  	_ =	swait.ge [sflag:s31], $0x2000  }
0x102: {  	[sflag:s31] =	ssyncset.done $0x0  }
0x103: {  	s17 =	simm.s32 $0x5380;
	[sflag:s31] =	ssyncadd.s32 $0xFFFFE000  }
0x104: {  	[spmem:s2] =	stream.indirect.scatter.add.f32 [tilespmem:s26], [sflag:$0x5], $0x40, s17, s20, $0xb8;
	[tilespmem:$0x1C200] =	vst v63  }
0x105: {  	_ =	swait.ge [sflag:s16], $0x2000  }
0x106: {  	[sflag:s16] =	ssyncset.done $0x0  }
0x107: {  	s1 =	simm.s32 $0x800;
	s15 =	simm.s32 $0x380;
	[sflag:s16] =	ssyncadd.s32 $0xFFFFE000  }
.LBB2_6:
0x108: {  	[tilespmem:s26], [sflag:$0x4] =	stream.indirect.gather [hbm4b:s12+s20], $0x40, s15, s20, $0xb8;
	[tilespmem:$0x1C200] =	vst v63  }
0x109: {  	s15 =	smov.u32 s1  }
0x10a: {  	p0 =	sne.s32 s1, $0x13800;
	s1 =	sadd.s32 $0x800, s1;
	_ =	swait.ge [sflag:s28], $0x2000  }
0x10b: {  	s15 =	sshra.s32 s15, $0x2;
	[sflag:s28] =	ssyncset.done $0x0  }
0x10c: {  	s17 =	sadd.s32 $0x5200, s15;
	[sflag:s28] =	ssyncadd.s32 $0xFFFFE000  }
0x10d: {  	[spmem:s2] =	stream.indirect.scatter.add.f32 [tilespmem:s21], [sflag:$0x5], $0x40, s17, s20, $0xb8;
	[tilespmem:$0x1C200] =	vst v63  }
0x10e: {  	_ =	swait.ge [sflag:s16], $0x2000  }
0x10f: {  	[sflag:s16] =	ssyncset.done $0x0  }
0x110: {  	s17 =	sadd.s32 $0x200, s15;
	[sflag:s16] =	ssyncadd.s32 $0xFFFFE000  }
0x111: {  	[tilespmem:s21], [sflag:$0x1] =	stream.indirect.gather [hbm4b:s12+s20], $0x40, s17, s20, $0xb8;
	[tilespmem:$0x1C200] =	vst v63  }
0x112: {  	_ =	swait.ge [sflag:s29], $0x2000  }
0x113: {  	[sflag:s29] =	ssyncset.done $0x0  }
0x114: {  	s17 =	sadd.s32 $0x5280, s15;
	[sflag:s29] =	ssyncadd.s32 $0xFFFFE000  }
0x115: {  	[spmem:s2] =	stream.indirect.scatter.add.f32 [tilespmem:s22], [sflag:$0x5], $0x40, s17, s20, $0xb8;
	[tilespmem:$0x1C200] =	vst v63  }
0x116: {  	_ =	swait.ge [sflag:s16], $0x2000  }
0x117: {  	[sflag:s16] =	ssyncset.done $0x0  }
0x118: {  	s17 =	sadd.s32 $0x280, s15;
	[sflag:s16] =	ssyncadd.s32 $0xFFFFE000  }
0x119: {  	[tilespmem:s22], [sflag:$0x2] =	stream.indirect.gather [hbm4b:s12+s20], $0x40, s17, s20, $0xb8;
	[tilespmem:$0x1C200] =	vst v63  }
0x11a: {  	_ =	swait.ge [sflag:s30], $0x2000  }
0x11b: {  	[sflag:s30] =	ssyncset.done $0x0  }
0x11c: {  	s17 =	sadd.s32 $0x5300, s15;
	[sflag:s30] =	ssyncadd.s32 $0xFFFFE000  }
0x11d: {  	[spmem:s2] =	stream.indirect.scatter.add.f32 [tilespmem:s24], [sflag:$0x5], $0x40, s17, s20, $0xb8;
	[tilespmem:$0x1C200] =	vst v63  }
0x11e: {  	_ =	swait.ge [sflag:s16], $0x2000  }
0x11f: {  	[sflag:s16] =	ssyncset.done $0x0  }
0x120: {  	s17 =	sadd.s32 $0x300, s15;
	[sflag:s16] =	ssyncadd.s32 $0xFFFFE000  }
0x121: {  	[tilespmem:s24], [sflag:$0x3] =	stream.indirect.gather [hbm4b:s12+s20], $0x40, s17, s20, $0xb8;
	[tilespmem:$0x1C200] =	vst v63  }
0x122: {  	_ =	swait.ge [sflag:s31], $0x2000  }
0x123: {  	[sflag:s31] =	ssyncset.done $0x0  }
.Ltmp2:
0x124: {  	s17 =	sadd.s32 $0x5380, s15;
	[sflag:s31] =	ssyncadd.s32 $0xFFFFE000;
	(pc) =	sbr.rel @p0 .LBB2_6-.Ltmp2, $4  }
0x125: {  	[spmem:s2] =	stream.indirect.scatter.add.f32 [tilespmem:s26], [sflag:$0x5], $0x40, s17, s20, $0xb8;
	[tilespmem:$0x1C200] =	vst v63  }
0x126: {  	_ =	swait.ge [sflag:s16], $0x2000  }
0x127: {  	[sflag:s16] =	ssyncset.done $0x0  }
0x128: {  	s15 =	sadd.s32 $0x380, s15;
	[sflag:s16] =	ssyncadd.s32 $0xFFFFE000  }
0x129: {  	[tilespmem:s26], [sflag:$0x4] =	stream.indirect.gather [hbm4b:s12+s20], $0x40, s15, s20, $0xb8;
	[tilespmem:$0x1C200] =	vst v63  }
0x12a: {  	_ =	swait.ge [sflag:s28], $0x2000  }
0x12b: {  	[sflag:s28] =	ssyncset.done $0x0  }
0x12c: {  	[sflag:s28] =	ssyncadd.s32 $0xFFFFE000  }
0x12d: {  	_ =	swait.ge [sflag:s29], $0x2000  }
0x12e: {  	[sflag:s29] =	ssyncset.done $0x0  }
0x12f: {  	[sflag:s29] =	ssyncadd.s32 $0xFFFFE000  }
0x130: {  	_ =	swait.ge [sflag:s30], $0x2000  }
0x131: {  	[sflag:s30] =	ssyncset.done $0x0  }
0x132: {  	[sflag:s30] =	ssyncadd.s32 $0xFFFFE000  }
0x133: {  	_ =	swait.ge [sflag:s31], $0x2000  }
0x134: {  	s0 =	sadd.s32 $0x1, s0;
	[sflag:s31] =	ssyncset.done $0x0  }
0x135: {  	p0 =	sne.s32 s0, s14;
	[sflag:s31] =	ssyncadd.s32 $0xFFFFE000  }
.Ltmp3:
0x136: {  	[bflag:$0x0] =	sbarrier.arrive $0xFFFF;
	(pc) =	sbr.rel @p0 .LBB2_1-.Ltmp3, $4  }
0x137: {  	[hbm:s13], [sflag:s18] =	dma.local [spmem:s19], $0x1400  }
0x138: {  	_ =	swait.ge [sflag:s16], $0x1400  }
0x139: {  	[sflag:s16] =	ssyncset.done $0x0  }
0x13a: {  	[sflag:s16] =	ssyncadd.s32 $0xFFFFEC00  }
0x13b: {  	_ =	sfence.sel $0x180000  }
0x13c: {  	[bflag:$0x0] =	sbarrier.arrive $0xFFFF  }
0x13d: {  	_ =	strace $0x90000047  }
0x13e: {  	s0 =	stileid.u32;
	[bflag:$0x2] =	sbarrier.arrive $0xFFFF  }
0x13f: {  	p0 =	sne.s32 s0, $0x0;
	s0 =	rddreg [dreg:$0x3]  }
0x140: {  	s0 =	sadd.s32 @!p0 $0x100000, s0  }
0x141: {  	[sflag:s0] =	ssyncadd.tile.s32 @!p0 $0x1;
	_ =	shalt  }
.Lfunc_end2:
_tile_overlayer_lowered:
.L_overlay_start_2:
0x142: {  	(tag) =	ssettag $0x2  }
0x143: {  	s0 =	rddreg [dreg:$0x0];
	s2 =	stileid.u32  }
0x144: {  	s1 =	rddreg [dreg:$0x1];
	p0 =	sne.s32 s2, $0x0  }
0x145: {  	s3 =	rddreg [dreg:$0x2];
	[bflag:$0x3] =	sbarrier.arrive $0xFFFF;
	s2 =	simm.s32 @!p0 $0x1C05  }
0x146: {  	[timem:s3], [sflag:s2] =	dma.local @!p0 [hbm:s0], s1  }
0x147: {  	s0 =	simm.s32 @!p0 $0x5  }
0x148: {  	_ =	swait.ge @!p0 [sflag:s0], s1  }
0x149: {  	s1 =	ssub.s32 @!p0 $0x0, s1;
	[sflag:s0] =	ssyncset.done @!p0 $0x0  }
0x14a: {  	[sflag:s0] =	ssyncadd.s32 @!p0 s1  }
0x14b: {  	[bflag:$0x3] =	sbarrier.arrive $0xFFFF  }
0x14c: {  	_ =	shalt  }

// kernel: kernel.9.cloned.1.call-start
scs
__scs_entry_jumppad:
0x0: {  	(pc) =	sbr.rel $0x88, $3  }
0x1: {  	(tag) =	ssettag $0x0;
	lr =	simm.s32 $0x1  }
0x2: {  	[smem:$0x3F95] =	sst lr;
	_ =	strace $0xD0000000  }
0x3: {  	_ = 	snop  }
0x4: {  	_ = 	snop  }
0x5: {  	_ = 	snop  }
0x6: {  	_ = 	snop  }
0x7: {  	_ = 	snop  }
__scs_overlays_trampoline_lowered:
0x8: {  	[smem:$0x3FA4] =	sst s0  }
0x9: {  	[smem:$0x3FA5] =	sst s1  }
0xa: {  	[smem:$0x3FA6] =	sst s2  }
0xb: {  	[smem:$0x3FA7] =	sst s3  }
0xc: {  	[smem:$0x3FA8] =	sst s4  }
0xd: {  	[smem:$0x3FA9] =	sst s5  }
0xe: {  	[smem:$0x3FAA] =	sst s6  }
0xf: {  	[smem:$0x3FAB] =	sst s7  }
0x10: {  	[smem:$0x3FAC] =	sst s8  }
0x11: {  	[smem:$0x3FAD] =	sst s9;
	s0 =	simm.s32 @!p0 $0x0  }
0x12: {  	s1 =	sld [smem:$0x3F93];
	s0 =	simm.s32 @p0 $0x1  }
0x13: {  	[smem:$0x3FAE] =	sst s0;
	s0 =	simm.s32 @!p1 $0x0  }
0x14: {  	s2 =	sld [smem:$0x3F92];
	s0 =	simm.s32 @p1 $0x1  }
0x15: {  	[smem:$0x3FAF] =	sst s0;
	s0 =	simm.s32 @!p2 $0x0  }
0x16: {  	s3 =	sld [smem:$0x3FDB];
	s0 =	simm.s32 @p2 $0x1  }
0x17: {  	s4 =	simm.s32 $0x1BF5;
	[smem:$0x3FB1] =	sst s0  }
0x18: {  	s0 =	sld [smem:$0x3F94];
	_ =	swait.ge [sflag:s4], $0x0  }
0x19: {  	s7 =	sld [smem:$0x3F95]  }
0x1a: {  	s8 =	sadd.s32 $0xFFFFE003, lr  }
0x1b: {  	s9 =	sadd.s32 $0xFFFFFEF7, lr;
	s5 =	simm.s32 $0xFFFFFFFF;
	p2 =	slt.u32 s8, $0xFFFFF086  }
0x1c: {  	p1 =	slt.u32 s9, $0xF7A;
	s5 =	simm.s32 @!p2 $0x0  }
0x1d: {  	s5 =	simm.s32 @p1 $0x1;
	p0 =	seq.s32 s7, s2  }
0x1e: {  	s7 =	smul.u32 @!p0 $0xF7A, s2;
	p2 =	seq.s32 @!p0 s5, $0x0  }
0x1f: {  	s9 =	smul.u32 $0xF7A, s1;
	s8 =	simm.s32 @!p0 $0x1BF5;
	p2 =	por !p2, p0  }
0x20: {  	[sflag:s8] =	ssyncset.s32 @!p0 $0xFFFFF086;
	s6 =	sadd.s32 @!p0 s3, s7;
	s7 =	simm.s32 @!p0 $0x108  }
0x21: {  	s3 =	sadd.s32 s3, s9;
	s6 =	sadd.s32 @!p0 $0x88, s6;
	s7 =	simm.s32 @p2 $0x1082  }
0x22: {  	[simem:s7], [sflag:s8] =	dma.local @!p0 [hbm:s6], $0xF7A  }
0x23: {  	s9 =	sor.u32 $0xD0000000, s2;
	s6 =	simm.s32 $0x108;
	_ =	swait.ge @!p0 [sflag:s8], $0x0  }
0x24: {  	s3 =	sadd.s32 $0x88, s3;
	s6 =	simm.s32 @!p1 $0x1082;
	[sflag:s4] =	ssyncset.s32 $0xFFFFF086  }
0x25: {  	[simem:s6], [sflag:s4] =	dma.local [hbm:s3], $0xF7A  }
0x26: {  	[smem:$0x3F95] =	sst s1;
	(tag) =	ssettag s2;
	_ =	strace s9  }
0x27: {  	s1 =	sld [smem:$0x3FA5]  }
0x28: {  	s2 =	sld [smem:$0x3FA6]  }
0x29: {  	s4 =	sld [smem:$0x3FA8]  }
0x2a: {  	p0 =	seq.s32 s5, $0x0;
	s5 =	sld [smem:$0x3FA9]  }
0x2b: {  	s6 =	sld [smem:$0x3FAA]  }
0x2c: {  	s7 =	sld [smem:$0x3FAB]  }
0x2d: {  	s3 =	simm.s32 $0x108;
	s8 =	sld [smem:$0x3FAC]  }
0x2e: {  	s3 =	simm.s32 @!p0 $0x1082;
	s9 =	sld [smem:$0x3FAD]  }
0x2f: {  	lr =	sadd.s32 s0, s3;
	s0 =	sld [smem:$0x3FA4]  }
0x30: {  	s3 =	sld [smem:$0x3FA7]  }
0x31: {  	[smem:$0x3FB0] =	sst s10  }
0x32: {  	s10 =	sld [smem:$0x3FAE];
	_ =	sdelay $0x3  }
0x33: {  	p0 =	seq.s32 s10, $0x1;
	s10 =	sld [smem:$0x3FB0];
	_ =	sdelay $0x3  }
0x34: {  	[smem:$0x3FB0] =	sst s10  }
0x35: {  	s10 =	sld [smem:$0x3FAF];
	_ =	sdelay $0x3  }
0x36: {  	p1 =	seq.s32 s10, $0x1;
	s10 =	sld [smem:$0x3FB0];
	_ =	sdelay $0x3  }
0x37: {  	[smem:$0x3FB0] =	sst s10  }
0x38: {  	s10 =	sld [smem:$0x3FB1]  }
0x39: {  	_ = 	snop;
	(pc) =	sbr.ind lr, $3  }
0x3a: {  	_ = 	snop  }
0x3b: {  	_ = 	snop  }
0x3c: {  	p2 =	seq.s32 s10, $0x1;
	s10 =	sld [smem:$0x3FB0]  }
0x3d: {  	_ =	shalt  }
0x3e: {  	_ =	shalt  }
0x3f: {  	_ =	shalt  }
0x40: {  	_ =	shalt  }
0x41: {  	_ =	shalt  }
0x42: {  	_ =	shalt  }
0x43: {  	_ =	shalt  }
0x44: {  	_ =	shalt  }
0x45: {  	_ =	shalt  }
0x46: {  	_ =	shalt  }
0x47: {  	_ =	shalt  }
0x48: {  	_ =	shalt  }
0x49: {  	_ =	shalt  }
0x4a: {  	_ =	shalt  }
0x4b: {  	_ =	shalt  }
0x4c: {  	_ =	shalt  }
0x4d: {  	_ =	shalt  }
0x4e: {  	_ =	shalt  }
0x4f: {  	_ =	shalt  }
0x50: {  	_ =	shalt  }
0x51: {  	_ =	shalt  }
0x52: {  	_ =	shalt  }
0x53: {  	_ =	shalt  }
0x54: {  	_ =	shalt  }
0x55: {  	_ =	shalt  }
0x56: {  	_ =	shalt  }
0x57: {  	_ =	shalt  }
0x58: {  	_ =	shalt  }
0x59: {  	_ =	shalt  }
0x5a: {  	_ =	shalt  }
0x5b: {  	_ =	shalt  }
0x5c: {  	_ =	shalt  }
0x5d: {  	_ =	shalt  }
0x5e: {  	_ =	shalt  }
0x5f: {  	_ =	shalt  }
0x60: {  	_ =	shalt  }
0x61: {  	_ =	shalt  }
0x62: {  	_ =	shalt  }
0x63: {  	_ =	shalt  }
0x64: {  	_ =	shalt  }
0x65: {  	_ =	shalt  }
0x66: {  	_ =	shalt  }
0x67: {  	_ =	shalt  }
0x68: {  	_ =	shalt  }
0x69: {  	_ =	shalt  }
0x6a: {  	_ =	shalt  }
0x6b: {  	_ =	shalt  }
0x6c: {  	_ =	shalt  }
0x6d: {  	_ =	shalt  }
0x6e: {  	_ =	shalt  }
0x6f: {  	_ =	shalt  }
0x70: {  	_ =	shalt  }
0x71: {  	_ =	shalt  }
0x72: {  	_ =	shalt  }
0x73: {  	_ =	shalt  }
0x74: {  	_ =	shalt  }
0x75: {  	_ =	shalt  }
0x76: {  	_ =	shalt  }
0x77: {  	_ =	shalt  }
0x78: {  	_ =	shalt  }
0x79: {  	_ =	shalt  }
0x7a: {  	_ =	shalt  }
0x7b: {  	_ =	shalt  }
0x7c: {  	_ =	shalt  }
0x7d: {  	_ =	shalt  }
0x7e: {  	_ =	shalt  }
0x7f: {  	_ =	shalt  }
0x80: {  	_ =	shalt  }
0x81: {  	_ =	shalt  }
0x82: {  	_ =	shalt  }
0x83: {  	_ =	shalt  }
0x84: {  	_ =	shalt  }
0x85: {  	_ =	shalt  }
0x86: {  	_ =	shalt  }
0x87: {  	_ =	shalt  }
.Lfunc_end0:
.L_simem_size_0:
called_computation.1_lowered:
.L_overlay_start_0:
0x88: {  	s2 =	sld [smem:$0x3FD9]  }
0x89: {  	s3 =	sld [smem:$0x3FFE];
	_ =	sdelay $0x1  }
0x8a: {  	s1 =	srdreg.scid  }
0x8b: {  	s0 =	sand.u32 $0x1, s1  }
0x8c: {  	s17 =	sshll.u32 s0, $0xA;
	s2 =	sadd.s32 s3, s2  }
0x8d: {  	s2 =	sadd.s32 s2, s17  }
0x8e: {  	[smem:$0x3FBC] =	sst s2  }
0x8f: {  	_ = 	snop  }
0x90: {  	s2 =	sld [smem:$0x3FD0];
	(tm) =	ssettm $0x1  }
0x91: {  	s18 =	sld [smem:$0x3FFB];
	_ =	sdelay $0x3  }
0x92: {  	_ =	strace s18  }
0x93: {  	s3 =	sld [smem:$0x3FFC];
	_ =	sdelay $0x3  }
0x94: {  	_ =	strace s3  }
0x95: {  	s3 =	sld [smem:$0x3FFD];
	_ =	sdelay $0x3  }
0x96: {  	_ =	strace s3  }
0x97: {  	_ =	strace $0x8FFFFFFF  }
0x98: {  	s19 =	sld [smem:$0x3FDB];
	_ =	sdelay $0x1  }
0x99: {  	s4 =	simm.s32 $_scs_section_size  }
0x9a: {  	s5 =	simm.s32 $_size__tile_overlayer_lowered;
	s6 =	simm.s32 $_tile_overlayer_lowered  }
0x9b: {  	s22 =	simm.s32 $0x1BFF;
	s21 =	sshll.u32 s6, $0x1;
	s3 =	sadd.s32 s4, s19  }
0x9c: {  	s7 =	simm.s32 $0x0;
	s20 =	sshll.u32 s5, $0x1;
	s5 =	sadd.s32 s21, s3  }
0x9d: {  	[timem:s7], [sflag:s22] =	dma.local [hbm:s5], s20  }
0x9e: {  	_ =	swait.ge [sflag:s22], s20  }
0x9f: {  	s4 =	ssub.s32 $0x0, s20;
	[sflag:s22] =	ssyncset.done $0x0  }
0xa0: {  	[sflag:s22] =	ssyncadd.s32 s4;
	_ =	sdelay $0x1  }
0xa1: {  	s23 =	simm.s32 $0x1B8B  }
0xa2: {  	_ =	swait.ge [sflag:s23], $0x1  }
0xa3: {  	[sflag:s23] =	ssyncset.done $0x0  }
0xa4: {  	s25 =	simm.s32 $0x1B8E;
	s24 =	sld [smem:$0x3FFE];
	[sflag:s23] =	ssyncadd.s32 $0xFFFFFFFF  }
0xa5: {  	s26 =	simm.s32 $execute0_lowered;
	[smem:$0x3FD2] =	sst s25  }
0xa6: {  	s5 =	sshll.u32 s26, $0x1;
	_ =	strace $0x80000049;
	[dreg:$0x1] =	wrdreg $0xFFFFFFFF  }
0xa7: {  	s28 =	simm.s32 $_size_execute0_lowered;
	s3 =	sadd.s32 s3, s5;
	[dreg:$0x0] =	wrdreg $0x0  }
0xa8: {  	s5 =	sshll.u32 s28, $0x1;
	[dreg:$0x2] =	wrdreg s3  }
0xa9: {  	[dreg:$0x3] =	wrdreg s5  }
0xaa: {  	[dreg:$0x4] =	wrdreg $0xC0  }
0xab: {  	_ =	task [dreg:s7], $0x5FFFF  }
0xac: {  	[dreg:$0x1] =	wrdreg $0xFFFFFFFF  }
0xad: {  	[dreg:$0x0] =	wrdreg $0x60  }
0xae: {  	[dreg:$0x2] =	wrdreg s24  }
0xaf: {  	[dreg:$0x3] =	wrdreg s2  }
0xb0: {  	[dreg:$0x4] =	wrdreg $0x122000  }
0xb1: {  	[dreg:$0x5] =	wrdreg $0x9  }
0xb2: {  	_ =	task.clear_ibuf [dreg:s7], $0x6FFFF;
	_ =	strace $0x90000049  }
0xb3: {  	s29 =	simm.s32 $0x9;
	_ =	strace $0x8000004B  }
0xb4: {  	_ =	swait.ge [sflag:s29], $0x1  }
0xb5: {  	[sflag:s29] =	ssyncadd.s32 $0xFFFFFFFF  }
0xb6: {  	_ =	strace $0x9000004B  }
0xb7: {  	_ =	sfence  }
0xb8: {  	s30 =	sld [smem:$0x0];
	_ =	sdelay $0x2  }
0xb9: {  	s31 =	sshll.u32 s1, $0xD;
	s1 =	sshrl.u32 s1, $0x2  }
0xba: {  	s3 =	sand.u32 $0x4000, s31;
	s1 =	sadd.s32 s1, s30  }
0xbb: {  	s0 =	sor.u32 s3, s0;
	s1 =	sshll.u32 s1, $0x11  }
0xbc: {  	s0 =	sor.u32 s1, s0  }
0xbd: {  	s0 =	sadd.s32 $0x8F2B, s0  }
0xbe: {  	[sflag:s0] =	ssyncadd.remote.s32 $0x1  }
0xbf: {  	_ =	sfence.sel $0xFFFF  }
0xc0: {  	[dreg:$0x0] =	wrdreg $0xFFFFFFFF;
	(pc) =	sbr.abs _section_cstart, $3  }
0xc1: {  	[dreg:$0x1] =	wrdreg $0xFFFFFFFF  }
0xc2: {  	_ =	task.clear_ibuf [dreg:s7], $0x2FFFF;
	_ =	strace $0x9FFFFFFF  }
0xc3: {  	(tm) =	ssettm $0x7FFFFFFF  }
tec
execute0_lowered:
.L_overlay_start_1:
0x0: {  	(tag) =	ssettag $0x1  }
0x1: {  	s8 =	rddreg [dreg:$0x0]  }
0x2: {  	s9 =	rddreg [dreg:$0x1]  }
0x3: {  	s0 =	stileid.u32;
	s2 =	rddreg [dreg:$0x2]  }
0x4: {  	s1 =	rddreg [dreg:$0x3];
	s3 =	simm.s32 $0x0;
	s5 =	srdreg.scid  }
0x5: {  	s16 =	simm.s32 $0x80;
	s17 =	simm.s32 $0xA200;
	s18 =	simm.s32 $0xC200  }
0x6: {  	s19 =	simm.s32 $0x100;
	s20 =	simm.s32 $0xE200;
	s21 =	simm.s32 $0x180  }
0x7: {  	s22 =	simm.s32 $0x10200;
	s23 =	simm.s32 $0x1;
	s24 =	simm.s32 $0x2  }
0x8: {  	s25 =	simm.s32 $0x3;
	s26 =	simm.s32 $0x4;
	s28 =	simm.s32 $0x0  }
0x9: {  	s4 =	smul.u32 $0x5000, s0;
	[smem:$0x7FF] =	sst s3;
	s31 =	sand.u32 $0x1, s5  }
0xa: {  	s14 =	sshll.u32 s0, $0x6;
	s10 =	smul.u32 $0xA000, s0;
	_ =	strace $0x8000004A  }
0xb: {  	s5 =	ssub.s32 $0x2, s31;
	s7 =	sadd.s32 s14, s8;
	s12 =	smul.u32 $0xA0000, s31  }
0xc: {  	s14 =	sor.u32 $0x1C05, s14;
	s4 =	sshrl.u32 s4, $0x3;
	s11 =	sshrl.u32 s5, $0x1  }
0xd: {  	s7 =	sadd.s32 $0x16C00, s7;
	s15 =	sadd.s32 s10, s2;
	s6 =	sadd.s32 s4, s8  }
0xe: {  	s4 =	sadd.s32 $0x17000, s8;
	s11 =	ssub.s32 s5, s11;
	s13 =	sshrl.u32 s12, $0x3  }
0xf: {  	s12 =	sadd.s32 s10, s12;
	s15 =	sshrl.u32 s15, $0x3;
	s5 =	sadd.s32 $0x2800, s6  }
0x10: {  	s6 =	sadd.s32 $0xC800, s6;
	s8 =	sadd.s32 s8, s13;
	s12 =	sshrl.u32 s12, $0x3  }
0x11: {  	s10 =	smax.u32 s11, $0x1;
	s11 =	simm.s32 $0x5200;
	s13 =	simm.s32 $0x5000  }
0x12: {  	s8 =	sadd.s32 $0x68400, s8;
	s9 =	sadd.s32 s9, s12;
	s12 =	simm.s32 $0x5  }
.LBB2_1:
0x13: {  	[tilespmem:s11], [sflag:$0x5] =	stream.linear.gather [hbm4b:s5+s3], $0x5000, $0x38;
	[tilespmem:$0x1C200] =	vst v63  }
0x14: {  	_ =	swait.ge [sflag:s12], $0x5000  }
0x15: {  	[sflag:s12] =	ssyncset.done $0x0  }
0x16: {  	[sflag:s12] =	ssyncadd.s32 $0xFFFFB000  }
0x17: {  	[tilespmem:s3], [sflag:$0x5] =	stream.linear.gather [hbm4b:s6+s3], $0x5000, $0x38;
	[tilespmem:$0x1C200] =	vst v63  }
0x18: {  	_ =	swait.ge [sflag:s12], $0x5000  }
0x19: {  	[sflag:s12] =	ssyncset.done $0x0  }
0x1a: {  	[sflag:s12] =	ssyncadd.s32 $0xFFFFB000  }
0x1b: {  	[tilespmem:s13], [sflag:$0x5] =	stream.linear.gather [hbm4b:s7+s3], $0x200, $0x38;
	[tilespmem:$0x1C200] =	vst v63  }
0x1c: {  	_ =	swait.ge [sflag:s12], $0x200  }
0x1d: {  	[sflag:s12] =	ssyncset.done $0x0  }
0x1e: {  	[sflag:s12] =	ssyncadd.s32 $0xFFFFFE00  }
0x1f: {  	[spmem:s15], [sflag:s14] =	dma.local [hbm:s4], $0x1400  }
0x20: {  	_ =	swait.ge [sflag:s12], $0x1400  }
0x21: {  	[sflag:s12] =	ssyncset.done $0x0  }
0x22: {  	[sflag:s12] =	ssyncadd.s32 $0xFFFFEC00  }
0x23: {  	[bflag:$0x0] =	sbarrier.arrive $0xFFFF  }
0x24: {  	[tilespmem:s17], [sflag:$0x1] =	stream.indirect.gather [hbm4b:s8+s16], $0x40, s3, s16, $0xb8;
	[tilespmem:$0x1C200] =	vst v63  }
0x25: {  	_ = 	snop  }
0x26: {  	[tilespmem:s18], [sflag:$0x2] =	stream.indirect.gather [hbm4b:s8+s16], $0x40, s16, s16, $0xb8;
	[tilespmem:$0x1C200] =	vst v63  }
0x27: {  	_ = 	snop  }
0x28: {  	[tilespmem:s20], [sflag:$0x3] =	stream.indirect.gather [hbm4b:s8+s16], $0x40, s19, s16, $0xb8;
	[tilespmem:$0x1C200] =	vst v63  }
0x29: {  	_ = 	snop  }
0x2a: {  	[tilespmem:s22], [sflag:$0x4] =	stream.indirect.gather [hbm4b:s8+s16], $0x40, s21, s16, $0xb8;
	[tilespmem:$0x1C200] =	vst v63  }
0x2b: {  	_ =	swait.ge [sflag:s23], $0x2000  }
0x2c: {  	[sflag:s23] =	ssyncset.done $0x0  }
0x2d: {  	s29 =	simm.s32 $0x5200;
	[sflag:s23] =	ssyncadd.s32 $0xFFFFE000  }
0x2e: {  	[spmem:s2] =	stream.indirect.scatter.add.f32 [tilespmem:s17], [sflag:$0x5], $0x40, s29, s16, $0xb8;
	[tilespmem:$0x1C200] =	vst v63  }
0x2f: {  	_ =	swait.ge [sflag:s12], $0x2000  }
0x30: {  	[sflag:s12] =	ssyncset.done $0x0  }
0x31: {  	s29 =	simm.s32 $0x200;
	[sflag:s12] =	ssyncadd.s32 $0xFFFFE000  }
0x32: {  	[tilespmem:s17], [sflag:$0x1] =	stream.indirect.gather [hbm4b:s8+s16], $0x40, s29, s16, $0xb8;
	[tilespmem:$0x1C200] =	vst v63  }
0x33: {  	_ =	swait.ge [sflag:s24], $0x2000  }
0x34: {  	[sflag:s24] =	ssyncset.done $0x0  }
0x35: {  	s29 =	simm.s32 $0x5280;
	[sflag:s24] =	ssyncadd.s32 $0xFFFFE000  }
0x36: {  	[spmem:s2] =	stream.indirect.scatter.add.f32 [tilespmem:s18], [sflag:$0x5], $0x40, s29, s16, $0xb8;
	[tilespmem:$0x1C200] =	vst v63  }
0x37: {  	_ =	swait.ge [sflag:s12], $0x2000  }
0x38: {  	[sflag:s12] =	ssyncset.done $0x0  }
0x39: {  	s29 =	simm.s32 $0x280;
	[sflag:s12] =	ssyncadd.s32 $0xFFFFE000  }
0x3a: {  	[tilespmem:s18], [sflag:$0x2] =	stream.indirect.gather [hbm4b:s8+s16], $0x40, s29, s16, $0xb8;
	[tilespmem:$0x1C200] =	vst v63  }
0x3b: {  	_ =	swait.ge [sflag:s25], $0x2000  }
0x3c: {  	[sflag:s25] =	ssyncset.done $0x0  }
0x3d: {  	s29 =	simm.s32 $0x5300;
	[sflag:s25] =	ssyncadd.s32 $0xFFFFE000  }
0x3e: {  	[spmem:s2] =	stream.indirect.scatter.add.f32 [tilespmem:s20], [sflag:$0x5], $0x40, s29, s16, $0xb8;
	[tilespmem:$0x1C200] =	vst v63  }
0x3f: {  	_ =	swait.ge [sflag:s12], $0x2000  }
0x40: {  	[sflag:s12] =	ssyncset.done $0x0  }
0x41: {  	s29 =	simm.s32 $0x300;
	[sflag:s12] =	ssyncadd.s32 $0xFFFFE000  }
0x42: {  	[tilespmem:s20], [sflag:$0x3] =	stream.indirect.gather [hbm4b:s8+s16], $0x40, s29, s16, $0xb8;
	[tilespmem:$0x1C200] =	vst v63  }
0x43: {  	_ =	swait.ge [sflag:s26], $0x2000  }
0x44: {  	[sflag:s26] =	ssyncset.done $0x0  }
0x45: {  	s29 =	simm.s32 $0x5380;
	[sflag:s26] =	ssyncadd.s32 $0xFFFFE000  }
0x46: {  	[spmem:s2] =	stream.indirect.scatter.add.f32 [tilespmem:s22], [sflag:$0x5], $0x40, s29, s16, $0xb8;
	[tilespmem:$0x1C200] =	vst v63  }
0x47: {  	_ =	swait.ge [sflag:s12], $0x2000  }
0x48: {  	[sflag:s12] =	ssyncset.done $0x0  }
0x49: {  	s30 =	simm.s32 $0x380;
	s29 =	simm.s32 $0x800;
	[sflag:s12] =	ssyncadd.s32 $0xFFFFE000  }
.LBB2_2:
0x4a: {  	[tilespmem:s22], [sflag:$0x4] =	stream.indirect.gather [hbm4b:s8+s16], $0x40, s30, s16, $0xb8;
	[tilespmem:$0x1C200] =	vst v63  }
0x4b: {  	s30 =	smov.u32 s29  }
0x4c: {  	p0 =	sne.s32 s29, $0x13800;
	s29 =	sadd.s32 $0x800, s29;
	_ =	swait.ge [sflag:s23], $0x2000  }
0x4d: {  	s30 =	sshra.s32 s30, $0x2;
	[sflag:s23] =	ssyncset.done $0x0  }
0x4e: {  	s31 =	sadd.s32 $0x5200, s30;
	[sflag:s23] =	ssyncadd.s32 $0xFFFFE000  }
0x4f: {  	[spmem:s2] =	stream.indirect.scatter.add.f32 [tilespmem:s17], [sflag:$0x5], $0x40, s31, s16, $0xb8;
	[tilespmem:$0x1C200] =	vst v63  }
0x50: {  	_ =	swait.ge [sflag:s12], $0x2000  }
0x51: {  	[sflag:s12] =	ssyncset.done $0x0  }
0x52: {  	s31 =	sadd.s32 $0x200, s30;
	[sflag:s12] =	ssyncadd.s32 $0xFFFFE000  }
0x53: {  	[tilespmem:s17], [sflag:$0x1] =	stream.indirect.gather [hbm4b:s8+s16], $0x40, s31, s16, $0xb8;
	[tilespmem:$0x1C200] =	vst v63  }
0x54: {  	_ =	swait.ge [sflag:s24], $0x2000  }
0x55: {  	[sflag:s24] =	ssyncset.done $0x0  }
0x56: {  	s31 =	sadd.s32 $0x5280, s30;
	[sflag:s24] =	ssyncadd.s32 $0xFFFFE000  }
0x57: {  	[spmem:s2] =	stream.indirect.scatter.add.f32 [tilespmem:s18], [sflag:$0x5], $0x40, s31, s16, $0xb8;
	[tilespmem:$0x1C200] =	vst v63  }
0x58: {  	_ =	swait.ge [sflag:s12], $0x2000  }
0x59: {  	[sflag:s12] =	ssyncset.done $0x0  }
0x5a: {  	s31 =	sadd.s32 $0x280, s30;
	[sflag:s12] =	ssyncadd.s32 $0xFFFFE000  }
0x5b: {  	[tilespmem:s18], [sflag:$0x2] =	stream.indirect.gather [hbm4b:s8+s16], $0x40, s31, s16, $0xb8;
	[tilespmem:$0x1C200] =	vst v63  }
0x5c: {  	_ =	swait.ge [sflag:s25], $0x2000  }
0x5d: {  	[sflag:s25] =	ssyncset.done $0x0  }
0x5e: {  	s31 =	sadd.s32 $0x5300, s30;
	[sflag:s25] =	ssyncadd.s32 $0xFFFFE000  }
0x5f: {  	[spmem:s2] =	stream.indirect.scatter.add.f32 [tilespmem:s20], [sflag:$0x5], $0x40, s31, s16, $0xb8;
	[tilespmem:$0x1C200] =	vst v63  }
0x60: {  	_ =	swait.ge [sflag:s12], $0x2000  }
0x61: {  	[sflag:s12] =	ssyncset.done $0x0  }
0x62: {  	s31 =	sadd.s32 $0x300, s30;
	[sflag:s12] =	ssyncadd.s32 $0xFFFFE000  }
0x63: {  	[tilespmem:s20], [sflag:$0x3] =	stream.indirect.gather [hbm4b:s8+s16], $0x40, s31, s16, $0xb8;
	[tilespmem:$0x1C200] =	vst v63  }
0x64: {  	_ =	swait.ge [sflag:s26], $0x2000  }
0x65: {  	[sflag:s26] =	ssyncset.done $0x0  }
.Ltmp0:
0x66: {  	s31 =	sadd.s32 $0x5380, s30;
	[sflag:s26] =	ssyncadd.s32 $0xFFFFE000;
	(pc) =	sbr.rel @p0 .LBB2_2-.Ltmp0, $4  }
0x67: {  	[spmem:s2] =	stream.indirect.scatter.add.f32 [tilespmem:s22], [sflag:$0x5], $0x40, s31, s16, $0xb8;
	[tilespmem:$0x1C200] =	vst v63  }
0x68: {  	_ =	swait.ge [sflag:s12], $0x2000  }
0x69: {  	[sflag:s12] =	ssyncset.done $0x0  }
0x6a: {  	s30 =	sadd.s32 $0x380, s30;
	[sflag:s12] =	ssyncadd.s32 $0xFFFFE000  }
0x6b: {  	[tilespmem:s22], [sflag:$0x4] =	stream.indirect.gather [hbm4b:s8+s16], $0x40, s30, s16, $0xb8;
	[tilespmem:$0x1C200] =	vst v63  }
0x6c: {  	_ =	swait.ge [sflag:s23], $0x2000  }
0x6d: {  	[sflag:s23] =	ssyncset.done $0x0  }
0x6e: {  	[sflag:s23] =	ssyncadd.s32 $0xFFFFE000  }
0x6f: {  	_ =	swait.ge [sflag:s24], $0x2000  }
0x70: {  	[sflag:s24] =	ssyncset.done $0x0  }
0x71: {  	[sflag:s24] =	ssyncadd.s32 $0xFFFFE000  }
0x72: {  	_ =	swait.ge [sflag:s25], $0x2000  }
0x73: {  	[sflag:s25] =	ssyncset.done $0x0  }
0x74: {  	[sflag:s25] =	ssyncadd.s32 $0xFFFFE000  }
0x75: {  	_ =	swait.ge [sflag:s26], $0x2000  }
0x76: {  	s28 =	sadd.s32 $0x1, s28;
	[sflag:s26] =	ssyncset.done $0x0  }
0x77: {  	p0 =	sne.s32 s28, s10;
	[sflag:s26] =	ssyncadd.s32 $0xFFFFE000  }
.Ltmp1:
0x78: {  	[bflag:$0x0] =	sbarrier.arrive $0xFFFF;
	(pc) =	sbr.rel @p0 .LBB2_1-.Ltmp1, $4  }
0x79: {  	[hbm:s9], [sflag:s14] =	dma.local [spmem:s15], $0x1400  }
0x7a: {  	_ =	swait.ge [sflag:s12], $0x1400  }
0x7b: {  	[sflag:s12] =	ssyncset.done $0x0  }
0x7c: {  	[sflag:s12] =	ssyncadd.s32 $0xFFFFEC00  }
0x7d: {  	_ =	sfence.sel $0x180000  }
0x7e: {  	[bflag:$0x0] =	sbarrier.arrive $0xFFFF  }
0x7f: {  	p0 =	sne.s32 s0, $0x0;
	_ =	strace $0x9000004A  }
0x80: {  	s0 =	sadd.s32 @!p0 $0x100000, s1;
	[bflag:$0x2] =	sbarrier.arrive $0xFFFF  }
0x81: {  	[sflag:s0] =	ssyncadd.tile.s32 @!p0 $0x1;
	_ =	shalt  }
.Lfunc_end2:
_tile_overlayer_lowered:
.L_overlay_start_2:
0x82: {  	(tag) =	ssettag $0x2  }
0x83: {  	s0 =	rddreg [dreg:$0x0];
	s2 =	stileid.u32  }
0x84: {  	s1 =	rddreg [dreg:$0x1];
	p0 =	sne.s32 s2, $0x0  }
0x85: {  	s3 =	rddreg [dreg:$0x2];
	[bflag:$0x3] =	sbarrier.arrive $0xFFFF;
	s2 =	simm.s32 @!p0 $0x1C05  }
0x86: {  	[timem:s3], [sflag:s2] =	dma.local @!p0 [hbm:s0], s1  }
0x87: {  	s0 =	simm.s32 @!p0 $0x5  }
0x88: {  	_ =	swait.ge @!p0 [sflag:s0], s1  }
0x89: {  	s1 =	ssub.s32 @!p0 $0x0, s1;
	[sflag:s0] =	ssyncset.done @!p0 $0x0  }
0x8a: {  	[sflag:s0] =	ssyncadd.s32 @!p0 s1  }
0x8b: {  	[bflag:$0x3] =	sbarrier.arrive $0xFFFF  }
0x8c: {  	_ =	shalt  }

</sc_bundles>
